<compile_context>
chip_gen: v7x
topology: tpu7x:2x2x1
jax: 0.10.2.dev20260603
libtpu: 0.0.44.dev20260713+nightly
codegen_flags: <defaults>
</compile_context>

<pallas_src>
import functools

import jax
import jax.numpy as jnp
from jax import lax
from jax.experimental import pallas as pl
from jax.experimental.pallas import tpu as pltpu
from jax.experimental.pallas import tpu_sc as plsc


def _sc_dual_gather(tbl_a, tbl_b, idx_flat, chunk):
    n = idx_flat.shape[0]
    da = tbl_a.shape[1]
    db = tbl_b.shape[1]
    info = plsc.get_sparse_core_info()
    nc, ns = info.num_cores, info.num_subcores
    nw = nc * ns
    tpw = n // nw
    nch = tpw // chunk
    mesh = plsc.VectorSubcoreMesh(core_axis_name="c", subcore_axis_name="s")

    @functools.partial(
        pl.kernel,
        mesh=mesh,
        out_type=[jax.ShapeDtypeStruct((n, da), tbl_a.dtype),
                  jax.ShapeDtypeStruct((n, db), tbl_b.dtype)],
        scratch_types=[
            pltpu.VMEM((chunk,), jnp.int32),
            pltpu.VMEM((chunk,), jnp.int32),
            pltpu.VMEM((chunk, da), jnp.float32),
            pltpu.VMEM((chunk, da), jnp.float32),
            pltpu.VMEM((chunk, db), jnp.float32),
            pltpu.VMEM((chunk, db), jnp.float32),
            pltpu.SemaphoreType.DMA,
            pltpu.SemaphoreType.DMA,
        ],
    )
    def gather_kernel(idx_hbm, ta_hbm, tb_hbm, oa_hbm, ob_hbm,
                      i0, i1, ba0, ba1, bb0, bb1, s0, s1):
        wid = lax.axis_index("s") * nc + lax.axis_index("c")
        base = pl.multiple_of(wid * tpw, chunk)
        idxs, sems = (i0, i1), (s0, s1)
        for tbl_hbm, out_hbm, bufs in ((ta_hbm, oa_hbm, (ba0, ba1)),
                                       (tb_hbm, ob_hbm, (bb0, bb1))):
            pltpu.sync_copy(idx_hbm.at[pl.ds(base, chunk)], i0)
            copies = {0: pltpu.make_async_copy(tbl_hbm.at[i0], bufs[0], s0)}
            copies[0].start()
            for c in range(nch):
                cur = c & 1
                if c + 1 < nch:
                    nxt = 1 - cur
                    pltpu.sync_copy(
                        idx_hbm.at[pl.ds(base + (c + 1) * chunk, chunk)],
                        idxs[nxt])
                    copies[c + 1] = pltpu.make_async_copy(
                        tbl_hbm.at[idxs[nxt]], bufs[nxt], sems[nxt])
                    copies[c + 1].start()
                copies[c].wait()
                pltpu.sync_copy(bufs[cur],
                                out_hbm.at[pl.ds(base + c * chunk, chunk)])

    return gather_kernel(idx_flat, tbl_a, tbl_b)


def _pack_halves(x):
    m = x.shape[1] // 2
    lo = lax.bitcast_convert_type(x[:, :m].astype(jnp.bfloat16), jnp.uint16)
    hi = lax.bitcast_convert_type(x[:, m:].astype(jnp.bfloat16), jnp.uint16)
    pk = lo.astype(jnp.uint32) | (hi.astype(jnp.uint32) << 16)
    return lax.bitcast_convert_type(pk, jnp.float32)


def _glyph_proj_body(ge_a_ref, ge_b_ref, gw_ref, t_ref):
    f32 = jnp.float32
    ta = jnp.dot(ge_a_ref[...].astype(jnp.bfloat16), gw_ref[...],
                 preferred_element_type=f32)
    tb = jnp.dot(ge_b_ref[...].astype(jnp.bfloat16), gw_ref[...],
                 preferred_element_type=f32)
    t_ref[...] = _pack_halves(jnp.concatenate([ta, tb], axis=0))


def _glyph_proj(glyph_emb, gw_b):
    v, gd = glyph_emb.shape
    h = gw_b.shape[1]
    blk = 512
    return pl.pallas_call(
        _glyph_proj_body,
        grid=(pl.cdiv(v, 2 * blk),),
        in_specs=[pl.BlockSpec((blk, gd), lambda i: (2 * i, 0)),
                  pl.BlockSpec((blk, gd), lambda i: (2 * i + 1, 0)),
                  pl.BlockSpec((gd, h), lambda i: (0, 0))],
        out_specs=pl.BlockSpec((2 * blk, h // 2), lambda i: (i, 0)),
        out_shape=jax.ShapeDtypeStruct((v, h // 2), jnp.float32),
    )(glyph_emb, glyph_emb, gw_b)


def _tc_body(pin_ref, wr_ref, gr_ref, pos_ref, par_ref, pyemb_ref, cw_ref,
             osen_ref, opy_ref, ogl_ref):
    f32 = jnp.float32
    t = wr_ref.shape[0]
    h = pos_ref.shape[1]
    other = pos_ref[...] + par_ref[0, :][None, :]

    inv_h = 1.0 / h

    def ln(x, gi, bi):
        mu = jnp.sum(x, axis=-1, keepdims=True) * inv_h
        var = jnp.sum(x * x, axis=-1, keepdims=True) * inv_h - mu * mu
        return ((x - mu) * lax.rsqrt(var + 1e-3) * par_ref[gi, :][None, :]
                + par_ref[bi, :][None, :])

    def unpack(ref):
        u = lax.bitcast_convert_type(ref[...], jnp.uint32)
        lo = lax.bitcast_convert_type(
            (u & 0xFFFF).astype(jnp.uint16), jnp.bfloat16)
        hi = lax.bitcast_convert_type(
            (u >> 16).astype(jnp.uint16), jnp.bfloat16)
        return jnp.concatenate([lo, hi], axis=1).astype(f32)

    osen_ref[...] = ln(wr_ref[...] + other, 3, 4)
    ogl_ref[...] = ln(unpack(gr_ref) + par_ref[2, :][None, :] + other, 7, 8)
    a = jnp.dot(pyemb_ref[...], cw_ref[0], preferred_element_type=f32)
    b = jnp.dot(pyemb_ref[...], cw_ref[1], preferred_element_type=f32)
    cab = jnp.concatenate([a, b], axis=0).astype(jnp.bfloat16)
    ids = pin_ref[...]
    a_ids = ids[:7, :]
    b_ids = ids[1:, :]
    io = lax.broadcasted_iota(jnp.int32, (7, t, 64), 2)
    oh = ((io == a_ids[:, :, None])
          | (io == (b_ids[:, :, None] + 32))).astype(jnp.bfloat16)
    conv = jnp.dot(oh.reshape(7 * t, 64), cab,
                   preferred_element_type=f32).reshape(7, t, h)
    m = jnp.max(conv, axis=0) + par_ref[1, :][None, :]
    opy_ref[...] = ln(m + other, 5, 6)


def _tc_fused(pin_t, wrows, grows, pos_emb, params, pinyin_emb, conv_w):
    n = pin_t.shape[1]
    h = pos_emb.shape[1]
    s = pos_emb.shape[0]
    t = 512
    nblk = n // t
    pos_blocks = s // t
    return pl.pallas_call(
        _tc_body,
        grid=(nblk,),
        in_specs=[
            pl.BlockSpec((8, t), lambda i: (0, i)),
            pl.BlockSpec((t, h), lambda i: (i, 0)),
            pl.BlockSpec((t, h // 2), lambda i: (i, 0)),
            pl.BlockSpec((t, h), lambda i: (i % pos_blocks, 0)),
            pl.BlockSpec(params.shape, lambda i: (0, 0)),
            pl.BlockSpec(pinyin_emb.shape, lambda i: (0, 0)),
            pl.BlockSpec(conv_w.shape, lambda i: (0, 0, 0)),
        ],
        out_specs=[
            pl.BlockSpec((t, h), lambda i: (i, 0)),
            pl.BlockSpec((t, h), lambda i: (i, 0)),
            pl.BlockSpec((t, h), lambda i: (i, 0)),
        ],
        out_shape=[jax.ShapeDtypeStruct((n, h), jnp.float32)] * 3,
    )(pin_t, wrows, grows, pos_emb, params, pinyin_emb, conv_w)


def _alias_passthrough(x):
    return pl.pallas_call(
        lambda x_ref, o_ref: None,
        in_specs=[pl.BlockSpec(memory_space=pl.ANY)],
        out_specs=pl.BlockSpec(memory_space=pl.ANY),
        out_shape=jax.ShapeDtypeStruct(x.shape, x.dtype),
        input_output_aliases={0: 0},
    )(x)


def kernel(sen, pinyin, seqlen, rate, word_emb, token_emb, pos_emb,
           pinyin_emb, conv_w, conv_b, glyph_emb, glyph_w, glyph_b,
           g_sen, b_sen, g_py, b_py, g_gl, b_gl):
    bsz, s = sen.shape
    n = bsz * s
    h = word_emb.shape[1]
    sen_flat = sen.reshape(n).astype(jnp.int32)
    pin_t = pinyin.reshape(n, pinyin.shape[2]).T.astype(jnp.int32)

    gw_b = glyph_w.astype(jnp.bfloat16)
    glyph_t = _glyph_proj(glyph_emb, gw_b)

    wrows, grows = _sc_dual_gather(word_emb, glyph_t, sen_flat, 32)

    params = jnp.stack([token_emb[0], conv_b, glyph_b,
                        g_sen, b_sen, g_py, b_py, g_gl, b_gl])

    out_sen, out_py, out_gl = _tc_fused(
        pin_t, wrows, grows, pos_emb, params, pinyin_emb, conv_w)
    return (out_sen.reshape(bsz, s, h), out_py.reshape(bsz, s, h),
            out_gl.reshape(bsz, s, h), word_emb)

# --- scband reference (transcript-rebuilt; emitter-appended) ---
"""Pipeline reference for scband-embeddings-55319178772568 (READ-ONLY COPY).

The authoritative reference and input builder live on the scoring server;
editing this copy changes nothing except your own understanding.
"""

import jax, jax.numpy as jnp
import numpy as np

V = 21128
H = 768
P_LOCS = 8
P_EMB = 128
P_SIZE = 32
MAXW = 512
GLYPH = 24 * 24 * 3
B = 32
S = 512


def _layernorm(x, g, b):
    mu = jnp.mean(x, axis=-1, keepdims=True)
    var = jnp.var(x, axis=-1, keepdims=True)
    return (x - mu) * jax.lax.rsqrt(var + 1e-3) * g + b


def setup_inputs(seed: int = 0):
    key = jax.random.key(seed)
    ks = jax.random.split(key, 10)
    sen = jax.random.randint(ks[0], (B, S), 0, V)
    pinyin = jax.random.randint(ks[1], (B, S, P_LOCS), 0, P_SIZE)
    word_emb = jax.random.normal(ks[2], (V, H), dtype=jnp.float32) * 0.02
    token_emb = jax.random.normal(ks[3], (2, H), dtype=jnp.float32) * 0.02
    pos_emb = jax.random.normal(ks[4], (MAXW, H), dtype=jnp.float32) * 0.02
    pinyin_emb = jax.random.normal(ks[5], (P_SIZE, P_EMB), dtype=jnp.float32) * 0.02
    conv_w = jax.random.normal(ks[6], (2, P_EMB, H), dtype=jnp.float32) * 0.02
    conv_b = jnp.zeros((H,), dtype=jnp.float32)
    glyph_emb = jax.random.normal(ks[7], (V, GLYPH), dtype=jnp.float32) * 0.02
    glyph_w = jax.random.normal(ks[8], (GLYPH, H), dtype=jnp.float32) * 0.02
    glyph_b = jnp.zeros((H,), dtype=jnp.float32)
    g_sen = jnp.ones((H,), dtype=jnp.float32)
    b_sen = jnp.zeros((H,), dtype=jnp.float32)
    g_py = jnp.ones((H,), dtype=jnp.float32)
    b_py = jnp.zeros((H,), dtype=jnp.float32)
    g_gl = jnp.ones((H,), dtype=jnp.float32)
    b_gl = jnp.zeros((H,), dtype=jnp.float32)
    return {"sen": sen, "pinyin": pinyin, "seqlen": S, "rate": jnp.float32(0.0),
            "word_emb": word_emb, "token_emb": token_emb, "pos_emb": pos_emb,
            "pinyin_emb": pinyin_emb, "conv_w": conv_w, "conv_b": conv_b,
            "glyph_emb": glyph_emb, "glyph_w": glyph_w, "glyph_b": glyph_b,
            "g_sen": g_sen, "b_sen": b_sen, "g_py": g_py, "b_py": b_py,
            "g_gl": g_gl, "b_gl": b_gl}


def reference(sen, pinyin, seqlen, rate, word_emb, token_emb, pos_emb,
              pinyin_emb, conv_w, conv_b, glyph_emb, glyph_w, glyph_b,
              g_sen, b_sen, g_py, b_py, g_gl, b_gl):
    static_seqlen = sen.shape[1]
    # word embedding gather
    sen_embed = jnp.take(word_emb, sen, axis=0)                      # [B, S, H]
    # pinyin embedding gather + Conv1D(kernel=2, valid) + MaxPool1D(pool=7)
    py = jnp.take(pinyin_emb, pinyin, axis=0)                        # [B, S, 8, 128]
    py = py.reshape(-1, P_LOCS, P_EMB)                               # [B*S, 8, 128]
    conv = (jnp.einsum('ntc,ch->nth', py[:, :-1, :], conv_w[0])
            + jnp.einsum('ntc,ch->nth', py[:, 1:, :], conv_w[1])
            + conv_b)                                                # [B*S, 7, H]
    py_embed = jnp.max(conv, axis=1).reshape(sen.shape[0], static_seqlen, H)
    # glyph embedding gather + dense map to hidden
    glyph_embed = jnp.take(glyph_emb, sen, axis=0) @ glyph_w + glyph_b
    # token type (all zeros) + position embeddings
    token_embed = jnp.take(token_emb, jnp.zeros_like(sen), axis=0)
    pos_embed = pos_emb[:static_seqlen]
    other_embed = token_embed + pos_embed + jnp.zeros((), dtype=pos_emb.dtype) * seqlen
    # LayerNormalizeAndDrop; dropout rate=0 -> identity (deterministic eval)
    out_sen = _layernorm(sen_embed + other_embed, g_sen, b_sen)
    out_py = _layernorm(py_embed + other_embed, g_py, b_py)
    out_gl = _layernorm(glyph_embed + other_embed, g_gl, b_gl)
    return (out_sen, out_py, out_gl, word_emb)

if __name__ == "__main__":
    import jax
    _d = setup_inputs()
    print(jax.jit(kernel)(*tuple(_d.values())))

</pallas_src>

<mosaic_0001>
#map = affine_map<(d0, d1) -> (0)>
#map1 = affine_map<(d0, d1) -> (0, 0)>
module attributes {stable_mosaic.version = 14 : i64} {
  func.func @gather_kernel(%arg0: i32, %arg1: i32, %arg2: memref<16384xi32, #tpu.memory_space<hbm>>, %arg3: memref<21128x768xf32, #tpu.memory_space<hbm>>, %arg4: memref<21128x384xf32, #tpu.memory_space<hbm>>, %arg5: memref<16384x768xf32, #tpu.memory_space<hbm>>, %arg6: memref<16384x384xf32, #tpu.memory_space<hbm>>, %arg7: memref<32xi32, #tpu.memory_space<vmem>>, %arg8: memref<32xi32, #tpu.memory_space<vmem>>, %arg9: memref<32x768xf32, #tpu.memory_space<vmem>>, %arg10: memref<32x768xf32, #tpu.memory_space<vmem>>, %arg11: memref<32x384xf32, #tpu.memory_space<vmem>>, %arg12: memref<32x384xf32, #tpu.memory_space<vmem>>, %arg13: memref<!tpu.dma_semaphore, #tpu.memory_space<semaphore_mem>>, %arg14: memref<!tpu.dma_semaphore, #tpu.memory_space<semaphore_mem>>) attributes {dimension_semantics = [#tpu.dimension_semantics<core_parallel>, #tpu.dimension_semantics<subcore_parallel>], iteration_bounds = array<i64: 2, 16>, scalar_prefetch = 0 : i64, scratch_operands = 8 : i64, tpu.core_type = #tpu.core_type<sc_vector_subcore>, window_params = [{transform_indices = #map}, {transform_indices = #map1}, {transform_indices = #map1}, {transform_indices = #map1}, {transform_indices = #map1}]} {
    %mul3A = arith.constant 2 : i32
    %mul3A_0 = arith.muli %arg1, %mul3A : i32
    %add3A = arith.addi %mul3A_0, %arg0 : i32
    %mul3A_1 = arith.constant 512 : i32
    %mul3A_2 = arith.muli %add3A, %mul3A_1 : i32
    %multiple_of3A = tpu.assume_multiple %mul3A_2, 32 : i32
    "tpu.region"() ({
      %run_scoped3A = tpu.sem_alloc : memref<!tpu.dma_semaphore, #tpu.memory_space<semaphore_mem>>
      %dma_start3A_317 = tpu.memref_slice %arg2[%multiple_of3A] : memref<16384xi32, #tpu.memory_space<hbm>> -> memref<32xi32, #tpu.memory_space<hbm>>
      %dma_start3A_318 = tpu.memref_slice %arg2[%multiple_of3A] : memref<16384xi32, #tpu.memory_space<hbm>> -> memref<32xi32, #tpu.memory_space<hbm>>
      tpu.enqueue_dma source(%dma_start3A_318 : memref<32xi32, #tpu.memory_space<hbm>>) target(%arg7 : memref<32xi32, #tpu.memory_space<vmem>>) target_semaphore(%run_scoped3A : memref<!tpu.dma_semaphore, #tpu.memory_space<semaphore_mem>>)
      %dma_wait3A_319 = tpu.memref_slice %arg2[%multiple_of3A] : memref<16384xi32, #tpu.memory_space<hbm>> -> memref<32xi32, #tpu.memory_space<hbm>>
      %dma_wait3A_320 = tpu.memref_slice %arg2[%multiple_of3A] : memref<16384xi32, #tpu.memory_space<hbm>> -> memref<32xi32, #tpu.memory_space<hbm>>
      tpu.wait_dma2 semaphore(%run_scoped3A : memref<!tpu.dma_semaphore, #tpu.memory_space<semaphore_mem>>) src(%dma_wait3A_320 : memref<32xi32, #tpu.memory_space<hbm>>) dst(%arg7 : memref<32xi32, #tpu.memory_space<vmem>>)
      tpu.yield
    }) : () -> ()
    %dma_start3A = arith.constant 0 : i32
    %dma_start3A_3 = arith.constant 0 : i32
    %dma_start3A_4 = tpu.memref_slice %arg3[%dma_start3A, %dma_start3A_3] : memref<21128x768xf32, #tpu.memory_space<hbm>> -> memref<21128x768xf32, #tpu.memory_space<hbm>>
    tpu.enqueue_indirect_dma source(%dma_start3A_4 : memref<21128x768xf32, #tpu.memory_space<hbm>>) target(%arg9 : memref<32x768xf32, #tpu.memory_space<vmem>>) offsets(%arg7 : memref<32xi32, #tpu.memory_space<vmem>>) semaphore(%arg13 : memref<!tpu.dma_semaphore, #tpu.memory_space<semaphore_mem>>)
    %add3A_5 = arith.constant 32 : i32
    %add3A_6 = arith.addi %multiple_of3A, %add3A_5 : i32
    "tpu.region"() ({
      %run_scoped3A = tpu.sem_alloc : memref<!tpu.dma_semaphore, #tpu.memory_space<semaphore_mem>>
      %dma_start3A_317 = tpu.memref_slice %arg2[%add3A_6] : memref<16384xi32, #tpu.memory_space<hbm>> -> memref<32xi32, #tpu.memory_space<hbm>>
      %dma_start3A_318 = tpu.memref_slice %arg2[%add3A_6] : memref<16384xi32, #tpu.memory_space<hbm>> -> memref<32xi32, #tpu.memory_space<hbm>>
      tpu.enqueue_dma source(%dma_start3A_318 : memref<32xi32, #tpu.memory_space<hbm>>) target(%arg8 : memref<32xi32, #tpu.memory_space<vmem>>) target_semaphore(%run_scoped3A : memref<!tpu.dma_semaphore, #tpu.memory_space<semaphore_mem>>)
      %dma_wait3A_319 = tpu.memref_slice %arg2[%add3A_6] : memref<16384xi32, #tpu.memory_space<hbm>> -> memref<32xi32, #tpu.memory_space<hbm>>
      %dma_wait3A_320 = tpu.memref_slice %arg2[%add3A_6] : memref<16384xi32, #tpu.memory_space<hbm>> -> memref<32xi32, #tpu.memory_space<hbm>>
      tpu.wait_dma2 semaphore(%run_scoped3A : memref<!tpu.dma_semaphore, #tpu.memory_space<semaphore_mem>>) src(%dma_wait3A_320 : memref<32xi32, #tpu.memory_space<hbm>>) dst(%arg8 : memref<32xi32, #tpu.memory_space<vmem>>)
      tpu.yield
    }) : () -> ()
    %dma_start3A_7 = arith.constant 0 : i32
    %dma_start3A_8 = arith.constant 0 : i32
    %dma_start3A_9 = tpu.memref_slice %arg3[%dma_start3A_7, %dma_start3A_8] : memref<21128x768xf32, #tpu.memory_space<hbm>> -> memref<21128x768xf32, #tpu.memory_space<hbm>>
    tpu.enqueue_indirect_dma source(%dma_start3A_9 : memref<21128x768xf32, #tpu.memory_space<hbm>>) target(%arg10 : memref<32x768xf32, #tpu.memory_space<vmem>>) offsets(%arg8 : memref<32xi32, #tpu.memory_space<vmem>>) semaphore(%arg14 : memref<!tpu.dma_semaphore, #tpu.memory_space<semaphore_mem>>)
    %dma_wait3A = arith.constant 0 : i32
    %dma_wait3A_10 = arith.constant 0 : i32
    %dma_wait3A_11 = tpu.memref_slice %arg3[%dma_wait3A, %dma_wait3A_10] : memref<21128x768xf32, #tpu.memory_space<hbm>> -> memref<21128x768xf32, #tpu.memory_space<hbm>>
    tpu.wait_indirect_dma semaphore(%arg13 : memref<!tpu.dma_semaphore, #tpu.memory_space<semaphore_mem>>) src(%dma_wait3A_11 : memref<21128x768xf32, #tpu.memory_space<hbm>>) dst(%arg9 : memref<32x768xf32, #tpu.memory_space<vmem>>)
    %add3A_12 = arith.constant 0 : i32
    %add3A_13 = arith.addi %multiple_of3A, %add3A_12 : i32
    "tpu.region"() ({
      %run_scoped3A = tpu.sem_alloc : memref<!tpu.dma_semaphore, #tpu.memory_space<semaphore_mem>>
      %dma_start3A_317 = arith.constant 0 : i32
      %dma_start3A_318 = tpu.memref_slice %arg5[%add3A_13, %dma_start3A_317] : memref<16384x768xf32, #tpu.memory_space<hbm>> -> memref<32x768xf32, #tpu.memory_space<hbm>>
      %dma_start3A_319 = arith.constant 0 : i32
      %dma_start3A_320 = tpu.memref_slice %arg5[%add3A_13, %dma_start3A_319] : memref<16384x768xf32, #tpu.memory_space<hbm>> -> memref<32x768xf32, #tpu.memory_space<hbm>>
      tpu.enqueue_dma source(%arg9 : memref<32x768xf32, #tpu.memory_space<vmem>>) target(%dma_start3A_320 : memref<32x768xf32, #tpu.memory_space<hbm>>) target_semaphore(%run_scoped3A : memref<!tpu.dma_semaphore, #tpu.memory_space<semaphore_mem>>)
      %dma_wait3A_321 = arith.constant 0 : i32
      %dma_wait3A_322 = tpu.memref_slice %arg5[%add3A_13, %dma_wait3A_321] : memref<16384x768xf32, #tpu.memory_space<hbm>> -> memref<32x768xf32, #tpu.memory_space<hbm>>
      %dma_wait3A_323 = arith.constant 0 : i32
      %dma_wait3A_324 = tpu.memref_slice %arg5[%add3A_13, %dma_wait3A_323] : memref<16384x768xf32, #tpu.memory_space<hbm>> -> memref<32x768xf32, #tpu.memory_space<hbm>>
      tpu.wait_dma2 semaphore(%run_scoped3A : memref<!tpu.dma_semaphore, #tpu.memory_space<semaphore_mem>>) src(%arg9 : memref<32x768xf32, #tpu.memory_space<vmem>>) dst(%dma_wait3A_324 : memref<32x768xf32, #tpu.memory_space<hbm>>)
      tpu.yield
    }) : () -> ()
    %add3A_14 = arith.constant 64 : i32
    %add3A_15 = arith.addi %multiple_of3A, %add3A_14 : i32
    "tpu.region"() ({
      %run_scoped3A = tpu.sem_alloc : memref<!tpu.dma_semaphore, #tpu.memory_space<semaphore_mem>>
      %dma_start3A_317 = tpu.memref_slice %arg2[%add3A_15] : memref<16384xi32, #tpu.memory_space<hbm>> -> memref<32xi32, #tpu.memory_space<hbm>>
      %dma_start3A_318 = tpu.memref_slice %arg2[%add3A_15] : memref<16384xi32, #tpu.memory_space<hbm>> -> memref<32xi32, #tpu.memory_space<hbm>>
      tpu.enqueue_dma source(%dma_start3A_318 : memref<32xi32, #tpu.memory_space<hbm>>) target(%arg7 : memref<32xi32, #tpu.memory_space<vmem>>) target_semaphore(%run_scoped3A : memref<!tpu.dma_semaphore, #tpu.memory_space<semaphore_mem>>)
      %dma_wait3A_319 = tpu.memref_slice %arg2[%add3A_15] : memref<16384xi32, #tpu.memory_space<hbm>> -> memref<32xi32, #tpu.memory_space<hbm>>
      %dma_wait3A_320 = tpu.memref_slice %arg2[%add3A_15] : memref<16384xi32, #tpu.memory_space<hbm>> -> memref<32xi32, #tpu.memory_space<hbm>>
      tpu.wait_dma2 semaphore(%run_scoped3A : memref<!tpu.dma_semaphore, #tpu.memory_space<semaphore_mem>>) src(%dma_wait3A_320 : memref<32xi32, #tpu.memory_space<hbm>>) dst(%arg7 : memref<32xi32, #tpu.memory_space<vmem>>)
      tpu.yield
    }) : () -> ()
    %dma_start3A_16 = arith.constant 0 : i32
    %dma_start3A_17 = arith.constant 0 : i32
    %dma_start3A_18 = tpu.memref_slice %arg3[%dma_start3A_16, %dma_start3A_17] : memref<21128x768xf32, #tpu.memory_space<hbm>> -> memref<21128x768xf32, #tpu.memory_space<hbm>>
    tpu.enqueue_indirect_dma source(%dma_start3A_18 : memref<21128x768xf32, #tpu.memory_space<hbm>>) target(%arg9 : memref<32x768xf32, #tpu.memory_space<vmem>>) offsets(%arg7 : memref<32xi32, #tpu.memory_space<vmem>>) semaphore(%arg13 : memref<!tpu.dma_semaphore, #tpu.memory_space<semaphore_mem>>)
    %dma_wait3A_19 = arith.constant 0 : i32
    %dma_wait3A_20 = arith.constant 0 : i32
    %dma_wait3A_21 = tpu.memref_slice %arg3[%dma_wait3A_19, %dma_wait3A_20] : memref<21128x768xf32, #tpu.memory_space<hbm>> -> memref<21128x768xf32, #tpu.memory_space<hbm>>
    tpu.wait_indirect_dma semaphore(%arg14 : memref<!tpu.dma_semaphore, #tpu.memory_space<semaphore_mem>>) src(%dma_wait3A_21 : memref<21128x768xf32, #tpu.memory_space<hbm>>) dst(%arg10 : memref<32x768xf32, #tpu.memory_space<vmem>>)
    %add3A_22 = arith.constant 32 : i32
    %add3A_23 = arith.addi %multiple_of3A, %add3A_22 : i32
    "tpu.region"() ({
      %run_scoped3A = tpu.sem_alloc : memref<!tpu.dma_semaphore, #tpu.memory_space<semaphore_mem>>
      %dma_start3A_317 = arith.constant 0 : i32
      %dma_start3A_318 = tpu.memref_slice %arg5[%add3A_23, %dma_start3A_317] : memref<16384x768xf32, #tpu.memory_space<hbm>> -> memref<32x768xf32, #tpu.memory_space<hbm>>
      %dma_start3A_319 = arith.constant 0 : i32
      %dma_start3A_320 = tpu.memref_slice %arg5[%add3A_23, %dma_start3A_319] : memref<16384x768xf32, #tpu.memory_space<hbm>> -> memref<32x768xf32, #tpu.memory_space<hbm>>
      tpu.enqueue_dma source(%arg10 : memref<32x768xf32, #tpu.memory_space<vmem>>) target(%dma_start3A_320 : memref<32x768xf32, #tpu.memory_space<hbm>>) target_semaphore(%run_scoped3A : memref<!tpu.dma_semaphore, #tpu.memory_space<semaphore_mem>>)
      %dma_wait3A_321 = arith.constant 0 : i32
      %dma_wait3A_322 = tpu.memref_slice %arg5[%add3A_23, %dma_wait3A_321] : memref<16384x768xf32, #tpu.memory_space<hbm>> -> memref<32x768xf32, #tpu.memory_space<hbm>>
      %dma_wait3A_323 = arith.constant 0 : i32
      %dma_wait3A_324 = tpu.memref_slice %arg5[%add3A_23, %dma_wait3A_323] : memref<16384x768xf32, #tpu.memory_space<hbm>> -> memref<32x768xf32, #tpu.memory_space<hbm>>
      tpu.wait_dma2 semaphore(%run_scoped3A : memref<!tpu.dma_semaphore, #tpu.memory_space<semaphore_mem>>) src(%arg10 : memref<32x768xf32, #tpu.memory_space<vmem>>) dst(%dma_wait3A_324 : memref<32x768xf32, #tpu.memory_space<hbm>>)
      tpu.yield
    }) : () -> ()
    %add3A_24 = arith.constant 96 : i32
    %add3A_25 = arith.addi %multiple_of3A, %add3A_24 : i32
    "tpu.region"() ({
      %run_scoped3A = tpu.sem_alloc : memref<!tpu.dma_semaphore, #tpu.memory_space<semaphore_mem>>
      %dma_start3A_317 = tpu.memref_slice %arg2[%add3A_25] : memref<16384xi32, #tpu.memory_space<hbm>> -> memref<32xi32, #tpu.memory_space<hbm>>
      %dma_start3A_318 = tpu.memref_slice %arg2[%add3A_25] : memref<16384xi32, #tpu.memory_space<hbm>> -> memref<32xi32, #tpu.memory_space<hbm>>
      tpu.enqueue_dma source(%dma_start3A_318 : memref<32xi32, #tpu.memory_space<hbm>>) target(%arg8 : memref<32xi32, #tpu.memory_space<vmem>>) target_semaphore(%run_scoped3A : memref<!tpu.dma_semaphore, #tpu.memory_space<semaphore_mem>>)
      %dma_wait3A_319 = tpu.memref_slice %arg2[%add3A_25] : memref<16384xi32, #tpu.memory_space<hbm>> -> memref<32xi32, #tpu.memory_space<hbm>>
      %dma_wait3A_320 = tpu.memref_slice %arg2[%add3A_25] : memref<16384xi32, #tpu.memory_space<hbm>> -> memref<32xi32, #tpu.memory_space<hbm>>
      tpu.wait_dma2 semaphore(%run_scoped3A : memref<!tpu.dma_semaphore, #tpu.memory_space<semaphore_mem>>) src(%dma_wait3A_320 : memref<32xi32, #tpu.memory_space<hbm>>) dst(%arg8 : memref<32xi32, #tpu.memory_space<vmem>>)
      tpu.yield
    }) : () -> ()
    %dma_start3A_26 = arith.constant 0 : i32
    %dma_start3A_27 = arith.constant 0 : i32
    %dma_start3A_28 = tpu.memref_slice %arg3[%dma_start3A_26, %dma_start3A_27] : memref<21128x768xf32, #tpu.memory_space<hbm>> -> memref<21128x768xf32, #tpu.memory_space<hbm>>
    tpu.enqueue_indirect_dma source(%dma_start3A_28 : memref<21128x768xf32, #tpu.memory_space<hbm>>) target(%arg10 : memref<32x768xf32, #tpu.memory_space<vmem>>) offsets(%arg8 : memref<32xi32, #tpu.memory_space<vmem>>) semaphore(%arg14 : memref<!tpu.dma_semaphore, #tpu.memory_space<semaphore_mem>>)
    %dma_wait3A_29 = arith.constant 0 : i32
    %dma_wait3A_30 = arith.constant 0 : i32
    %dma_wait3A_31 = tpu.memref_slice %arg3[%dma_wait3A_29, %dma_wait3A_30] : memref<21128x768xf32, #tpu.memory_space<hbm>> -> memref<21128x768xf32, #tpu.memory_space<hbm>>
    tpu.wait_indirect_dma semaphore(%arg13 : memref<!tpu.dma_semaphore, #tpu.memory_space<semaphore_mem>>) src(%dma_wait3A_31 : memref<21128x768xf32, #tpu.memory_space<hbm>>) dst(%arg9 : memref<32x768xf32, #tpu.memory_space<vmem>>)
    %add3A_32 = arith.constant 64 : i32
    %add3A_33 = arith.addi %multiple_of3A, %add3A_32 : i32
    "tpu.region"() ({
      %run_scoped3A = tpu.sem_alloc : memref<!tpu.dma_semaphore, #tpu.memory_space<semaphore_mem>>
      %dma_start3A_317 = arith.constant 0 : i32
      %dma_start3A_318 = tpu.memref_slice %arg5[%add3A_33, %dma_start3A_317] : memref<16384x768xf32, #tpu.memory_space<hbm>> -> memref<32x768xf32, #tpu.memory_space<hbm>>
      %dma_start3A_319 = arith.constant 0 : i32
      %dma_start3A_320 = tpu.memref_slice %arg5[%add3A_33, %dma_start3A_319] : memref<16384x768xf32, #tpu.memory_space<hbm>> -> memref<32x768xf32, #tpu.memory_space<hbm>>
      tpu.enqueue_dma source(%arg9 : memref<32x768xf32, #tpu.memory_space<vmem>>) target(%dma_start3A_320 : memref<32x768xf32, #tpu.memory_space<hbm>>) target_semaphore(%run_scoped3A : memref<!tpu.dma_semaphore, #tpu.memory_space<semaphore_mem>>)
      %dma_wait3A_321 = arith.constant 0 : i32
      %dma_wait3A_322 = tpu.memref_slice %arg5[%add3A_33, %dma_wait3A_321] : memref<16384x768xf32, #tpu.memory_space<hbm>> -> memref<32x768xf32, #tpu.memory_space<hbm>>
      %dma_wait3A_323 = arith.constant 0 : i32
      %dma_wait3A_324 = tpu.memref_slice %arg5[%add3A_33, %dma_wait3A_323] : memref<16384x768xf32, #tpu.memory_space<hbm>> -> memref<32x768xf32, #tpu.memory_space<hbm>>
      tpu.wait_dma2 semaphore(%run_scoped3A : memref<!tpu.dma_semaphore, #tpu.memory_space<semaphore_mem>>) src(%arg9 : memref<32x768xf32, #tpu.memory_space<vmem>>) dst(%dma_wait3A_324 : memref<32x768xf32, #tpu.memory_space<hbm>>)
      tpu.yield
    }) : () -> ()
    %add3A_34 = arith.constant 128 : i32
    %add3A_35 = arith.addi %multiple_of3A, %add3A_34 : i32
    "tpu.region"() ({
      %run_scoped3A = tpu.sem_alloc : memref<!tpu.dma_semaphore, #tpu.memory_space<semaphore_mem>>
      %dma_start3A_317 = tpu.memref_slice %arg2[%add3A_35] : memref<16384xi32, #tpu.memory_space<hbm>> -> memref<32xi32, #tpu.memory_space<hbm>>
      %dma_start3A_318 = tpu.memref_slice %arg2[%add3A_35] : memref<16384xi32, #tpu.memory_space<hbm>> -> memref<32xi32, #tpu.memory_space<hbm>>
      tpu.enqueue_dma source(%dma_start3A_318 : memref<32xi32, #tpu.memory_space<hbm>>) target(%arg7 : memref<32xi32, #tpu.memory_space<vmem>>) target_semaphore(%run_scoped3A : memref<!tpu.dma_semaphore, #tpu.memory_space<semaphore_mem>>)
      %dma_wait3A_319 = tpu.memref_slice %arg2[%add3A_35] : memref<16384xi32, #tpu.memory_space<hbm>> -> memref<32xi32, #tpu.memory_space<hbm>>
      %dma_wait3A_320 = tpu.memref_slice %arg2[%add3A_35] : memref<16384xi32, #tpu.memory_space<hbm>> -> memref<32xi32, #tpu.memory_space<hbm>>
      tpu.wait_dma2 semaphore(%run_scoped3A : memref<!tpu.dma_semaphore, #tpu.memory_space<semaphore_mem>>) src(%dma_wait3A_320 : memref<32xi32, #tpu.memory_space<hbm>>) dst(%arg7 : memref<32xi32, #tpu.memory_space<vmem>>)
      tpu.yield
    }) : () -> ()
    %dma_start3A_36 = arith.constant 0 : i32
    %dma_start3A_37 = arith.constant 0 : i32
    %dma_start3A_38 = tpu.memref_slice %arg3[%dma_start3A_36, %dma_start3A_37] : memref<21128x768xf32, #tpu.memory_space<hbm>> -> memref<21128x768xf32, #tpu.memory_space<hbm>>
    tpu.enqueue_indirect_dma source(%dma_start3A_38 : memref<21128x768xf32, #tpu.memory_space<hbm>>) target(%arg9 : memref<32x768xf32, #tpu.memory_space<vmem>>) offsets(%arg7 : memref<32xi32, #tpu.memory_space<vmem>>) semaphore(%arg13 : memref<!tpu.dma_semaphore, #tpu.memory_space<semaphore_mem>>)
    %dma_wait3A_39 = arith.constant 0 : i32
    %dma_wait3A_40 = arith.constant 0 : i32
    %dma_wait3A_41 = tpu.memref_slice %arg3[%dma_wait3A_39, %dma_wait3A_40] : memref<21128x768xf32, #tpu.memory_space<hbm>> -> memref<21128x768xf32, #tpu.memory_space<hbm>>
    tpu.wait_indirect_dma semaphore(%arg14 : memref<!tpu.dma_semaphore, #tpu.memory_space<semaphore_mem>>) src(%dma_wait3A_41 : memref<21128x768xf32, #tpu.memory_space<hbm>>) dst(%arg10 : memref<32x768xf32, #tpu.memory_space<vmem>>)
    %add3A_42 = arith.constant 96 : i32
    %add3A_43 = arith.addi %multiple_of3A, %add3A_42 : i32
    "tpu.region"() ({
      %run_scoped3A = tpu.sem_alloc : memref<!tpu.dma_semaphore, #tpu.memory_space<semaphore_mem>>
      %dma_start3A_317 = arith.constant 0 : i32
      %dma_start3A_318 = tpu.memref_slice %arg5[%add3A_43, %dma_start3A_317] : memref<16384x768xf32, #tpu.memory_space<hbm>> -> memref<32x768xf32, #tpu.memory_space<hbm>>
      %dma_start3A_319 = arith.constant 0 : i32
      %dma_start3A_320 = tpu.memref_slice %arg5[%add3A_43, %dma_start3A_319] : memref<16384x768xf32, #tpu.memory_space<hbm>> -> memref<32x768xf32, #tpu.memory_space<hbm>>
      tpu.enqueue_dma source(%arg10 : memref<32x768xf32, #tpu.memory_space<vmem>>) target(%dma_start3A_320 : memref<32x768xf32, #tpu.memory_space<hbm>>) target_semaphore(%run_scoped3A : memref<!tpu.dma_semaphore, #tpu.memory_space<semaphore_mem>>)
      %dma_wait3A_321 = arith.constant 0 : i32
      %dma_wait3A_322 = tpu.memref_slice %arg5[%add3A_43, %dma_wait3A_321] : memref<16384x768xf32, #tpu.memory_space<hbm>> -> memref<32x768xf32, #tpu.memory_space<hbm>>
      %dma_wait3A_323 = arith.constant 0 : i32
      %dma_wait3A_324 = tpu.memref_slice %arg5[%add3A_43, %dma_wait3A_323] : memref<16384x768xf32, #tpu.memory_space<hbm>> -> memref<32x768xf32, #tpu.memory_space<hbm>>
      tpu.wait_dma2 semaphore(%run_scoped3A : memref<!tpu.dma_semaphore, #tpu.memory_space<semaphore_mem>>) src(%arg10 : memref<32x768xf32, #tpu.memory_space<vmem>>) dst(%dma_wait3A_324 : memref<32x768xf32, #tpu.memory_space<hbm>>)
      tpu.yield
    }) : () -> ()
    %add3A_44 = arith.constant 160 : i32
    %add3A_45 = arith.addi %multiple_of3A, %add3A_44 : i32
    "tpu.region"() ({
      %run_scoped3A = tpu.sem_alloc : memref<!tpu.dma_semaphore, #tpu.memory_space<semaphore_mem>>
      %dma_start3A_317 = tpu.memref_slice %arg2[%add3A_45] : memref<16384xi32, #tpu.memory_space<hbm>> -> memref<32xi32, #tpu.memory_space<hbm>>
      %dma_start3A_318 = tpu.memref_slice %arg2[%add3A_45] : memref<16384xi32, #tpu.memory_space<hbm>> -> memref<32xi32, #tpu.memory_space<hbm>>
      tpu.enqueue_dma source(%dma_start3A_318 : memref<32xi32, #tpu.memory_space<hbm>>) target(%arg8 : memref<32xi32, #tpu.memory_space<vmem>>) target_semaphore(%run_scoped3A : memref<!tpu.dma_semaphore, #tpu.memory_space<semaphore_mem>>)
      %dma_wait3A_319 = tpu.memref_slice %arg2[%add3A_45] : memref<16384xi32, #tpu.memory_space<hbm>> -> memref<32xi32, #tpu.memory_space<hbm>>
      %dma_wait3A_320 = tpu.memref_slice %arg2[%add3A_45] : memref<16384xi32, #tpu.memory_space<hbm>> -> memref<32xi32, #tpu.memory_space<hbm>>
      tpu.wait_dma2 semaphore(%run_scoped3A : memref<!tpu.dma_semaphore, #tpu.memory_space<semaphore_mem>>) src(%dma_wait3A_320 : memref<32xi32, #tpu.memory_space<hbm>>) dst(%arg8 : memref<32xi32, #tpu.memory_space<vmem>>)
      tpu.yield
    }) : () -> ()
    %dma_start3A_46 = arith.constant 0 : i32
    %dma_start3A_47 = arith.constant 0 : i32
    %dma_start3A_48 = tpu.memref_slice %arg3[%dma_start3A_46, %dma_start3A_47] : memref<21128x768xf32, #tpu.memory_space<hbm>> -> memref<21128x768xf32, #tpu.memory_space<hbm>>
    tpu.enqueue_indirect_dma source(%dma_start3A_48 : memref<21128x768xf32, #tpu.memory_space<hbm>>) target(%arg10 : memref<32x768xf32, #tpu.memory_space<vmem>>) offsets(%arg8 : memref<32xi32, #tpu.memory_space<vmem>>) semaphore(%arg14 : memref<!tpu.dma_semaphore, #tpu.memory_space<semaphore_mem>>)
    %dma_wait3A_49 = arith.constant 0 : i32
    %dma_wait3A_50 = arith.constant 0 : i32
    %dma_wait3A_51 = tpu.memref_slice %arg3[%dma_wait3A_49, %dma_wait3A_50] : memref<21128x768xf32, #tpu.memory_space<hbm>> -> memref<21128x768xf32, #tpu.memory_space<hbm>>
    tpu.wait_indirect_dma semaphore(%arg13 : memref<!tpu.dma_semaphore, #tpu.memory_space<semaphore_mem>>) src(%dma_wait3A_51 : memref<21128x768xf32, #tpu.memory_space<hbm>>) dst(%arg9 : memref<32x768xf32, #tpu.memory_space<vmem>>)
    %add3A_52 = arith.constant 128 : i32
    %add3A_53 = arith.addi %multiple_of3A, %add3A_52 : i32
    "tpu.region"() ({
      %run_scoped3A = tpu.sem_alloc : memref<!tpu.dma_semaphore, #tpu.memory_space<semaphore_mem>>
      %dma_start3A_317 = arith.constant 0 : i32
      %dma_start3A_318 = tpu.memref_slice %arg5[%add3A_53, %dma_start3A_317] : memref<16384x768xf32, #tpu.memory_space<hbm>> -> memref<32x768xf32, #tpu.memory_space<hbm>>
      %dma_start3A_319 = arith.constant 0 : i32
      %dma_start3A_320 = tpu.memref_slice %arg5[%add3A_53, %dma_start3A_319] : memref<16384x768xf32, #tpu.memory_space<hbm>> -> memref<32x768xf32, #tpu.memory_space<hbm>>
      tpu.enqueue_dma source(%arg9 : memref<32x768xf32, #tpu.memory_space<vmem>>) target(%dma_start3A_320 : memref<32x768xf32, #tpu.memory_space<hbm>>) target_semaphore(%run_scoped3A : memref<!tpu.dma_semaphore, #tpu.memory_space<semaphore_mem>>)
      %dma_wait3A_321 = arith.constant 0 : i32
      %dma_wait3A_322 = tpu.memref_slice %arg5[%add3A_53, %dma_wait3A_321] : memref<16384x768xf32, #tpu.memory_space<hbm>> -> memref<32x768xf32, #tpu.memory_space<hbm>>
      %dma_wait3A_323 = arith.constant 0 : i32
      %dma_wait3A_324 = tpu.memref_slice %arg5[%add3A_53, %dma_wait3A_323] : memref<16384x768xf32, #tpu.memory_space<hbm>> -> memref<32x768xf32, #tpu.memory_space<hbm>>
      tpu.wait_dma2 semaphore(%run_scoped3A : memref<!tpu.dma_semaphore, #tpu.memory_space<semaphore_mem>>) src(%arg9 : memref<32x768xf32, #tpu.memory_space<vmem>>) dst(%dma_wait3A_324 : memref<32x768xf32, #tpu.memory_space<hbm>>)
      tpu.yield
    }) : () -> ()
    %add3A_54 = arith.constant 192 : i32
    %add3A_55 = arith.addi %multiple_of3A, %add3A_54 : i32
    "tpu.region"() ({
      %run_scoped3A = tpu.sem_alloc : memref<!tpu.dma_semaphore, #tpu.memory_space<semaphore_mem>>
      %dma_start3A_317 = tpu.memref_slice %arg2[%add3A_55] : memref<16384xi32, #tpu.memory_space<hbm>> -> memref<32xi32, #tpu.memory_space<hbm>>
      %dma_start3A_318 = tpu.memref_slice %arg2[%add3A_55] : memref<16384xi32, #tpu.memory_space<hbm>> -> memref<32xi32, #tpu.memory_space<hbm>>
      tpu.enqueue_dma source(%dma_start3A_318 : memref<32xi32, #tpu.memory_space<hbm>>) target(%arg7 : memref<32xi32, #tpu.memory_space<vmem>>) target_semaphore(%run_scoped3A : memref<!tpu.dma_semaphore, #tpu.memory_space<semaphore_mem>>)
      %dma_wait3A_319 = tpu.memref_slice %arg2[%add3A_55] : memref<16384xi32, #tpu.memory_space<hbm>> -> memref<32xi32, #tpu.memory_space<hbm>>
      %dma_wait3A_320 = tpu.memref_slice %arg2[%add3A_55] : memref<16384xi32, #tpu.memory_space<hbm>> -> memref<32xi32, #tpu.memory_space<hbm>>
      tpu.wait_dma2 semaphore(%run_scoped3A : memref<!tpu.dma_semaphore, #tpu.memory_space<semaphore_mem>>) src(%dma_wait3A_320 : memref<32xi32, #tpu.memory_space<hbm>>) dst(%arg7 : memref<32xi32, #tpu.memory_space<vmem>>)
      tpu.yield
    }) : () -> ()
    %dma_start3A_56 = arith.constant 0 : i32
    %dma_start3A_57 = arith.constant 0 : i32
    %dma_start3A_58 = tpu.memref_slice %arg3[%dma_start3A_56, %dma_start3A_57] : memref<21128x768xf32, #tpu.memory_space<hbm>> -> memref<21128x768xf32, #tpu.memory_space<hbm>>
    tpu.enqueue_indirect_dma source(%dma_start3A_58 : memref<21128x768xf32, #tpu.memory_space<hbm>>) target(%arg9 : memref<32x768xf32, #tpu.memory_space<vmem>>) offsets(%arg7 : memref<32xi32, #tpu.memory_space<vmem>>) semaphore(%arg13 : memref<!tpu.dma_semaphore, #tpu.memory_space<semaphore_mem>>)
    %dma_wait3A_59 = arith.constant 0 : i32
    %dma_wait3A_60 = arith.constant 0 : i32
    %dma_wait3A_61 = tpu.memref_slice %arg3[%dma_wait3A_59, %dma_wait3A_60] : memref<21128x768xf32, #tpu.memory_space<hbm>> -> memref<21128x768xf32, #tpu.memory_space<hbm>>
    tpu.wait_indirect_dma semaphore(%arg14 : memref<!tpu.dma_semaphore, #tpu.memory_space<semaphore_mem>>) src(%dma_wait3A_61 : memref<21128x768xf32, #tpu.memory_space<hbm>>) dst(%arg10 : memref<32x768xf32, #tpu.memory_space<vmem>>)
    %add3A_62 = arith.constant 160 : i32
    %add3A_63 = arith.addi %multiple_of3A, %add3A_62 : i32
    "tpu.region"() ({
      %run_scoped3A = tpu.sem_alloc : memref<!tpu.dma_semaphore, #tpu.memory_space<semaphore_mem>>
      %dma_start3A_317 = arith.constant 0 : i32
      %dma_start3A_318 = tpu.memref_slice %arg5[%add3A_63, %dma_start3A_317] : memref<16384x768xf32, #tpu.memory_space<hbm>> -> memref<32x768xf32, #tpu.memory_space<hbm>>
      %dma_start3A_319 = arith.constant 0 : i32
      %dma_start3A_320 = tpu.memref_slice %arg5[%add3A_63, %dma_start3A_319] : memref<16384x768xf32, #tpu.memory_space<hbm>> -> memref<32x768xf32, #tpu.memory_space<hbm>>
      tpu.enqueue_dma source(%arg10 : memref<32x768xf32, #tpu.memory_space<vmem>>) target(%dma_start3A_320 : memref<32x768xf32, #tpu.memory_space<hbm>>) target_semaphore(%run_scoped3A : memref<!tpu.dma_semaphore, #tpu.memory_space<semaphore_mem>>)
      %dma_wait3A_321 = arith.constant 0 : i32
      %dma_wait3A_322 = tpu.memref_slice %arg5[%add3A_63, %dma_wait3A_321] : memref<16384x768xf32, #tpu.memory_space<hbm>> -> memref<32x768xf32, #tpu.memory_space<hbm>>
      %dma_wait3A_323 = arith.constant 0 : i32
      %dma_wait3A_324 = tpu.memref_slice %arg5[%add3A_63, %dma_wait3A_323] : memref<16384x768xf32, #tpu.memory_space<hbm>> -> memref<32x768xf32, #tpu.memory_space<hbm>>
      tpu.wait_dma2 semaphore(%run_scoped3A : memref<!tpu.dma_semaphore, #tpu.memory_space<semaphore_mem>>) src(%arg10 : memref<32x768xf32, #tpu.memory_space<vmem>>) dst(%dma_wait3A_324 : memref<32x768xf32, #tpu.memory_space<hbm>>)
      tpu.yield
    }) : () -> ()
    %add3A_64 = arith.constant 224 : i32
    %add3A_65 = arith.addi %multiple_of3A, %add3A_64 : i32
    "tpu.region"() ({
      %run_scoped3A = tpu.sem_alloc : memref<!tpu.dma_semaphore, #tpu.memory_space<semaphore_mem>>
      %dma_start3A_317 = tpu.memref_slice %arg2[%add3A_65] : memref<16384xi32, #tpu.memory_space<hbm>> -> memref<32xi32, #tpu.memory_space<hbm>>
      %dma_start3A_318 = tpu.memref_slice %arg2[%add3A_65] : memref<16384xi32, #tpu.memory_space<hbm>> -> memref<32xi32, #tpu.memory_space<hbm>>
      tpu.enqueue_dma source(%dma_start3A_318 : memref<32xi32, #tpu.memory_space<hbm>>) target(%arg8 : memref<32xi32, #tpu.memory_space<vmem>>) target_semaphore(%run_scoped3A : memref<!tpu.dma_semaphore, #tpu.memory_space<semaphore_mem>>)
      %dma_wait3A_319 = tpu.memref_slice %arg2[%add3A_65] : memref<16384xi32, #tpu.memory_space<hbm>> -> memref<32xi32, #tpu.memory_space<hbm>>
      %dma_wait3A_320 = tpu.memref_slice %arg2[%add3A_65] : memref<16384xi32, #tpu.memory_space<hbm>> -> memref<32xi32, #tpu.memory_space<hbm>>
      tpu.wait_dma2 semaphore(%run_scoped3A : memref<!tpu.dma_semaphore, #tpu.memory_space<semaphore_mem>>) src(%dma_wait3A_320 : memref<32xi32, #tpu.memory_space<hbm>>) dst(%arg8 : memref<32xi32, #tpu.memory_space<vmem>>)
      tpu.yield
    }) : () -> ()
    %dma_start3A_66 = arith.constant 0 : i32
    %dma_start3A_67 = arith.constant 0 : i32
    %dma_start3A_68 = tpu.memref_slice %arg3[%dma_start3A_66, %dma_start3A_67] : memref<21128x768xf32, #tpu.memory_space<hbm>> -> memref<21128x768xf32, #tpu.memory_space<hbm>>
    tpu.enqueue_indirect_dma source(%dma_start3A_68 : memref<21128x768xf32, #tpu.memory_space<hbm>>) target(%arg10 : memref<32x768xf32, #tpu.memory_space<vmem>>) offsets(%arg8 : memref<32xi32, #tpu.memory_space<vmem>>) semaphore(%arg14 : memref<!tpu.dma_semaphore, #tpu.memory_space<semaphore_mem>>)
    %dma_wait3A_69 = arith.constant 0 : i32
    %dma_wait3A_70 = arith.constant 0 : i32
    %dma_wait3A_71 = tpu.memref_slice %arg3[%dma_wait3A_69, %dma_wait3A_70] : memref<21128x768xf32, #tpu.memory_space<hbm>> -> memref<21128x768xf32, #tpu.memory_space<hbm>>
    tpu.wait_indirect_dma semaphore(%arg13 : memref<!tpu.dma_semaphore, #tpu.memory_space<semaphore_mem>>) src(%dma_wait3A_71 : memref<21128x768xf32, #tpu.memory_space<hbm>>) dst(%arg9 : memref<32x768xf32, #tpu.memory_space<vmem>>)
    %add3A_72 = arith.constant 192 : i32
    %add3A_73 = arith.addi %multiple_of3A, %add3A_72 : i32
    "tpu.region"() ({
      %run_scoped3A = tpu.sem_alloc : memref<!tpu.dma_semaphore, #tpu.memory_space<semaphore_mem>>
      %dma_start3A_317 = arith.constant 0 : i32
      %dma_start3A_318 = tpu.memref_slice %arg5[%add3A_73, %dma_start3A_317] : memref<16384x768xf32, #tpu.memory_space<hbm>> -> memref<32x768xf32, #tpu.memory_space<hbm>>
      %dma_start3A_319 = arith.constant 0 : i32
      %dma_start3A_320 = tpu.memref_slice %arg5[%add3A_73, %dma_start3A_319] : memref<16384x768xf32, #tpu.memory_space<hbm>> -> memref<32x768xf32, #tpu.memory_space<hbm>>
      tpu.enqueue_dma source(%arg9 : memref<32x768xf32, #tpu.memory_space<vmem>>) target(%dma_start3A_320 : memref<32x768xf32, #tpu.memory_space<hbm>>) target_semaphore(%run_scoped3A : memref<!tpu.dma_semaphore, #tpu.memory_space<semaphore_mem>>)
      %dma_wait3A_321 = arith.constant 0 : i32
      %dma_wait3A_322 = tpu.memref_slice %arg5[%add3A_73, %dma_wait3A_321] : memref<16384x768xf32, #tpu.memory_space<hbm>> -> memref<32x768xf32, #tpu.memory_space<hbm>>
      %dma_wait3A_323 = arith.constant 0 : i32
      %dma_wait3A_324 = tpu.memref_slice %arg5[%add3A_73, %dma_wait3A_323] : memref<16384x768xf32, #tpu.memory_space<hbm>> -> memref<32x768xf32, #tpu.memory_space<hbm>>
      tpu.wait_dma2 semaphore(%run_scoped3A : memref<!tpu.dma_semaphore, #tpu.memory_space<semaphore_mem>>) src(%arg9 : memref<32x768xf32, #tpu.memory_space<vmem>>) dst(%dma_wait3A_324 : memref<32x768xf32, #tpu.memory_space<hbm>>)
      tpu.yield
    }) : () -> ()
    %add3A_74 = arith.constant 256 : i32
    %add3A_75 = arith.addi %multiple_of3A, %add3A_74 : i32
    "tpu.region"() ({
      %run_scoped3A = tpu.sem_alloc : memref<!tpu.dma_semaphore, #tpu.memory_space<semaphore_mem>>
      %dma_start3A_317 = tpu.memref_slice %arg2[%add3A_75] : memref<16384xi32, #tpu.memory_space<hbm>> -> memref<32xi32, #tpu.memory_space<hbm>>
      %dma_start3A_318 = tpu.memref_slice %arg2[%add3A_75] : memref<16384xi32, #tpu.memory_space<hbm>> -> memref<32xi32, #tpu.memory_space<hbm>>
      tpu.enqueue_dma source(%dma_start3A_318 : memref<32xi32, #tpu.memory_space<hbm>>) target(%arg7 : memref<32xi32, #tpu.memory_space<vmem>>) target_semaphore(%run_scoped3A : memref<!tpu.dma_semaphore, #tpu.memory_space<semaphore_mem>>)
      %dma_wait3A_319 = tpu.memref_slice %arg2[%add3A_75] : memref<16384xi32, #tpu.memory_space<hbm>> -> memref<32xi32, #tpu.memory_space<hbm>>
      %dma_wait3A_320 = tpu.memref_slice %arg2[%add3A_75] : memref<16384xi32, #tpu.memory_space<hbm>> -> memref<32xi32, #tpu.memory_space<hbm>>
      tpu.wait_dma2 semaphore(%run_scoped3A : memref<!tpu.dma_semaphore, #tpu.memory_space<semaphore_mem>>) src(%dma_wait3A_320 : memref<32xi32, #tpu.memory_space<hbm>>) dst(%arg7 : memref<32xi32, #tpu.memory_space<vmem>>)
      tpu.yield
    }) : () -> ()
    %dma_start3A_76 = arith.constant 0 : i32
    %dma_start3A_77 = arith.constant 0 : i32
    %dma_start3A_78 = tpu.memref_slice %arg3[%dma_start3A_76, %dma_start3A_77] : memref<21128x768xf32, #tpu.memory_space<hbm>> -> memref<21128x768xf32, #tpu.memory_space<hbm>>
    tpu.enqueue_indirect_dma source(%dma_start3A_78 : memref<21128x768xf32, #tpu.memory_space<hbm>>) target(%arg9 : memref<32x768xf32, #tpu.memory_space<vmem>>) offsets(%arg7 : memref<32xi32, #tpu.memory_space<vmem>>) semaphore(%arg13 : memref<!tpu.dma_semaphore, #tpu.memory_space<semaphore_mem>>)
    %dma_wait3A_79 = arith.constant 0 : i32
    %dma_wait3A_80 = arith.constant 0 : i32
    %dma_wait3A_81 = tpu.memref_slice %arg3[%dma_wait3A_79, %dma_wait3A_80] : memref<21128x768xf32, #tpu.memory_space<hbm>> -> memref<21128x768xf32, #tpu.memory_space<hbm>>
    tpu.wait_indirect_dma semaphore(%arg14 : memref<!tpu.dma_semaphore, #tpu.memory_space<semaphore_mem>>) src(%dma_wait3A_81 : memref<21128x768xf32, #tpu.memory_space<hbm>>) dst(%arg10 : memref<32x768xf32, #tpu.memory_space<vmem>>)
    %add3A_82 = arith.constant 224 : i32
    %add3A_83 = arith.addi %multiple_of3A, %add3A_82 : i32
    "tpu.region"() ({
      %run_scoped3A = tpu.sem_alloc : memref<!tpu.dma_semaphore, #tpu.memory_space<semaphore_mem>>
      %dma_start3A_317 = arith.constant 0 : i32
      %dma_start3A_318 = tpu.memref_slice %arg5[%add3A_83, %dma_start3A_317] : memref<16384x768xf32, #tpu.memory_space<hbm>> -> memref<32x768xf32, #tpu.memory_space<hbm>>
      %dma_start3A_319 = arith.constant 0 : i32
      %dma_start3A_320 = tpu.memref_slice %arg5[%add3A_83, %dma_start3A_319] : memref<16384x768xf32, #tpu.memory_space<hbm>> -> memref<32x768xf32, #tpu.memory_space<hbm>>
      tpu.enqueue_dma source(%arg10 : memref<32x768xf32, #tpu.memory_space<vmem>>) target(%dma_start3A_320 : memref<32x768xf32, #tpu.memory_space<hbm>>) target_semaphore(%run_scoped3A : memref<!tpu.dma_semaphore, #tpu.memory_space<semaphore_mem>>)
      %dma_wait3A_321 = arith.constant 0 : i32
      %dma_wait3A_322 = tpu.memref_slice %arg5[%add3A_83, %dma_wait3A_321] : memref<16384x768xf32, #tpu.memory_space<hbm>> -> memref<32x768xf32, #tpu.memory_space<hbm>>
      %dma_wait3A_323 = arith.constant 0 : i32
      %dma_wait3A_324 = tpu.memref_slice %arg5[%add3A_83, %dma_wait3A_323] : memref<16384x768xf32, #tpu.memory_space<hbm>> -> memref<32x768xf32, #tpu.memory_space<hbm>>
      tpu.wait_dma2 semaphore(%run_scoped3A : memref<!tpu.dma_semaphore, #tpu.memory_space<semaphore_mem>>) src(%arg10 : memref<32x768xf32, #tpu.memory_space<vmem>>) dst(%dma_wait3A_324 : memref<32x768xf32, #tpu.memory_space<hbm>>)
      tpu.yield
    }) : () -> ()
    %add3A_84 = arith.constant 288 : i32
    %add3A_85 = arith.addi %multiple_of3A, %add3A_84 : i32
    "tpu.region"() ({
      %run_scoped3A = tpu.sem_alloc : memref<!tpu.dma_semaphore, #tpu.memory_space<semaphore_mem>>
      %dma_start3A_317 = tpu.memref_slice %arg2[%add3A_85] : memref<16384xi32, #tpu.memory_space<hbm>> -> memref<32xi32, #tpu.memory_space<hbm>>
      %dma_start3A_318 = tpu.memref_slice %arg2[%add3A_85] : memref<16384xi32, #tpu.memory_space<hbm>> -> memref<32xi32, #tpu.memory_space<hbm>>
      tpu.enqueue_dma source(%dma_start3A_318 : memref<32xi32, #tpu.memory_space<hbm>>) target(%arg8 : memref<32xi32, #tpu.memory_space<vmem>>) target_semaphore(%run_scoped3A : memref<!tpu.dma_semaphore, #tpu.memory_space<semaphore_mem>>)
      %dma_wait3A_319 = tpu.memref_slice %arg2[%add3A_85] : memref<16384xi32, #tpu.memory_space<hbm>> -> memref<32xi32, #tpu.memory_space<hbm>>
      %dma_wait3A_320 = tpu.memref_slice %arg2[%add3A_85] : memref<16384xi32, #tpu.memory_space<hbm>> -> memref<32xi32, #tpu.memory_space<hbm>>
      tpu.wait_dma2 semaphore(%run_scoped3A : memref<!tpu.dma_semaphore, #tpu.memory_space<semaphore_mem>>) src(%dma_wait3A_320 : memref<32xi32, #tpu.memory_space<hbm>>) dst(%arg8 : memref<32xi32, #tpu.memory_space<vmem>>)
      tpu.yield
    }) : () -> ()
    %dma_start3A_86 = arith.constant 0 : i32
    %dma_start3A_87 = arith.constant 0 : i32
    %dma_start3A_88 = tpu.memref_slice %arg3[%dma_start3A_86, %dma_start3A_87] : memref<21128x768xf32, #tpu.memory_space<hbm>> -> memref<21128x768xf32, #tpu.memory_space<hbm>>
    tpu.enqueue_indirect_dma source(%dma_start3A_88 : memref<21128x768xf32, #tpu.memory_space<hbm>>) target(%arg10 : memref<32x768xf32, #tpu.memory_space<vmem>>) offsets(%arg8 : memref<32xi32, #tpu.memory_space<vmem>>) semaphore(%arg14 : memref<!tpu.dma_semaphore, #tpu.memory_space<semaphore_mem>>)
    %dma_wait3A_89 = arith.constant 0 : i32
    %dma_wait3A_90 = arith.constant 0 : i32
    %dma_wait3A_91 = tpu.memref_slice %arg3[%dma_wait3A_89, %dma_wait3A_90] : memref<21128x768xf32, #tpu.memory_space<hbm>> -> memref<21128x768xf32, #tpu.memory_space<hbm>>
    tpu.wait_indirect_dma semaphore(%arg13 : memref<!tpu.dma_semaphore, #tpu.memory_space<semaphore_mem>>) src(%dma_wait3A_91 : memref<21128x768xf32, #tpu.memory_space<hbm>>) dst(%arg9 : memref<32x768xf32, #tpu.memory_space<vmem>>)
    %add3A_92 = arith.constant 256 : i32
    %add3A_93 = arith.addi %multiple_of3A, %add3A_92 : i32
    "tpu.region"() ({
      %run_scoped3A = tpu.sem_alloc : memref<!tpu.dma_semaphore, #tpu.memory_space<semaphore_mem>>
      %dma_start3A_317 = arith.constant 0 : i32
      %dma_start3A_318 = tpu.memref_slice %arg5[%add3A_93, %dma_start3A_317] : memref<16384x768xf32, #tpu.memory_space<hbm>> -> memref<32x768xf32, #tpu.memory_space<hbm>>
      %dma_start3A_319 = arith.constant 0 : i32
      %dma_start3A_320 = tpu.memref_slice %arg5[%add3A_93, %dma_start3A_319] : memref<16384x768xf32, #tpu.memory_space<hbm>> -> memref<32x768xf32, #tpu.memory_space<hbm>>
      tpu.enqueue_dma source(%arg9 : memref<32x768xf32, #tpu.memory_space<vmem>>) target(%dma_start3A_320 : memref<32x768xf32, #tpu.memory_space<hbm>>) target_semaphore(%run_scoped3A : memref<!tpu.dma_semaphore, #tpu.memory_space<semaphore_mem>>)
      %dma_wait3A_321 = arith.constant 0 : i32
      %dma_wait3A_322 = tpu.memref_slice %arg5[%add3A_93, %dma_wait3A_321] : memref<16384x768xf32, #tpu.memory_space<hbm>> -> memref<32x768xf32, #tpu.memory_space<hbm>>
      %dma_wait3A_323 = arith.constant 0 : i32
      %dma_wait3A_324 = tpu.memref_slice %arg5[%add3A_93, %dma_wait3A_323] : memref<16384x768xf32, #tpu.memory_space<hbm>> -> memref<32x768xf32, #tpu.memory_space<hbm>>
      tpu.wait_dma2 semaphore(%run_scoped3A : memref<!tpu.dma_semaphore, #tpu.memory_space<semaphore_mem>>) src(%arg9 : memref<32x768xf32, #tpu.memory_space<vmem>>) dst(%dma_wait3A_324 : memref<32x768xf32, #tpu.memory_space<hbm>>)
      tpu.yield
    }) : () -> ()
    %add3A_94 = arith.constant 320 : i32
    %add3A_95 = arith.addi %multiple_of3A, %add3A_94 : i32
    "tpu.region"() ({
      %run_scoped3A = tpu.sem_alloc : memref<!tpu.dma_semaphore, #tpu.memory_space<semaphore_mem>>
      %dma_start3A_317 = tpu.memref_slice %arg2[%add3A_95] : memref<16384xi32, #tpu.memory_space<hbm>> -> memref<32xi32, #tpu.memory_space<hbm>>
      %dma_start3A_318 = tpu.memref_slice %arg2[%add3A_95] : memref<16384xi32, #tpu.memory_space<hbm>> -> memref<32xi32, #tpu.memory_space<hbm>>
      tpu.enqueue_dma source(%dma_start3A_318 : memref<32xi32, #tpu.memory_space<hbm>>) target(%arg7 : memref<32xi32, #tpu.memory_space<vmem>>) target_semaphore(%run_scoped3A : memref<!tpu.dma_semaphore, #tpu.memory_space<semaphore_mem>>)
      %dma_wait3A_319 = tpu.memref_slice %arg2[%add3A_95] : memref<16384xi32, #tpu.memory_space<hbm>> -> memref<32xi32, #tpu.memory_space<hbm>>
      %dma_wait3A_320 = tpu.memref_slice %arg2[%add3A_95] : memref<16384xi32, #tpu.memory_space<hbm>> -> memref<32xi32, #tpu.memory_space<hbm>>
      tpu.wait_dma2 semaphore(%run_scoped3A : memref<!tpu.dma_semaphore, #tpu.memory_space<semaphore_mem>>) src(%dma_wait3A_320 : memref<32xi32, #tpu.memory_space<hbm>>) dst(%arg7 : memref<32xi32, #tpu.memory_space<vmem>>)
      tpu.yield
    }) : () -> ()
    %dma_start3A_96 = arith.constant 0 : i32
    %dma_start3A_97 = arith.constant 0 : i32
    %dma_start3A_98 = tpu.memref_slice %arg3[%dma_start3A_96, %dma_start3A_97] : memref<21128x768xf32, #tpu.memory_space<hbm>> -> memref<21128x768xf32, #tpu.memory_space<hbm>>
    tpu.enqueue_indirect_dma source(%dma_start3A_98 : memref<21128x768xf32, #tpu.memory_space<hbm>>) target(%arg9 : memref<32x768xf32, #tpu.memory_space<vmem>>) offsets(%arg7 : memref<32xi32, #tpu.memory_space<vmem>>) semaphore(%arg13 : memref<!tpu.dma_semaphore, #tpu.memory_space<semaphore_mem>>)
    %dma_wait3A_99 = arith.constant 0 : i32
    %dma_wait3A_100 = arith.constant 0 : i32
    %dma_wait3A_101 = tpu.memref_slice %arg3[%dma_wait3A_99, %dma_wait3A_100] : memref<21128x768xf32, #tpu.memory_space<hbm>> -> memref<21128x768xf32, #tpu.memory_space<hbm>>
    tpu.wait_indirect_dma semaphore(%arg14 : memref<!tpu.dma_semaphore, #tpu.memory_space<semaphore_mem>>) src(%dma_wait3A_101 : memref<21128x768xf32, #tpu.memory_space<hbm>>) dst(%arg10 : memref<32x768xf32, #tpu.memory_space<vmem>>)
    %add3A_102 = arith.constant 288 : i32
    %add3A_103 = arith.addi %multiple_of3A, %add3A_102 : i32
    "tpu.region"() ({
      %run_scoped3A = tpu.sem_alloc : memref<!tpu.dma_semaphore, #tpu.memory_space<semaphore_mem>>
      %dma_start3A_317 = arith.constant 0 : i32
      %dma_start3A_318 = tpu.memref_slice %arg5[%add3A_103, %dma_start3A_317] : memref<16384x768xf32, #tpu.memory_space<hbm>> -> memref<32x768xf32, #tpu.memory_space<hbm>>
      %dma_start3A_319 = arith.constant 0 : i32
      %dma_start3A_320 = tpu.memref_slice %arg5[%add3A_103, %dma_start3A_319] : memref<16384x768xf32, #tpu.memory_space<hbm>> -> memref<32x768xf32, #tpu.memory_space<hbm>>
      tpu.enqueue_dma source(%arg10 : memref<32x768xf32, #tpu.memory_space<vmem>>) target(%dma_start3A_320 : memref<32x768xf32, #tpu.memory_space<hbm>>) target_semaphore(%run_scoped3A : memref<!tpu.dma_semaphore, #tpu.memory_space<semaphore_mem>>)
      %dma_wait3A_321 = arith.constant 0 : i32
      %dma_wait3A_322 = tpu.memref_slice %arg5[%add3A_103, %dma_wait3A_321] : memref<16384x768xf32, #tpu.memory_space<hbm>> -> memref<32x768xf32, #tpu.memory_space<hbm>>
      %dma_wait3A_323 = arith.constant 0 : i32
      %dma_wait3A_324 = tpu.memref_slice %arg5[%add3A_103, %dma_wait3A_323] : memref<16384x768xf32, #tpu.memory_space<hbm>> -> memref<32x768xf32, #tpu.memory_space<hbm>>
      tpu.wait_dma2 semaphore(%run_scoped3A : memref<!tpu.dma_semaphore, #tpu.memory_space<semaphore_mem>>) src(%arg10 : memref<32x768xf32, #tpu.memory_space<vmem>>) dst(%dma_wait3A_324 : memref<32x768xf32, #tpu.memory_space<hbm>>)
      tpu.yield
    }) : () -> ()
    %add3A_104 = arith.constant 352 : i32
    %add3A_105 = arith.addi %multiple_of3A, %add3A_104 : i32
    "tpu.region"() ({
      %run_scoped3A = tpu.sem_alloc : memref<!tpu.dma_semaphore, #tpu.memory_space<semaphore_mem>>
      %dma_start3A_317 = tpu.memref_slice %arg2[%add3A_105] : memref<16384xi32, #tpu.memory_space<hbm>> -> memref<32xi32, #tpu.memory_space<hbm>>
      %dma_start3A_318 = tpu.memref_slice %arg2[%add3A_105] : memref<16384xi32, #tpu.memory_space<hbm>> -> memref<32xi32, #tpu.memory_space<hbm>>
      tpu.enqueue_dma source(%dma_start3A_318 : memref<32xi32, #tpu.memory_space<hbm>>) target(%arg8 : memref<32xi32, #tpu.memory_space<vmem>>) target_semaphore(%run_scoped3A : memref<!tpu.dma_semaphore, #tpu.memory_space<semaphore_mem>>)
      %dma_wait3A_319 = tpu.memref_slice %arg2[%add3A_105] : memref<16384xi32, #tpu.memory_space<hbm>> -> memref<32xi32, #tpu.memory_space<hbm>>
      %dma_wait3A_320 = tpu.memref_slice %arg2[%add3A_105] : memref<16384xi32, #tpu.memory_space<hbm>> -> memref<32xi32, #tpu.memory_space<hbm>>
      tpu.wait_dma2 semaphore(%run_scoped3A : memref<!tpu.dma_semaphore, #tpu.memory_space<semaphore_mem>>) src(%dma_wait3A_320 : memref<32xi32, #tpu.memory_space<hbm>>) dst(%arg8 : memref<32xi32, #tpu.memory_space<vmem>>)
      tpu.yield
    }) : () -> ()
    %dma_start3A_106 = arith.constant 0 : i32
    %dma_start3A_107 = arith.constant 0 : i32
    %dma_start3A_108 = tpu.memref_slice %arg3[%dma_start3A_106, %dma_start3A_107] : memref<21128x768xf32, #tpu.memory_space<hbm>> -> memref<21128x768xf32, #tpu.memory_space<hbm>>
    tpu.enqueue_indirect_dma source(%dma_start3A_108 : memref<21128x768xf32, #tpu.memory_space<hbm>>) target(%arg10 : memref<32x768xf32, #tpu.memory_space<vmem>>) offsets(%arg8 : memref<32xi32, #tpu.memory_space<vmem>>) semaphore(%arg14 : memref<!tpu.dma_semaphore, #tpu.memory_space<semaphore_mem>>)
    %dma_wait3A_109 = arith.constant 0 : i32
    %dma_wait3A_110 = arith.constant 0 : i32
    %dma_wait3A_111 = tpu.memref_slice %arg3[%dma_wait3A_109, %dma_wait3A_110] : memref<21128x768xf32, #tpu.memory_space<hbm>> -> memref<21128x768xf32, #tpu.memory_space<hbm>>
    tpu.wait_indirect_dma semaphore(%arg13 : memref<!tpu.dma_semaphore, #tpu.memory_space<semaphore_mem>>) src(%dma_wait3A_111 : memref<21128x768xf32, #tpu.memory_space<hbm>>) dst(%arg9 : memref<32x768xf32, #tpu.memory_space<vmem>>)
    %add3A_112 = arith.constant 320 : i32
    %add3A_113 = arith.addi %multiple_of3A, %add3A_112 : i32
    "tpu.region"() ({
      %run_scoped3A = tpu.sem_alloc : memref<!tpu.dma_semaphore, #tpu.memory_space<semaphore_mem>>
      %dma_start3A_317 = arith.constant 0 : i32
      %dma_start3A_318 = tpu.memref_slice %arg5[%add3A_113, %dma_start3A_317] : memref<16384x768xf32, #tpu.memory_space<hbm>> -> memref<32x768xf32, #tpu.memory_space<hbm>>
      %dma_start3A_319 = arith.constant 0 : i32
      %dma_start3A_320 = tpu.memref_slice %arg5[%add3A_113, %dma_start3A_319] : memref<16384x768xf32, #tpu.memory_space<hbm>> -> memref<32x768xf32, #tpu.memory_space<hbm>>
      tpu.enqueue_dma source(%arg9 : memref<32x768xf32, #tpu.memory_space<vmem>>) target(%dma_start3A_320 : memref<32x768xf32, #tpu.memory_space<hbm>>) target_semaphore(%run_scoped3A : memref<!tpu.dma_semaphore, #tpu.memory_space<semaphore_mem>>)
      %dma_wait3A_321 = arith.constant 0 : i32
      %dma_wait3A_322 = tpu.memref_slice %arg5[%add3A_113, %dma_wait3A_321] : memref<16384x768xf32, #tpu.memory_space<hbm>> -> memref<32x768xf32, #tpu.memory_space<hbm>>
      %dma_wait3A_323 = arith.constant 0 : i32
      %dma_wait3A_324 = tpu.memref_slice %arg5[%add3A_113, %dma_wait3A_323] : memref<16384x768xf32, #tpu.memory_space<hbm>> -> memref<32x768xf32, #tpu.memory_space<hbm>>
      tpu.wait_dma2 semaphore(%run_scoped3A : memref<!tpu.dma_semaphore, #tpu.memory_space<semaphore_mem>>) src(%arg9 : memref<32x768xf32, #tpu.memory_space<vmem>>) dst(%dma_wait3A_324 : memref<32x768xf32, #tpu.memory_space<hbm>>)
      tpu.yield
    }) : () -> ()
    %add3A_114 = arith.constant 384 : i32
    %add3A_115 = arith.addi %multiple_of3A, %add3A_114 : i32
    "tpu.region"() ({
      %run_scoped3A = tpu.sem_alloc : memref<!tpu.dma_semaphore, #tpu.memory_space<semaphore_mem>>
      %dma_start3A_317 = tpu.memref_slice %arg2[%add3A_115] : memref<16384xi32, #tpu.memory_space<hbm>> -> memref<32xi32, #tpu.memory_space<hbm>>
      %dma_start3A_318 = tpu.memref_slice %arg2[%add3A_115] : memref<16384xi32, #tpu.memory_space<hbm>> -> memref<32xi32, #tpu.memory_space<hbm>>
      tpu.enqueue_dma source(%dma_start3A_318 : memref<32xi32, #tpu.memory_space<hbm>>) target(%arg7 : memref<32xi32, #tpu.memory_space<vmem>>) target_semaphore(%run_scoped3A : memref<!tpu.dma_semaphore, #tpu.memory_space<semaphore_mem>>)
      %dma_wait3A_319 = tpu.memref_slice %arg2[%add3A_115] : memref<16384xi32, #tpu.memory_space<hbm>> -> memref<32xi32, #tpu.memory_space<hbm>>
      %dma_wait3A_320 = tpu.memref_slice %arg2[%add3A_115] : memref<16384xi32, #tpu.memory_space<hbm>> -> memref<32xi32, #tpu.memory_space<hbm>>
      tpu.wait_dma2 semaphore(%run_scoped3A : memref<!tpu.dma_semaphore, #tpu.memory_space<semaphore_mem>>) src(%dma_wait3A_320 : memref<32xi32, #tpu.memory_space<hbm>>) dst(%arg7 : memref<32xi32, #tpu.memory_space<vmem>>)
      tpu.yield
    }) : () -> ()
    %dma_start3A_116 = arith.constant 0 : i32
    %dma_start3A_117 = arith.constant 0 : i32
    %dma_start3A_118 = tpu.memref_slice %arg3[%dma_start3A_116, %dma_start3A_117] : memref<21128x768xf32, #tpu.memory_space<hbm>> -> memref<21128x768xf32, #tpu.memory_space<hbm>>
    tpu.enqueue_indirect_dma source(%dma_start3A_118 : memref<21128x768xf32, #tpu.memory_space<hbm>>) target(%arg9 : memref<32x768xf32, #tpu.memory_space<vmem>>) offsets(%arg7 : memref<32xi32, #tpu.memory_space<vmem>>) semaphore(%arg13 : memref<!tpu.dma_semaphore, #tpu.memory_space<semaphore_mem>>)
    %dma_wait3A_119 = arith.constant 0 : i32
    %dma_wait3A_120 = arith.constant 0 : i32
    %dma_wait3A_121 = tpu.memref_slice %arg3[%dma_wait3A_119, %dma_wait3A_120] : memref<21128x768xf32, #tpu.memory_space<hbm>> -> memref<21128x768xf32, #tpu.memory_space<hbm>>
    tpu.wait_indirect_dma semaphore(%arg14 : memref<!tpu.dma_semaphore, #tpu.memory_space<semaphore_mem>>) src(%dma_wait3A_121 : memref<21128x768xf32, #tpu.memory_space<hbm>>) dst(%arg10 : memref<32x768xf32, #tpu.memory_space<vmem>>)
    %add3A_122 = arith.constant 352 : i32
    %add3A_123 = arith.addi %multiple_of3A, %add3A_122 : i32
    "tpu.region"() ({
      %run_scoped3A = tpu.sem_alloc : memref<!tpu.dma_semaphore, #tpu.memory_space<semaphore_mem>>
      %dma_start3A_317 = arith.constant 0 : i32
      %dma_start3A_318 = tpu.memref_slice %arg5[%add3A_123, %dma_start3A_317] : memref<16384x768xf32, #tpu.memory_space<hbm>> -> memref<32x768xf32, #tpu.memory_space<hbm>>
      %dma_start3A_319 = arith.constant 0 : i32
      %dma_start3A_320 = tpu.memref_slice %arg5[%add3A_123, %dma_start3A_319] : memref<16384x768xf32, #tpu.memory_space<hbm>> -> memref<32x768xf32, #tpu.memory_space<hbm>>
      tpu.enqueue_dma source(%arg10 : memref<32x768xf32, #tpu.memory_space<vmem>>) target(%dma_start3A_320 : memref<32x768xf32, #tpu.memory_space<hbm>>) target_semaphore(%run_scoped3A : memref<!tpu.dma_semaphore, #tpu.memory_space<semaphore_mem>>)
      %dma_wait3A_321 = arith.constant 0 : i32
      %dma_wait3A_322 = tpu.memref_slice %arg5[%add3A_123, %dma_wait3A_321] : memref<16384x768xf32, #tpu.memory_space<hbm>> -> memref<32x768xf32, #tpu.memory_space<hbm>>
      %dma_wait3A_323 = arith.constant 0 : i32
      %dma_wait3A_324 = tpu.memref_slice %arg5[%add3A_123, %dma_wait3A_323] : memref<16384x768xf32, #tpu.memory_space<hbm>> -> memref<32x768xf32, #tpu.memory_space<hbm>>
      tpu.wait_dma2 semaphore(%run_scoped3A : memref<!tpu.dma_semaphore, #tpu.memory_space<semaphore_mem>>) src(%arg10 : memref<32x768xf32, #tpu.memory_space<vmem>>) dst(%dma_wait3A_324 : memref<32x768xf32, #tpu.memory_space<hbm>>)
      tpu.yield
    }) : () -> ()
    %add3A_124 = arith.constant 416 : i32
    %add3A_125 = arith.addi %multiple_of3A, %add3A_124 : i32
    "tpu.region"() ({
      %run_scoped3A = tpu.sem_alloc : memref<!tpu.dma_semaphore, #tpu.memory_space<semaphore_mem>>
      %dma_start3A_317 = tpu.memref_slice %arg2[%add3A_125] : memref<16384xi32, #tpu.memory_space<hbm>> -> memref<32xi32, #tpu.memory_space<hbm>>
      %dma_start3A_318 = tpu.memref_slice %arg2[%add3A_125] : memref<16384xi32, #tpu.memory_space<hbm>> -> memref<32xi32, #tpu.memory_space<hbm>>
      tpu.enqueue_dma source(%dma_start3A_318 : memref<32xi32, #tpu.memory_space<hbm>>) target(%arg8 : memref<32xi32, #tpu.memory_space<vmem>>) target_semaphore(%run_scoped3A : memref<!tpu.dma_semaphore, #tpu.memory_space<semaphore_mem>>)
      %dma_wait3A_319 = tpu.memref_slice %arg2[%add3A_125] : memref<16384xi32, #tpu.memory_space<hbm>> -> memref<32xi32, #tpu.memory_space<hbm>>
      %dma_wait3A_320 = tpu.memref_slice %arg2[%add3A_125] : memref<16384xi32, #tpu.memory_space<hbm>> -> memref<32xi32, #tpu.memory_space<hbm>>
      tpu.wait_dma2 semaphore(%run_scoped3A : memref<!tpu.dma_semaphore, #tpu.memory_space<semaphore_mem>>) src(%dma_wait3A_320 : memref<32xi32, #tpu.memory_space<hbm>>) dst(%arg8 : memref<32xi32, #tpu.memory_space<vmem>>)
      tpu.yield
    }) : () -> ()
    %dma_start3A_126 = arith.constant 0 : i32
    %dma_start3A_127 = arith.constant 0 : i32
    %dma_start3A_128 = tpu.memref_slice %arg3[%dma_start3A_126, %dma_start3A_127] : memref<21128x768xf32, #tpu.memory_space<hbm>> -> memref<21128x768xf32, #tpu.memory_space<hbm>>
    tpu.enqueue_indirect_dma source(%dma_start3A_128 : memref<21128x768xf32, #tpu.memory_space<hbm>>) target(%arg10 : memref<32x768xf32, #tpu.memory_space<vmem>>) offsets(%arg8 : memref<32xi32, #tpu.memory_space<vmem>>) semaphore(%arg14 : memref<!tpu.dma_semaphore, #tpu.memory_space<semaphore_mem>>)
    %dma_wait3A_129 = arith.constant 0 : i32
    %dma_wait3A_130 = arith.constant 0 : i32
    %dma_wait3A_131 = tpu.memref_slice %arg3[%dma_wait3A_129, %dma_wait3A_130] : memref<21128x768xf32, #tpu.memory_space<hbm>> -> memref<21128x768xf32, #tpu.memory_space<hbm>>
    tpu.wait_indirect_dma semaphore(%arg13 : memref<!tpu.dma_semaphore, #tpu.memory_space<semaphore_mem>>) src(%dma_wait3A_131 : memref<21128x768xf32, #tpu.memory_space<hbm>>) dst(%arg9 : memref<32x768xf32, #tpu.memory_space<vmem>>)
    %add3A_132 = arith.constant 384 : i32
    %add3A_133 = arith.addi %multiple_of3A, %add3A_132 : i32
    "tpu.region"() ({
      %run_scoped3A = tpu.sem_alloc : memref<!tpu.dma_semaphore, #tpu.memory_space<semaphore_mem>>
      %dma_start3A_317 = arith.constant 0 : i32
      %dma_start3A_318 = tpu.memref_slice %arg5[%add3A_133, %dma_start3A_317] : memref<16384x768xf32, #tpu.memory_space<hbm>> -> memref<32x768xf32, #tpu.memory_space<hbm>>
      %dma_start3A_319 = arith.constant 0 : i32
      %dma_start3A_320 = tpu.memref_slice %arg5[%add3A_133, %dma_start3A_319] : memref<16384x768xf32, #tpu.memory_space<hbm>> -> memref<32x768xf32, #tpu.memory_space<hbm>>
      tpu.enqueue_dma source(%arg9 : memref<32x768xf32, #tpu.memory_space<vmem>>) target(%dma_start3A_320 : memref<32x768xf32, #tpu.memory_space<hbm>>) target_semaphore(%run_scoped3A : memref<!tpu.dma_semaphore, #tpu.memory_space<semaphore_mem>>)
      %dma_wait3A_321 = arith.constant 0 : i32
      %dma_wait3A_322 = tpu.memref_slice %arg5[%add3A_133, %dma_wait3A_321] : memref<16384x768xf32, #tpu.memory_space<hbm>> -> memref<32x768xf32, #tpu.memory_space<hbm>>
      %dma_wait3A_323 = arith.constant 0 : i32
      %dma_wait3A_324 = tpu.memref_slice %arg5[%add3A_133, %dma_wait3A_323] : memref<16384x768xf32, #tpu.memory_space<hbm>> -> memref<32x768xf32, #tpu.memory_space<hbm>>
      tpu.wait_dma2 semaphore(%run_scoped3A : memref<!tpu.dma_semaphore, #tpu.memory_space<semaphore_mem>>) src(%arg9 : memref<32x768xf32, #tpu.memory_space<vmem>>) dst(%dma_wait3A_324 : memref<32x768xf32, #tpu.memory_space<hbm>>)
      tpu.yield
    }) : () -> ()
    %add3A_134 = arith.constant 448 : i32
    %add3A_135 = arith.addi %multiple_of3A, %add3A_134 : i32
    "tpu.region"() ({
      %run_scoped3A = tpu.sem_alloc : memref<!tpu.dma_semaphore, #tpu.memory_space<semaphore_mem>>
      %dma_start3A_317 = tpu.memref_slice %arg2[%add3A_135] : memref<16384xi32, #tpu.memory_space<hbm>> -> memref<32xi32, #tpu.memory_space<hbm>>
      %dma_start3A_318 = tpu.memref_slice %arg2[%add3A_135] : memref<16384xi32, #tpu.memory_space<hbm>> -> memref<32xi32, #tpu.memory_space<hbm>>
      tpu.enqueue_dma source(%dma_start3A_318 : memref<32xi32, #tpu.memory_space<hbm>>) target(%arg7 : memref<32xi32, #tpu.memory_space<vmem>>) target_semaphore(%run_scoped3A : memref<!tpu.dma_semaphore, #tpu.memory_space<semaphore_mem>>)
      %dma_wait3A_319 = tpu.memref_slice %arg2[%add3A_135] : memref<16384xi32, #tpu.memory_space<hbm>> -> memref<32xi32, #tpu.memory_space<hbm>>
      %dma_wait3A_320 = tpu.memref_slice %arg2[%add3A_135] : memref<16384xi32, #tpu.memory_space<hbm>> -> memref<32xi32, #tpu.memory_space<hbm>>
      tpu.wait_dma2 semaphore(%run_scoped3A : memref<!tpu.dma_semaphore, #tpu.memory_space<semaphore_mem>>) src(%dma_wait3A_320 : memref<32xi32, #tpu.memory_space<hbm>>) dst(%arg7 : memref<32xi32, #tpu.memory_space<vmem>>)
      tpu.yield
    }) : () -> ()
    %dma_start3A_136 = arith.constant 0 : i32
    %dma_start3A_137 = arith.constant 0 : i32
    %dma_start3A_138 = tpu.memref_slice %arg3[%dma_start3A_136, %dma_start3A_137] : memref<21128x768xf32, #tpu.memory_space<hbm>> -> memref<21128x768xf32, #tpu.memory_space<hbm>>
    tpu.enqueue_indirect_dma source(%dma_start3A_138 : memref<21128x768xf32, #tpu.memory_space<hbm>>) target(%arg9 : memref<32x768xf32, #tpu.memory_space<vmem>>) offsets(%arg7 : memref<32xi32, #tpu.memory_space<vmem>>) semaphore(%arg13 : memref<!tpu.dma_semaphore, #tpu.memory_space<semaphore_mem>>)
    %dma_wait3A_139 = arith.constant 0 : i32
    %dma_wait3A_140 = arith.constant 0 : i32
    %dma_wait3A_141 = tpu.memref_slice %arg3[%dma_wait3A_139, %dma_wait3A_140] : memref<21128x768xf32, #tpu.memory_space<hbm>> -> memref<21128x768xf32, #tpu.memory_space<hbm>>
    tpu.wait_indirect_dma semaphore(%arg14 : memref<!tpu.dma_semaphore, #tpu.memory_space<semaphore_mem>>) src(%dma_wait3A_141 : memref<21128x768xf32, #tpu.memory_space<hbm>>) dst(%arg10 : memref<32x768xf32, #tpu.memory_space<vmem>>)
    %add3A_142 = arith.constant 416 : i32
    %add3A_143 = arith.addi %multiple_of3A, %add3A_142 : i32
    "tpu.region"() ({
      %run_scoped3A = tpu.sem_alloc : memref<!tpu.dma_semaphore, #tpu.memory_space<semaphore_mem>>
      %dma_start3A_317 = arith.constant 0 : i32
      %dma_start3A_318 = tpu.memref_slice %arg5[%add3A_143, %dma_start3A_317] : memref<16384x768xf32, #tpu.memory_space<hbm>> -> memref<32x768xf32, #tpu.memory_space<hbm>>
      %dma_start3A_319 = arith.constant 0 : i32
      %dma_start3A_320 = tpu.memref_slice %arg5[%add3A_143, %dma_start3A_319] : memref<16384x768xf32, #tpu.memory_space<hbm>> -> memref<32x768xf32, #tpu.memory_space<hbm>>
      tpu.enqueue_dma source(%arg10 : memref<32x768xf32, #tpu.memory_space<vmem>>) target(%dma_start3A_320 : memref<32x768xf32, #tpu.memory_space<hbm>>) target_semaphore(%run_scoped3A : memref<!tpu.dma_semaphore, #tpu.memory_space<semaphore_mem>>)
      %dma_wait3A_321 = arith.constant 0 : i32
      %dma_wait3A_322 = tpu.memref_slice %arg5[%add3A_143, %dma_wait3A_321] : memref<16384x768xf32, #tpu.memory_space<hbm>> -> memref<32x768xf32, #tpu.memory_space<hbm>>
      %dma_wait3A_323 = arith.constant 0 : i32
      %dma_wait3A_324 = tpu.memref_slice %arg5[%add3A_143, %dma_wait3A_323] : memref<16384x768xf32, #tpu.memory_space<hbm>> -> memref<32x768xf32, #tpu.memory_space<hbm>>
      tpu.wait_dma2 semaphore(%run_scoped3A : memref<!tpu.dma_semaphore, #tpu.memory_space<semaphore_mem>>) src(%arg10 : memref<32x768xf32, #tpu.memory_space<vmem>>) dst(%dma_wait3A_324 : memref<32x768xf32, #tpu.memory_space<hbm>>)
      tpu.yield
    }) : () -> ()
    %add3A_144 = arith.constant 480 : i32
    %add3A_145 = arith.addi %multiple_of3A, %add3A_144 : i32
    "tpu.region"() ({
      %run_scoped3A = tpu.sem_alloc : memref<!tpu.dma_semaphore, #tpu.memory_space<semaphore_mem>>
      %dma_start3A_317 = tpu.memref_slice %arg2[%add3A_145] : memref<16384xi32, #tpu.memory_space<hbm>> -> memref<32xi32, #tpu.memory_space<hbm>>
      %dma_start3A_318 = tpu.memref_slice %arg2[%add3A_145] : memref<16384xi32, #tpu.memory_space<hbm>> -> memref<32xi32, #tpu.memory_space<hbm>>
      tpu.enqueue_dma source(%dma_start3A_318 : memref<32xi32, #tpu.memory_space<hbm>>) target(%arg8 : memref<32xi32, #tpu.memory_space<vmem>>) target_semaphore(%run_scoped3A : memref<!tpu.dma_semaphore, #tpu.memory_space<semaphore_mem>>)
      %dma_wait3A_319 = tpu.memref_slice %arg2[%add3A_145] : memref<16384xi32, #tpu.memory_space<hbm>> -> memref<32xi32, #tpu.memory_space<hbm>>
      %dma_wait3A_320 = tpu.memref_slice %arg2[%add3A_145] : memref<16384xi32, #tpu.memory_space<hbm>> -> memref<32xi32, #tpu.memory_space<hbm>>
      tpu.wait_dma2 semaphore(%run_scoped3A : memref<!tpu.dma_semaphore, #tpu.memory_space<semaphore_mem>>) src(%dma_wait3A_320 : memref<32xi32, #tpu.memory_space<hbm>>) dst(%arg8 : memref<32xi32, #tpu.memory_space<vmem>>)
      tpu.yield
    }) : () -> ()
    %dma_start3A_146 = arith.constant 0 : i32
    %dma_start3A_147 = arith.constant 0 : i32
    %dma_start3A_148 = tpu.memref_slice %arg3[%dma_start3A_146, %dma_start3A_147] : memref<21128x768xf32, #tpu.memory_space<hbm>> -> memref<21128x768xf32, #tpu.memory_space<hbm>>
    tpu.enqueue_indirect_dma source(%dma_start3A_148 : memref<21128x768xf32, #tpu.memory_space<hbm>>) target(%arg10 : memref<32x768xf32, #tpu.memory_space<vmem>>) offsets(%arg8 : memref<32xi32, #tpu.memory_space<vmem>>) semaphore(%arg14 : memref<!tpu.dma_semaphore, #tpu.memory_space<semaphore_mem>>)
    %dma_wait3A_149 = arith.constant 0 : i32
    %dma_wait3A_150 = arith.constant 0 : i32
    %dma_wait3A_151 = tpu.memref_slice %arg3[%dma_wait3A_149, %dma_wait3A_150] : memref<21128x768xf32, #tpu.memory_space<hbm>> -> memref<21128x768xf32, #tpu.memory_space<hbm>>
    tpu.wait_indirect_dma semaphore(%arg13 : memref<!tpu.dma_semaphore, #tpu.memory_space<semaphore_mem>>) src(%dma_wait3A_151 : memref<21128x768xf32, #tpu.memory_space<hbm>>) dst(%arg9 : memref<32x768xf32, #tpu.memory_space<vmem>>)
    %add3A_152 = arith.constant 448 : i32
    %add3A_153 = arith.addi %multiple_of3A, %add3A_152 : i32
    "tpu.region"() ({
      %run_scoped3A = tpu.sem_alloc : memref<!tpu.dma_semaphore, #tpu.memory_space<semaphore_mem>>
      %dma_start3A_317 = arith.constant 0 : i32
      %dma_start3A_318 = tpu.memref_slice %arg5[%add3A_153, %dma_start3A_317] : memref<16384x768xf32, #tpu.memory_space<hbm>> -> memref<32x768xf32, #tpu.memory_space<hbm>>
      %dma_start3A_319 = arith.constant 0 : i32
      %dma_start3A_320 = tpu.memref_slice %arg5[%add3A_153, %dma_start3A_319] : memref<16384x768xf32, #tpu.memory_space<hbm>> -> memref<32x768xf32, #tpu.memory_space<hbm>>
      tpu.enqueue_dma source(%arg9 : memref<32x768xf32, #tpu.memory_space<vmem>>) target(%dma_start3A_320 : memref<32x768xf32, #tpu.memory_space<hbm>>) target_semaphore(%run_scoped3A : memref<!tpu.dma_semaphore, #tpu.memory_space<semaphore_mem>>)
      %dma_wait3A_321 = arith.constant 0 : i32
      %dma_wait3A_322 = tpu.memref_slice %arg5[%add3A_153, %dma_wait3A_321] : memref<16384x768xf32, #tpu.memory_space<hbm>> -> memref<32x768xf32, #tpu.memory_space<hbm>>
      %dma_wait3A_323 = arith.constant 0 : i32
      %dma_wait3A_324 = tpu.memref_slice %arg5[%add3A_153, %dma_wait3A_323] : memref<16384x768xf32, #tpu.memory_space<hbm>> -> memref<32x768xf32, #tpu.memory_space<hbm>>
      tpu.wait_dma2 semaphore(%run_scoped3A : memref<!tpu.dma_semaphore, #tpu.memory_space<semaphore_mem>>) src(%arg9 : memref<32x768xf32, #tpu.memory_space<vmem>>) dst(%dma_wait3A_324 : memref<32x768xf32, #tpu.memory_space<hbm>>)
      tpu.yield
    }) : () -> ()
    %dma_wait3A_154 = arith.constant 0 : i32
    %dma_wait3A_155 = arith.constant 0 : i32
    %dma_wait3A_156 = tpu.memref_slice %arg3[%dma_wait3A_154, %dma_wait3A_155] : memref<21128x768xf32, #tpu.memory_space<hbm>> -> memref<21128x768xf32, #tpu.memory_space<hbm>>
    tpu.wait_indirect_dma semaphore(%arg14 : memref<!tpu.dma_semaphore, #tpu.memory_space<semaphore_mem>>) src(%dma_wait3A_156 : memref<21128x768xf32, #tpu.memory_space<hbm>>) dst(%arg10 : memref<32x768xf32, #tpu.memory_space<vmem>>)
    %add3A_157 = arith.constant 480 : i32
    %add3A_158 = arith.addi %multiple_of3A, %add3A_157 : i32
    "tpu.region"() ({
      %run_scoped3A = tpu.sem_alloc : memref<!tpu.dma_semaphore, #tpu.memory_space<semaphore_mem>>
      %dma_start3A_317 = arith.constant 0 : i32
      %dma_start3A_318 = tpu.memref_slice %arg5[%add3A_158, %dma_start3A_317] : memref<16384x768xf32, #tpu.memory_space<hbm>> -> memref<32x768xf32, #tpu.memory_space<hbm>>
      %dma_start3A_319 = arith.constant 0 : i32
      %dma_start3A_320 = tpu.memref_slice %arg5[%add3A_158, %dma_start3A_319] : memref<16384x768xf32, #tpu.memory_space<hbm>> -> memref<32x768xf32, #tpu.memory_space<hbm>>
      tpu.enqueue_dma source(%arg10 : memref<32x768xf32, #tpu.memory_space<vmem>>) target(%dma_start3A_320 : memref<32x768xf32, #tpu.memory_space<hbm>>) target_semaphore(%run_scoped3A : memref<!tpu.dma_semaphore, #tpu.memory_space<semaphore_mem>>)
      %dma_wait3A_321 = arith.constant 0 : i32
      %dma_wait3A_322 = tpu.memref_slice %arg5[%add3A_158, %dma_wait3A_321] : memref<16384x768xf32, #tpu.memory_space<hbm>> -> memref<32x768xf32, #tpu.memory_space<hbm>>
      %dma_wait3A_323 = arith.constant 0 : i32
      %dma_wait3A_324 = tpu.memref_slice %arg5[%add3A_158, %dma_wait3A_323] : memref<16384x768xf32, #tpu.memory_space<hbm>> -> memref<32x768xf32, #tpu.memory_space<hbm>>
      tpu.wait_dma2 semaphore(%run_scoped3A : memref<!tpu.dma_semaphore, #tpu.memory_space<semaphore_mem>>) src(%arg10 : memref<32x768xf32, #tpu.memory_space<vmem>>) dst(%dma_wait3A_324 : memref<32x768xf32, #tpu.memory_space<hbm>>)
      tpu.yield
    }) : () -> ()
    "tpu.region"() ({
      %run_scoped3A = tpu.sem_alloc : memref<!tpu.dma_semaphore, #tpu.memory_space<semaphore_mem>>
      %dma_start3A_317 = tpu.memref_slice %arg2[%multiple_of3A] : memref<16384xi32, #tpu.memory_space<hbm>> -> memref<32xi32, #tpu.memory_space<hbm>>
      %dma_start3A_318 = tpu.memref_slice %arg2[%multiple_of3A] : memref<16384xi32, #tpu.memory_space<hbm>> -> memref<32xi32, #tpu.memory_space<hbm>>
      tpu.enqueue_dma source(%dma_start3A_318 : memref<32xi32, #tpu.memory_space<hbm>>) target(%arg7 : memref<32xi32, #tpu.memory_space<vmem>>) target_semaphore(%run_scoped3A : memref<!tpu.dma_semaphore, #tpu.memory_space<semaphore_mem>>)
      %dma_wait3A_319 = tpu.memref_slice %arg2[%multiple_of3A] : memref<16384xi32, #tpu.memory_space<hbm>> -> memref<32xi32, #tpu.memory_space<hbm>>
      %dma_wait3A_320 = tpu.memref_slice %arg2[%multiple_of3A] : memref<16384xi32, #tpu.memory_space<hbm>> -> memref<32xi32, #tpu.memory_space<hbm>>
      tpu.wait_dma2 semaphore(%run_scoped3A : memref<!tpu.dma_semaphore, #tpu.memory_space<semaphore_mem>>) src(%dma_wait3A_320 : memref<32xi32, #tpu.memory_space<hbm>>) dst(%arg7 : memref<32xi32, #tpu.memory_space<vmem>>)
      tpu.yield
    }) : () -> ()
    %dma_start3A_159 = arith.constant 0 : i32
    %dma_start3A_160 = arith.constant 0 : i32
    %dma_start3A_161 = tpu.memref_slice %arg4[%dma_start3A_159, %dma_start3A_160] : memref<21128x384xf32, #tpu.memory_space<hbm>> -> memref<21128x384xf32, #tpu.memory_space<hbm>>
    tpu.enqueue_indirect_dma source(%dma_start3A_161 : memref<21128x384xf32, #tpu.memory_space<hbm>>) target(%arg11 : memref<32x384xf32, #tpu.memory_space<vmem>>) offsets(%arg7 : memref<32xi32, #tpu.memory_space<vmem>>) semaphore(%arg13 : memref<!tpu.dma_semaphore, #tpu.memory_space<semaphore_mem>>)
    %add3A_162 = arith.constant 32 : i32
    %add3A_163 = arith.addi %multiple_of3A, %add3A_162 : i32
    "tpu.region"() ({
      %run_scoped3A = tpu.sem_alloc : memref<!tpu.dma_semaphore, #tpu.memory_space<semaphore_mem>>
      %dma_start3A_317 = tpu.memref_slice %arg2[%add3A_163] : memref<16384xi32, #tpu.memory_space<hbm>> -> memref<32xi32, #tpu.memory_space<hbm>>
      %dma_start3A_318 = tpu.memref_slice %arg2[%add3A_163] : memref<16384xi32, #tpu.memory_space<hbm>> -> memref<32xi32, #tpu.memory_space<hbm>>
      tpu.enqueue_dma source(%dma_start3A_318 : memref<32xi32, #tpu.memory_space<hbm>>) target(%arg8 : memref<32xi32, #tpu.memory_space<vmem>>) target_semaphore(%run_scoped3A : memref<!tpu.dma_semaphore, #tpu.memory_space<semaphore_mem>>)
      %dma_wait3A_319 = tpu.memref_slice %arg2[%add3A_163] : memref<16384xi32, #tpu.memory_space<hbm>> -> memref<32xi32, #tpu.memory_space<hbm>>
      %dma_wait3A_320 = tpu.memref_slice %arg2[%add3A_163] : memref<16384xi32, #tpu.memory_space<hbm>> -> memref<32xi32, #tpu.memory_space<hbm>>
      tpu.wait_dma2 semaphore(%run_scoped3A : memref<!tpu.dma_semaphore, #tpu.memory_space<semaphore_mem>>) src(%dma_wait3A_320 : memref<32xi32, #tpu.memory_space<hbm>>) dst(%arg8 : memref<32xi32, #tpu.memory_space<vmem>>)
      tpu.yield
    }) : () -> ()
    %dma_start3A_164 = arith.constant 0 : i32
    %dma_start3A_165 = arith.constant 0 : i32
    %dma_start3A_166 = tpu.memref_slice %arg4[%dma_start3A_164, %dma_start3A_165] : memref<21128x384xf32, #tpu.memory_space<hbm>> -> memref<21128x384xf32, #tpu.memory_space<hbm>>
    tpu.enqueue_indirect_dma source(%dma_start3A_166 : memref<21128x384xf32, #tpu.memory_space<hbm>>) target(%arg12 : memref<32x384xf32, #tpu.memory_space<vmem>>) offsets(%arg8 : memref<32xi32, #tpu.memory_space<vmem>>) semaphore(%arg14 : memref<!tpu.dma_semaphore, #tpu.memory_space<semaphore_mem>>)
    %dma_wait3A_167 = arith.constant 0 : i32
    %dma_wait3A_168 = arith.constant 0 : i32
    %dma_wait3A_169 = tpu.memref_slice %arg4[%dma_wait3A_167, %dma_wait3A_168] : memref<21128x384xf32, #tpu.memory_space<hbm>> -> memref<21128x384xf32, #tpu.memory_space<hbm>>
    tpu.wait_indirect_dma semaphore(%arg13 : memref<!tpu.dma_semaphore, #tpu.memory_space<semaphore_mem>>) src(%dma_wait3A_169 : memref<21128x384xf32, #tpu.memory_space<hbm>>) dst(%arg11 : memref<32x384xf32, #tpu.memory_space<vmem>>)
    %add3A_170 = arith.constant 0 : i32
    %add3A_171 = arith.addi %multiple_of3A, %add3A_170 : i32
    "tpu.region"() ({
      %run_scoped3A = tpu.sem_alloc : memref<!tpu.dma_semaphore, #tpu.memory_space<semaphore_mem>>
      %dma_start3A_317 = arith.constant 0 : i32
      %dma_start3A_318 = tpu.memref_slice %arg6[%add3A_171, %dma_start3A_317] : memref<16384x384xf32, #tpu.memory_space<hbm>> -> memref<32x384xf32, #tpu.memory_space<hbm>>
      %dma_start3A_319 = arith.constant 0 : i32
      %dma_start3A_320 = tpu.memref_slice %arg6[%add3A_171, %dma_start3A_319] : memref<16384x384xf32, #tpu.memory_space<hbm>> -> memref<32x384xf32, #tpu.memory_space<hbm>>
      tpu.enqueue_dma source(%arg11 : memref<32x384xf32, #tpu.memory_space<vmem>>) target(%dma_start3A_320 : memref<32x384xf32, #tpu.memory_space<hbm>>) target_semaphore(%run_scoped3A : memref<!tpu.dma_semaphore, #tpu.memory_space<semaphore_mem>>)
      %dma_wait3A_321 = arith.constant 0 : i32
      %dma_wait3A_322 = tpu.memref_slice %arg6[%add3A_171, %dma_wait3A_321] : memref<16384x384xf32, #tpu.memory_space<hbm>> -> memref<32x384xf32, #tpu.memory_space<hbm>>
      %dma_wait3A_323 = arith.constant 0 : i32
      %dma_wait3A_324 = tpu.memref_slice %arg6[%add3A_171, %dma_wait3A_323] : memref<16384x384xf32, #tpu.memory_space<hbm>> -> memref<32x384xf32, #tpu.memory_space<hbm>>
      tpu.wait_dma2 semaphore(%run_scoped3A : memref<!tpu.dma_semaphore, #tpu.memory_space<semaphore_mem>>) src(%arg11 : memref<32x384xf32, #tpu.memory_space<vmem>>) dst(%dma_wait3A_324 : memref<32x384xf32, #tpu.memory_space<hbm>>)
      tpu.yield
    }) : () -> ()
    %add3A_172 = arith.constant 64 : i32
    %add3A_173 = arith.addi %multiple_of3A, %add3A_172 : i32
    "tpu.region"() ({
      %run_scoped3A = tpu.sem_alloc : memref<!tpu.dma_semaphore, #tpu.memory_space<semaphore_mem>>
      %dma_start3A_317 = tpu.memref_slice %arg2[%add3A_173] : memref<16384xi32, #tpu.memory_space<hbm>> -> memref<32xi32, #tpu.memory_space<hbm>>
      %dma_start3A_318 = tpu.memref_slice %arg2[%add3A_173] : memref<16384xi32, #tpu.memory_space<hbm>> -> memref<32xi32, #tpu.memory_space<hbm>>
      tpu.enqueue_dma source(%dma_start3A_318 : memref<32xi32, #tpu.memory_space<hbm>>) target(%arg7 : memref<32xi32, #tpu.memory_space<vmem>>) target_semaphore(%run_scoped3A : memref<!tpu.dma_semaphore, #tpu.memory_space<semaphore_mem>>)
      %dma_wait3A_319 = tpu.memref_slice %arg2[%add3A_173] : memref<16384xi32, #tpu.memory_space<hbm>> -> memref<32xi32, #tpu.memory_space<hbm>>
      %dma_wait3A_320 = tpu.memref_slice %arg2[%add3A_173] : memref<16384xi32, #tpu.memory_space<hbm>> -> memref<32xi32, #tpu.memory_space<hbm>>
      tpu.wait_dma2 semaphore(%run_scoped3A : memref<!tpu.dma_semaphore, #tpu.memory_space<semaphore_mem>>) src(%dma_wait3A_320 : memref<32xi32, #tpu.memory_space<hbm>>) dst(%arg7 : memref<32xi32, #tpu.memory_space<vmem>>)
      tpu.yield
    }) : () -> ()
    %dma_start3A_174 = arith.constant 0 : i32
    %dma_start3A_175 = arith.constant 0 : i32
    %dma_start3A_176 = tpu.memref_slice %arg4[%dma_start3A_174, %dma_start3A_175] : memref<21128x384xf32, #tpu.memory_space<hbm>> -> memref<21128x384xf32, #tpu.memory_space<hbm>>
    tpu.enqueue_indirect_dma source(%dma_start3A_176 : memref<21128x384xf32, #tpu.memory_space<hbm>>) target(%arg11 : memref<32x384xf32, #tpu.memory_space<vmem>>) offsets(%arg7 : memref<32xi32, #tpu.memory_space<vmem>>) semaphore(%arg13 : memref<!tpu.dma_semaphore, #tpu.memory_space<semaphore_mem>>)
    %dma_wait3A_177 = arith.constant 0 : i32
    %dma_wait3A_178 = arith.constant 0 : i32
    %dma_wait3A_179 = tpu.memref_slice %arg4[%dma_wait3A_177, %dma_wait3A_178] : memref<21128x384xf32, #tpu.memory_space<hbm>> -> memref<21128x384xf32, #tpu.memory_space<hbm>>
    tpu.wait_indirect_dma semaphore(%arg14 : memref<!tpu.dma_semaphore, #tpu.memory_space<semaphore_mem>>) src(%dma_wait3A_179 : memref<21128x384xf32, #tpu.memory_space<hbm>>) dst(%arg12 : memref<32x384xf32, #tpu.memory_space<vmem>>)
    %add3A_180 = arith.constant 32 : i32
    %add3A_181 = arith.addi %multiple_of3A, %add3A_180 : i32
    "tpu.region"() ({
      %run_scoped3A = tpu.sem_alloc : memref<!tpu.dma_semaphore, #tpu.memory_space<semaphore_mem>>
      %dma_start3A_317 = arith.constant 0 : i32
      %dma_start3A_318 = tpu.memref_slice %arg6[%add3A_181, %dma_start3A_317] : memref<16384x384xf32, #tpu.memory_space<hbm>> -> memref<32x384xf32, #tpu.memory_space<hbm>>
      %dma_start3A_319 = arith.constant 0 : i32
      %dma_start3A_320 = tpu.memref_slice %arg6[%add3A_181, %dma_start3A_319] : memref<16384x384xf32, #tpu.memory_space<hbm>> -> memref<32x384xf32, #tpu.memory_space<hbm>>
      tpu.enqueue_dma source(%arg12 : memref<32x384xf32, #tpu.memory_space<vmem>>) target(%dma_start3A_320 : memref<32x384xf32, #tpu.memory_space<hbm>>) target_semaphore(%run_scoped3A : memref<!tpu.dma_semaphore, #tpu.memory_space<semaphore_mem>>)
      %dma_wait3A_321 = arith.constant 0 : i32
      %dma_wait3A_322 = tpu.memref_slice %arg6[%add3A_181, %dma_wait3A_321] : memref<16384x384xf32, #tpu.memory_space<hbm>> -> memref<32x384xf32, #tpu.memory_space<hbm>>
      %dma_wait3A_323 = arith.constant 0 : i32
      %dma_wait3A_324 = tpu.memref_slice %arg6[%add3A_181, %dma_wait3A_323] : memref<16384x384xf32, #tpu.memory_space<hbm>> -> memref<32x384xf32, #tpu.memory_space<hbm>>
      tpu.wait_dma2 semaphore(%run_scoped3A : memref<!tpu.dma_semaphore, #tpu.memory_space<semaphore_mem>>) src(%arg12 : memref<32x384xf32, #tpu.memory_space<vmem>>) dst(%dma_wait3A_324 : memref<32x384xf32, #tpu.memory_space<hbm>>)
      tpu.yield
    }) : () -> ()
    %add3A_182 = arith.constant 96 : i32
    %add3A_183 = arith.addi %multiple_of3A, %add3A_182 : i32
    "tpu.region"() ({
      %run_scoped3A = tpu.sem_alloc : memref<!tpu.dma_semaphore, #tpu.memory_space<semaphore_mem>>
      %dma_start3A_317 = tpu.memref_slice %arg2[%add3A_183] : memref<16384xi32, #tpu.memory_space<hbm>> -> memref<32xi32, #tpu.memory_space<hbm>>
      %dma_start3A_318 = tpu.memref_slice %arg2[%add3A_183] : memref<16384xi32, #tpu.memory_space<hbm>> -> memref<32xi32, #tpu.memory_space<hbm>>
      tpu.enqueue_dma source(%dma_start3A_318 : memref<32xi32, #tpu.memory_space<hbm>>) target(%arg8 : memref<32xi32, #tpu.memory_space<vmem>>) target_semaphore(%run_scoped3A : memref<!tpu.dma_semaphore, #tpu.memory_space<semaphore_mem>>)
      %dma_wait3A_319 = tpu.memref_slice %arg2[%add3A_183] : memref<16384xi32, #tpu.memory_space<hbm>> -> memref<32xi32, #tpu.memory_space<hbm>>
      %dma_wait3A_320 = tpu.memref_slice %arg2[%add3A_183] : memref<16384xi32, #tpu.memory_space<hbm>> -> memref<32xi32, #tpu.memory_space<hbm>>
      tpu.wait_dma2 semaphore(%run_scoped3A : memref<!tpu.dma_semaphore, #tpu.memory_space<semaphore_mem>>) src(%dma_wait3A_320 : memref<32xi32, #tpu.memory_space<hbm>>) dst(%arg8 : memref<32xi32, #tpu.memory_space<vmem>>)
      tpu.yield
    }) : () -> ()
    %dma_start3A_184 = arith.constant 0 : i32
    %dma_start3A_185 = arith.constant 0 : i32
    %dma_start3A_186 = tpu.memref_slice %arg4[%dma_start3A_184, %dma_start3A_185] : memref<21128x384xf32, #tpu.memory_space<hbm>> -> memref<21128x384xf32, #tpu.memory_space<hbm>>
    tpu.enqueue_indirect_dma source(%dma_start3A_186 : memref<21128x384xf32, #tpu.memory_space<hbm>>) target(%arg12 : memref<32x384xf32, #tpu.memory_space<vmem>>) offsets(%arg8 : memref<32xi32, #tpu.memory_space<vmem>>) semaphore(%arg14 : memref<!tpu.dma_semaphore, #tpu.memory_space<semaphore_mem>>)
    %dma_wait3A_187 = arith.constant 0 : i32
    %dma_wait3A_188 = arith.constant 0 : i32
    %dma_wait3A_189 = tpu.memref_slice %arg4[%dma_wait3A_187, %dma_wait3A_188] : memref<21128x384xf32, #tpu.memory_space<hbm>> -> memref<21128x384xf32, #tpu.memory_space<hbm>>
    tpu.wait_indirect_dma semaphore(%arg13 : memref<!tpu.dma_semaphore, #tpu.memory_space<semaphore_mem>>) src(%dma_wait3A_189 : memref<21128x384xf32, #tpu.memory_space<hbm>>) dst(%arg11 : memref<32x384xf32, #tpu.memory_space<vmem>>)
    %add3A_190 = arith.constant 64 : i32
    %add3A_191 = arith.addi %multiple_of3A, %add3A_190 : i32
    "tpu.region"() ({
      %run_scoped3A = tpu.sem_alloc : memref<!tpu.dma_semaphore, #tpu.memory_space<semaphore_mem>>
      %dma_start3A_317 = arith.constant 0 : i32
      %dma_start3A_318 = tpu.memref_slice %arg6[%add3A_191, %dma_start3A_317] : memref<16384x384xf32, #tpu.memory_space<hbm>> -> memref<32x384xf32, #tpu.memory_space<hbm>>
      %dma_start3A_319 = arith.constant 0 : i32
      %dma_start3A_320 = tpu.memref_slice %arg6[%add3A_191, %dma_start3A_319] : memref<16384x384xf32, #tpu.memory_space<hbm>> -> memref<32x384xf32, #tpu.memory_space<hbm>>
      tpu.enqueue_dma source(%arg11 : memref<32x384xf32, #tpu.memory_space<vmem>>) target(%dma_start3A_320 : memref<32x384xf32, #tpu.memory_space<hbm>>) target_semaphore(%run_scoped3A : memref<!tpu.dma_semaphore, #tpu.memory_space<semaphore_mem>>)
      %dma_wait3A_321 = arith.constant 0 : i32
      %dma_wait3A_322 = tpu.memref_slice %arg6[%add3A_191, %dma_wait3A_321] : memref<16384x384xf32, #tpu.memory_space<hbm>> -> memref<32x384xf32, #tpu.memory_space<hbm>>
      %dma_wait3A_323 = arith.constant 0 : i32
      %dma_wait3A_324 = tpu.memref_slice %arg6[%add3A_191, %dma_wait3A_323] : memref<16384x384xf32, #tpu.memory_space<hbm>> -> memref<32x384xf32, #tpu.memory_space<hbm>>
      tpu.wait_dma2 semaphore(%run_scoped3A : memref<!tpu.dma_semaphore, #tpu.memory_space<semaphore_mem>>) src(%arg11 : memref<32x384xf32, #tpu.memory_space<vmem>>) dst(%dma_wait3A_324 : memref<32x384xf32, #tpu.memory_space<hbm>>)
      tpu.yield
    }) : () -> ()
    %add3A_192 = arith.constant 128 : i32
    %add3A_193 = arith.addi %multiple_of3A, %add3A_192 : i32
    "tpu.region"() ({
      %run_scoped3A = tpu.sem_alloc : memref<!tpu.dma_semaphore, #tpu.memory_space<semaphore_mem>>
      %dma_start3A_317 = tpu.memref_slice %arg2[%add3A_193] : memref<16384xi32, #tpu.memory_space<hbm>> -> memref<32xi32, #tpu.memory_space<hbm>>
      %dma_start3A_318 = tpu.memref_slice %arg2[%add3A_193] : memref<16384xi32, #tpu.memory_space<hbm>> -> memref<32xi32, #tpu.memory_space<hbm>>
      tpu.enqueue_dma source(%dma_start3A_318 : memref<32xi32, #tpu.memory_space<hbm>>) target(%arg7 : memref<32xi32, #tpu.memory_space<vmem>>) target_semaphore(%run_scoped3A : memref<!tpu.dma_semaphore, #tpu.memory_space<semaphore_mem>>)
      %dma_wait3A_319 = tpu.memref_slice %arg2[%add3A_193] : memref<16384xi32, #tpu.memory_space<hbm>> -> memref<32xi32, #tpu.memory_space<hbm>>
      %dma_wait3A_320 = tpu.memref_slice %arg2[%add3A_193] : memref<16384xi32, #tpu.memory_space<hbm>> -> memref<32xi32, #tpu.memory_space<hbm>>
      tpu.wait_dma2 semaphore(%run_scoped3A : memref<!tpu.dma_semaphore, #tpu.memory_space<semaphore_mem>>) src(%dma_wait3A_320 : memref<32xi32, #tpu.memory_space<hbm>>) dst(%arg7 : memref<32xi32, #tpu.memory_space<vmem>>)
      tpu.yield
    }) : () -> ()
    %dma_start3A_194 = arith.constant 0 : i32
    %dma_start3A_195 = arith.constant 0 : i32
    %dma_start3A_196 = tpu.memref_slice %arg4[%dma_start3A_194, %dma_start3A_195] : memref<21128x384xf32, #tpu.memory_space<hbm>> -> memref<21128x384xf32, #tpu.memory_space<hbm>>
    tpu.enqueue_indirect_dma source(%dma_start3A_196 : memref<21128x384xf32, #tpu.memory_space<hbm>>) target(%arg11 : memref<32x384xf32, #tpu.memory_space<vmem>>) offsets(%arg7 : memref<32xi32, #tpu.memory_space<vmem>>) semaphore(%arg13 : memref<!tpu.dma_semaphore, #tpu.memory_space<semaphore_mem>>)
    %dma_wait3A_197 = arith.constant 0 : i32
    %dma_wait3A_198 = arith.constant 0 : i32
    %dma_wait3A_199 = tpu.memref_slice %arg4[%dma_wait3A_197, %dma_wait3A_198] : memref<21128x384xf32, #tpu.memory_space<hbm>> -> memref<21128x384xf32, #tpu.memory_space<hbm>>
    tpu.wait_indirect_dma semaphore(%arg14 : memref<!tpu.dma_semaphore, #tpu.memory_space<semaphore_mem>>) src(%dma_wait3A_199 : memref<21128x384xf32, #tpu.memory_space<hbm>>) dst(%arg12 : memref<32x384xf32, #tpu.memory_space<vmem>>)
    %add3A_200 = arith.constant 96 : i32
    %add3A_201 = arith.addi %multiple_of3A, %add3A_200 : i32
    "tpu.region"() ({
      %run_scoped3A = tpu.sem_alloc : memref<!tpu.dma_semaphore, #tpu.memory_space<semaphore_mem>>
      %dma_start3A_317 = arith.constant 0 : i32
      %dma_start3A_318 = tpu.memref_slice %arg6[%add3A_201, %dma_start3A_317] : memref<16384x384xf32, #tpu.memory_space<hbm>> -> memref<32x384xf32, #tpu.memory_space<hbm>>
      %dma_start3A_319 = arith.constant 0 : i32
      %dma_start3A_320 = tpu.memref_slice %arg6[%add3A_201, %dma_start3A_319] : memref<16384x384xf32, #tpu.memory_space<hbm>> -> memref<32x384xf32, #tpu.memory_space<hbm>>
      tpu.enqueue_dma source(%arg12 : memref<32x384xf32, #tpu.memory_space<vmem>>) target(%dma_start3A_320 : memref<32x384xf32, #tpu.memory_space<hbm>>) target_semaphore(%run_scoped3A : memref<!tpu.dma_semaphore, #tpu.memory_space<semaphore_mem>>)
      %dma_wait3A_321 = arith.constant 0 : i32
      %dma_wait3A_322 = tpu.memref_slice %arg6[%add3A_201, %dma_wait3A_321] : memref<16384x384xf32, #tpu.memory_space<hbm>> -> memref<32x384xf32, #tpu.memory_space<hbm>>
      %dma_wait3A_323 = arith.constant 0 : i32
      %dma_wait3A_324 = tpu.memref_slice %arg6[%add3A_201, %dma_wait3A_323] : memref<16384x384xf32, #tpu.memory_space<hbm>> -> memref<32x384xf32, #tpu.memory_space<hbm>>
      tpu.wait_dma2 semaphore(%run_scoped3A : memref<!tpu.dma_semaphore, #tpu.memory_space<semaphore_mem>>) src(%arg12 : memref<32x384xf32, #tpu.memory_space<vmem>>) dst(%dma_wait3A_324 : memref<32x384xf32, #tpu.memory_space<hbm>>)
      tpu.yield
    }) : () -> ()
    %add3A_202 = arith.constant 160 : i32
    %add3A_203 = arith.addi %multiple_of3A, %add3A_202 : i32
    "tpu.region"() ({
      %run_scoped3A = tpu.sem_alloc : memref<!tpu.dma_semaphore, #tpu.memory_space<semaphore_mem>>
      %dma_start3A_317 = tpu.memref_slice %arg2[%add3A_203] : memref<16384xi32, #tpu.memory_space<hbm>> -> memref<32xi32, #tpu.memory_space<hbm>>
      %dma_start3A_318 = tpu.memref_slice %arg2[%add3A_203] : memref<16384xi32, #tpu.memory_space<hbm>> -> memref<32xi32, #tpu.memory_space<hbm>>
      tpu.enqueue_dma source(%dma_start3A_318 : memref<32xi32, #tpu.memory_space<hbm>>) target(%arg8 : memref<32xi32, #tpu.memory_space<vmem>>) target_semaphore(%run_scoped3A : memref<!tpu.dma_semaphore, #tpu.memory_space<semaphore_mem>>)
      %dma_wait3A_319 = tpu.memref_slice %arg2[%add3A_203] : memref<16384xi32, #tpu.memory_space<hbm>> -> memref<32xi32, #tpu.memory_space<hbm>>
      %dma_wait3A_320 = tpu.memref_slice %arg2[%add3A_203] : memref<16384xi32, #tpu.memory_space<hbm>> -> memref<32xi32, #tpu.memory_space<hbm>>
      tpu.wait_dma2 semaphore(%run_scoped3A : memref<!tpu.dma_semaphore, #tpu.memory_space<semaphore_mem>>) src(%dma_wait3A_320 : memref<32xi32, #tpu.memory_space<hbm>>) dst(%arg8 : memref<32xi32, #tpu.memory_space<vmem>>)
      tpu.yield
    }) : () -> ()
    %dma_start3A_204 = arith.constant 0 : i32
    %dma_start3A_205 = arith.constant 0 : i32
    %dma_start3A_206 = tpu.memref_slice %arg4[%dma_start3A_204, %dma_start3A_205] : memref<21128x384xf32, #tpu.memory_space<hbm>> -> memref<21128x384xf32, #tpu.memory_space<hbm>>
    tpu.enqueue_indirect_dma source(%dma_start3A_206 : memref<21128x384xf32, #tpu.memory_space<hbm>>) target(%arg12 : memref<32x384xf32, #tpu.memory_space<vmem>>) offsets(%arg8 : memref<32xi32, #tpu.memory_space<vmem>>) semaphore(%arg14 : memref<!tpu.dma_semaphore, #tpu.memory_space<semaphore_mem>>)
    %dma_wait3A_207 = arith.constant 0 : i32
    %dma_wait3A_208 = arith.constant 0 : i32
    %dma_wait3A_209 = tpu.memref_slice %arg4[%dma_wait3A_207, %dma_wait3A_208] : memref<21128x384xf32, #tpu.memory_space<hbm>> -> memref<21128x384xf32, #tpu.memory_space<hbm>>
    tpu.wait_indirect_dma semaphore(%arg13 : memref<!tpu.dma_semaphore, #tpu.memory_space<semaphore_mem>>) src(%dma_wait3A_209 : memref<21128x384xf32, #tpu.memory_space<hbm>>) dst(%arg11 : memref<32x384xf32, #tpu.memory_space<vmem>>)
    %add3A_210 = arith.constant 128 : i32
    %add3A_211 = arith.addi %multiple_of3A, %add3A_210 : i32
    "tpu.region"() ({
      %run_scoped3A = tpu.sem_alloc : memref<!tpu.dma_semaphore, #tpu.memory_space<semaphore_mem>>
      %dma_start3A_317 = arith.constant 0 : i32
      %dma_start3A_318 = tpu.memref_slice %arg6[%add3A_211, %dma_start3A_317] : memref<16384x384xf32, #tpu.memory_space<hbm>> -> memref<32x384xf32, #tpu.memory_space<hbm>>
      %dma_start3A_319 = arith.constant 0 : i32
      %dma_start3A_320 = tpu.memref_slice %arg6[%add3A_211, %dma_start3A_319] : memref<16384x384xf32, #tpu.memory_space<hbm>> -> memref<32x384xf32, #tpu.memory_space<hbm>>
      tpu.enqueue_dma source(%arg11 : memref<32x384xf32, #tpu.memory_space<vmem>>) target(%dma_start3A_320 : memref<32x384xf32, #tpu.memory_space<hbm>>) target_semaphore(%run_scoped3A : memref<!tpu.dma_semaphore, #tpu.memory_space<semaphore_mem>>)
      %dma_wait3A_321 = arith.constant 0 : i32
      %dma_wait3A_322 = tpu.memref_slice %arg6[%add3A_211, %dma_wait3A_321] : memref<16384x384xf32, #tpu.memory_space<hbm>> -> memref<32x384xf32, #tpu.memory_space<hbm>>
      %dma_wait3A_323 = arith.constant 0 : i32
      %dma_wait3A_324 = tpu.memref_slice %arg6[%add3A_211, %dma_wait3A_323] : memref<16384x384xf32, #tpu.memory_space<hbm>> -> memref<32x384xf32, #tpu.memory_space<hbm>>
      tpu.wait_dma2 semaphore(%run_scoped3A : memref<!tpu.dma_semaphore, #tpu.memory_space<semaphore_mem>>) src(%arg11 : memref<32x384xf32, #tpu.memory_space<vmem>>) dst(%dma_wait3A_324 : memref<32x384xf32, #tpu.memory_space<hbm>>)
      tpu.yield
    }) : () -> ()
    %add3A_212 = arith.constant 192 : i32
    %add3A_213 = arith.addi %multiple_of3A, %add3A_212 : i32
    "tpu.region"() ({
      %run_scoped3A = tpu.sem_alloc : memref<!tpu.dma_semaphore, #tpu.memory_space<semaphore_mem>>
      %dma_start3A_317 = tpu.memref_slice %arg2[%add3A_213] : memref<16384xi32, #tpu.memory_space<hbm>> -> memref<32xi32, #tpu.memory_space<hbm>>
      %dma_start3A_318 = tpu.memref_slice %arg2[%add3A_213] : memref<16384xi32, #tpu.memory_space<hbm>> -> memref<32xi32, #tpu.memory_space<hbm>>
      tpu.enqueue_dma source(%dma_start3A_318 : memref<32xi32, #tpu.memory_space<hbm>>) target(%arg7 : memref<32xi32, #tpu.memory_space<vmem>>) target_semaphore(%run_scoped3A : memref<!tpu.dma_semaphore, #tpu.memory_space<semaphore_mem>>)
      %dma_wait3A_319 = tpu.memref_slice %arg2[%add3A_213] : memref<16384xi32, #tpu.memory_space<hbm>> -> memref<32xi32, #tpu.memory_space<hbm>>
      %dma_wait3A_320 = tpu.memref_slice %arg2[%add3A_213] : memref<16384xi32, #tpu.memory_space<hbm>> -> memref<32xi32, #tpu.memory_space<hbm>>
      tpu.wait_dma2 semaphore(%run_scoped3A : memref<!tpu.dma_semaphore, #tpu.memory_space<semaphore_mem>>) src(%dma_wait3A_320 : memref<32xi32, #tpu.memory_space<hbm>>) dst(%arg7 : memref<32xi32, #tpu.memory_space<vmem>>)
      tpu.yield
    }) : () -> ()
    %dma_start3A_214 = arith.constant 0 : i32
    %dma_start3A_215 = arith.constant 0 : i32
    %dma_start3A_216 = tpu.memref_slice %arg4[%dma_start3A_214, %dma_start3A_215] : memref<21128x384xf32, #tpu.memory_space<hbm>> -> memref<21128x384xf32, #tpu.memory_space<hbm>>
    tpu.enqueue_indirect_dma source(%dma_start3A_216 : memref<21128x384xf32, #tpu.memory_space<hbm>>) target(%arg11 : memref<32x384xf32, #tpu.memory_space<vmem>>) offsets(%arg7 : memref<32xi32, #tpu.memory_space<vmem>>) semaphore(%arg13 : memref<!tpu.dma_semaphore, #tpu.memory_space<semaphore_mem>>)
    %dma_wait3A_217 = arith.constant 0 : i32
    %dma_wait3A_218 = arith.constant 0 : i32
    %dma_wait3A_219 = tpu.memref_slice %arg4[%dma_wait3A_217, %dma_wait3A_218] : memref<21128x384xf32, #tpu.memory_space<hbm>> -> memref<21128x384xf32, #tpu.memory_space<hbm>>
    tpu.wait_indirect_dma semaphore(%arg14 : memref<!tpu.dma_semaphore, #tpu.memory_space<semaphore_mem>>) src(%dma_wait3A_219 : memref<21128x384xf32, #tpu.memory_space<hbm>>) dst(%arg12 : memref<32x384xf32, #tpu.memory_space<vmem>>)
    %add3A_220 = arith.constant 160 : i32
    %add3A_221 = arith.addi %multiple_of3A, %add3A_220 : i32
    "tpu.region"() ({
      %run_scoped3A = tpu.sem_alloc : memref<!tpu.dma_semaphore, #tpu.memory_space<semaphore_mem>>
      %dma_start3A_317 = arith.constant 0 : i32
      %dma_start3A_318 = tpu.memref_slice %arg6[%add3A_221, %dma_start3A_317] : memref<16384x384xf32, #tpu.memory_space<hbm>> -> memref<32x384xf32, #tpu.memory_space<hbm>>
      %dma_start3A_319 = arith.constant 0 : i32
      %dma_start3A_320 = tpu.memref_slice %arg6[%add3A_221, %dma_start3A_319] : memref<16384x384xf32, #tpu.memory_space<hbm>> -> memref<32x384xf32, #tpu.memory_space<hbm>>
      tpu.enqueue_dma source(%arg12 : memref<32x384xf32, #tpu.memory_space<vmem>>) target(%dma_start3A_320 : memref<32x384xf32, #tpu.memory_space<hbm>>) target_semaphore(%run_scoped3A : memref<!tpu.dma_semaphore, #tpu.memory_space<semaphore_mem>>)
      %dma_wait3A_321 = arith.constant 0 : i32
      %dma_wait3A_322 = tpu.memref_slice %arg6[%add3A_221, %dma_wait3A_321] : memref<16384x384xf32, #tpu.memory_space<hbm>> -> memref<32x384xf32, #tpu.memory_space<hbm>>
      %dma_wait3A_323 = arith.constant 0 : i32
      %dma_wait3A_324 = tpu.memref_slice %arg6[%add3A_221, %dma_wait3A_323] : memref<16384x384xf32, #tpu.memory_space<hbm>> -> memref<32x384xf32, #tpu.memory_space<hbm>>
      tpu.wait_dma2 semaphore(%run_scoped3A : memref<!tpu.dma_semaphore, #tpu.memory_space<semaphore_mem>>) src(%arg12 : memref<32x384xf32, #tpu.memory_space<vmem>>) dst(%dma_wait3A_324 : memref<32x384xf32, #tpu.memory_space<hbm>>)
      tpu.yield
    }) : () -> ()
    %add3A_222 = arith.constant 224 : i32
    %add3A_223 = arith.addi %multiple_of3A, %add3A_222 : i32
    "tpu.region"() ({
      %run_scoped3A = tpu.sem_alloc : memref<!tpu.dma_semaphore, #tpu.memory_space<semaphore_mem>>
      %dma_start3A_317 = tpu.memref_slice %arg2[%add3A_223] : memref<16384xi32, #tpu.memory_space<hbm>> -> memref<32xi32, #tpu.memory_space<hbm>>
      %dma_start3A_318 = tpu.memref_slice %arg2[%add3A_223] : memref<16384xi32, #tpu.memory_space<hbm>> -> memref<32xi32, #tpu.memory_space<hbm>>
      tpu.enqueue_dma source(%dma_start3A_318 : memref<32xi32, #tpu.memory_space<hbm>>) target(%arg8 : memref<32xi32, #tpu.memory_space<vmem>>) target_semaphore(%run_scoped3A : memref<!tpu.dma_semaphore, #tpu.memory_space<semaphore_mem>>)
      %dma_wait3A_319 = tpu.memref_slice %arg2[%add3A_223] : memref<16384xi32, #tpu.memory_space<hbm>> -> memref<32xi32, #tpu.memory_space<hbm>>
      %dma_wait3A_320 = tpu.memref_slice %arg2[%add3A_223] : memref<16384xi32, #tpu.memory_space<hbm>> -> memref<32xi32, #tpu.memory_space<hbm>>
      tpu.wait_dma2 semaphore(%run_scoped3A : memref<!tpu.dma_semaphore, #tpu.memory_space<semaphore_mem>>) src(%dma_wait3A_320 : memref<32xi32, #tpu.memory_space<hbm>>) dst(%arg8 : memref<32xi32, #tpu.memory_space<vmem>>)
      tpu.yield
    }) : () -> ()
    %dma_start3A_224 = arith.constant 0 : i32
    %dma_start3A_225 = arith.constant 0 : i32
    %dma_start3A_226 = tpu.memref_slice %arg4[%dma_start3A_224, %dma_start3A_225] : memref<21128x384xf32, #tpu.memory_space<hbm>> -> memref<21128x384xf32, #tpu.memory_space<hbm>>
    tpu.enqueue_indirect_dma source(%dma_start3A_226 : memref<21128x384xf32, #tpu.memory_space<hbm>>) target(%arg12 : memref<32x384xf32, #tpu.memory_space<vmem>>) offsets(%arg8 : memref<32xi32, #tpu.memory_space<vmem>>) semaphore(%arg14 : memref<!tpu.dma_semaphore, #tpu.memory_space<semaphore_mem>>)
    %dma_wait3A_227 = arith.constant 0 : i32
    %dma_wait3A_228 = arith.constant 0 : i32
    %dma_wait3A_229 = tpu.memref_slice %arg4[%dma_wait3A_227, %dma_wait3A_228] : memref<21128x384xf32, #tpu.memory_space<hbm>> -> memref<21128x384xf32, #tpu.memory_space<hbm>>
    tpu.wait_indirect_dma semaphore(%arg13 : memref<!tpu.dma_semaphore, #tpu.memory_space<semaphore_mem>>) src(%dma_wait3A_229 : memref<21128x384xf32, #tpu.memory_space<hbm>>) dst(%arg11 : memref<32x384xf32, #tpu.memory_space<vmem>>)
    %add3A_230 = arith.constant 192 : i32
    %add3A_231 = arith.addi %multiple_of3A, %add3A_230 : i32
    "tpu.region"() ({
      %run_scoped3A = tpu.sem_alloc : memref<!tpu.dma_semaphore, #tpu.memory_space<semaphore_mem>>
      %dma_start3A_317 = arith.constant 0 : i32
      %dma_start3A_318 = tpu.memref_slice %arg6[%add3A_231, %dma_start3A_317] : memref<16384x384xf32, #tpu.memory_space<hbm>> -> memref<32x384xf32, #tpu.memory_space<hbm>>
      %dma_start3A_319 = arith.constant 0 : i32
      %dma_start3A_320 = tpu.memref_slice %arg6[%add3A_231, %dma_start3A_319] : memref<16384x384xf32, #tpu.memory_space<hbm>> -> memref<32x384xf32, #tpu.memory_space<hbm>>
      tpu.enqueue_dma source(%arg11 : memref<32x384xf32, #tpu.memory_space<vmem>>) target(%dma_start3A_320 : memref<32x384xf32, #tpu.memory_space<hbm>>) target_semaphore(%run_scoped3A : memref<!tpu.dma_semaphore, #tpu.memory_space<semaphore_mem>>)
      %dma_wait3A_321 = arith.constant 0 : i32
      %dma_wait3A_322 = tpu.memref_slice %arg6[%add3A_231, %dma_wait3A_321] : memref<16384x384xf32, #tpu.memory_space<hbm>> -> memref<32x384xf32, #tpu.memory_space<hbm>>
      %dma_wait3A_323 = arith.constant 0 : i32
      %dma_wait3A_324 = tpu.memref_slice %arg6[%add3A_231, %dma_wait3A_323] : memref<16384x384xf32, #tpu.memory_space<hbm>> -> memref<32x384xf32, #tpu.memory_space<hbm>>
      tpu.wait_dma2 semaphore(%run_scoped3A : memref<!tpu.dma_semaphore, #tpu.memory_space<semaphore_mem>>) src(%arg11 : memref<32x384xf32, #tpu.memory_space<vmem>>) dst(%dma_wait3A_324 : memref<32x384xf32, #tpu.memory_space<hbm>>)
      tpu.yield
    }) : () -> ()
    %add3A_232 = arith.constant 256 : i32
    %add3A_233 = arith.addi %multiple_of3A, %add3A_232 : i32
    "tpu.region"() ({
      %run_scoped3A = tpu.sem_alloc : memref<!tpu.dma_semaphore, #tpu.memory_space<semaphore_mem>>
      %dma_start3A_317 = tpu.memref_slice %arg2[%add3A_233] : memref<16384xi32, #tpu.memory_space<hbm>> -> memref<32xi32, #tpu.memory_space<hbm>>
      %dma_start3A_318 = tpu.memref_slice %arg2[%add3A_233] : memref<16384xi32, #tpu.memory_space<hbm>> -> memref<32xi32, #tpu.memory_space<hbm>>
      tpu.enqueue_dma source(%dma_start3A_318 : memref<32xi32, #tpu.memory_space<hbm>>) target(%arg7 : memref<32xi32, #tpu.memory_space<vmem>>) target_semaphore(%run_scoped3A : memref<!tpu.dma_semaphore, #tpu.memory_space<semaphore_mem>>)
      %dma_wait3A_319 = tpu.memref_slice %arg2[%add3A_233] : memref<16384xi32, #tpu.memory_space<hbm>> -> memref<32xi32, #tpu.memory_space<hbm>>
      %dma_wait3A_320 = tpu.memref_slice %arg2[%add3A_233] : memref<16384xi32, #tpu.memory_space<hbm>> -> memref<32xi32, #tpu.memory_space<hbm>>
      tpu.wait_dma2 semaphore(%run_scoped3A : memref<!tpu.dma_semaphore, #tpu.memory_space<semaphore_mem>>) src(%dma_wait3A_320 : memref<32xi32, #tpu.memory_space<hbm>>) dst(%arg7 : memref<32xi32, #tpu.memory_space<vmem>>)
      tpu.yield
    }) : () -> ()
    %dma_start3A_234 = arith.constant 0 : i32
    %dma_start3A_235 = arith.constant 0 : i32
    %dma_start3A_236 = tpu.memref_slice %arg4[%dma_start3A_234, %dma_start3A_235] : memref<21128x384xf32, #tpu.memory_space<hbm>> -> memref<21128x384xf32, #tpu.memory_space<hbm>>
    tpu.enqueue_indirect_dma source(%dma_start3A_236 : memref<21128x384xf32, #tpu.memory_space<hbm>>) target(%arg11 : memref<32x384xf32, #tpu.memory_space<vmem>>) offsets(%arg7 : memref<32xi32, #tpu.memory_space<vmem>>) semaphore(%arg13 : memref<!tpu.dma_semaphore, #tpu.memory_space<semaphore_mem>>)
    %dma_wait3A_237 = arith.constant 0 : i32
    %dma_wait3A_238 = arith.constant 0 : i32
    %dma_wait3A_239 = tpu.memref_slice %arg4[%dma_wait3A_237, %dma_wait3A_238] : memref<21128x384xf32, #tpu.memory_space<hbm>> -> memref<21128x384xf32, #tpu.memory_space<hbm>>
    tpu.wait_indirect_dma semaphore(%arg14 : memref<!tpu.dma_semaphore, #tpu.memory_space<semaphore_mem>>) src(%dma_wait3A_239 : memref<21128x384xf32, #tpu.memory_space<hbm>>) dst(%arg12 : memref<32x384xf32, #tpu.memory_space<vmem>>)
    %add3A_240 = arith.constant 224 : i32
    %add3A_241 = arith.addi %multiple_of3A, %add3A_240 : i32
    "tpu.region"() ({
      %run_scoped3A = tpu.sem_alloc : memref<!tpu.dma_semaphore, #tpu.memory_space<semaphore_mem>>
      %dma_start3A_317 = arith.constant 0 : i32
      %dma_start3A_318 = tpu.memref_slice %arg6[%add3A_241, %dma_start3A_317] : memref<16384x384xf32, #tpu.memory_space<hbm>> -> memref<32x384xf32, #tpu.memory_space<hbm>>
      %dma_start3A_319 = arith.constant 0 : i32
      %dma_start3A_320 = tpu.memref_slice %arg6[%add3A_241, %dma_start3A_319] : memref<16384x384xf32, #tpu.memory_space<hbm>> -> memref<32x384xf32, #tpu.memory_space<hbm>>
      tpu.enqueue_dma source(%arg12 : memref<32x384xf32, #tpu.memory_space<vmem>>) target(%dma_start3A_320 : memref<32x384xf32, #tpu.memory_space<hbm>>) target_semaphore(%run_scoped3A : memref<!tpu.dma_semaphore, #tpu.memory_space<semaphore_mem>>)
      %dma_wait3A_321 = arith.constant 0 : i32
      %dma_wait3A_322 = tpu.memref_slice %arg6[%add3A_241, %dma_wait3A_321] : memref<16384x384xf32, #tpu.memory_space<hbm>> -> memref<32x384xf32, #tpu.memory_space<hbm>>
      %dma_wait3A_323 = arith.constant 0 : i32
      %dma_wait3A_324 = tpu.memref_slice %arg6[%add3A_241, %dma_wait3A_323] : memref<16384x384xf32, #tpu.memory_space<hbm>> -> memref<32x384xf32, #tpu.memory_space<hbm>>
      tpu.wait_dma2 semaphore(%run_scoped3A : memref<!tpu.dma_semaphore, #tpu.memory_space<semaphore_mem>>) src(%arg12 : memref<32x384xf32, #tpu.memory_space<vmem>>) dst(%dma_wait3A_324 : memref<32x384xf32, #tpu.memory_space<hbm>>)
      tpu.yield
    }) : () -> ()
    %add3A_242 = arith.constant 288 : i32
    %add3A_243 = arith.addi %multiple_of3A, %add3A_242 : i32
    "tpu.region"() ({
      %run_scoped3A = tpu.sem_alloc : memref<!tpu.dma_semaphore, #tpu.memory_space<semaphore_mem>>
      %dma_start3A_317 = tpu.memref_slice %arg2[%add3A_243] : memref<16384xi32, #tpu.memory_space<hbm>> -> memref<32xi32, #tpu.memory_space<hbm>>
      %dma_start3A_318 = tpu.memref_slice %arg2[%add3A_243] : memref<16384xi32, #tpu.memory_space<hbm>> -> memref<32xi32, #tpu.memory_space<hbm>>
      tpu.enqueue_dma source(%dma_start3A_318 : memref<32xi32, #tpu.memory_space<hbm>>) target(%arg8 : memref<32xi32, #tpu.memory_space<vmem>>) target_semaphore(%run_scoped3A : memref<!tpu.dma_semaphore, #tpu.memory_space<semaphore_mem>>)
      %dma_wait3A_319 = tpu.memref_slice %arg2[%add3A_243] : memref<16384xi32, #tpu.memory_space<hbm>> -> memref<32xi32, #tpu.memory_space<hbm>>
      %dma_wait3A_320 = tpu.memref_slice %arg2[%add3A_243] : memref<16384xi32, #tpu.memory_space<hbm>> -> memref<32xi32, #tpu.memory_space<hbm>>
      tpu.wait_dma2 semaphore(%run_scoped3A : memref<!tpu.dma_semaphore, #tpu.memory_space<semaphore_mem>>) src(%dma_wait3A_320 : memref<32xi32, #tpu.memory_space<hbm>>) dst(%arg8 : memref<32xi32, #tpu.memory_space<vmem>>)
      tpu.yield
    }) : () -> ()
    %dma_start3A_244 = arith.constant 0 : i32
    %dma_start3A_245 = arith.constant 0 : i32
    %dma_start3A_246 = tpu.memref_slice %arg4[%dma_start3A_244, %dma_start3A_245] : memref<21128x384xf32, #tpu.memory_space<hbm>> -> memref<21128x384xf32, #tpu.memory_space<hbm>>
    tpu.enqueue_indirect_dma source(%dma_start3A_246 : memref<21128x384xf32, #tpu.memory_space<hbm>>) target(%arg12 : memref<32x384xf32, #tpu.memory_space<vmem>>) offsets(%arg8 : memref<32xi32, #tpu.memory_space<vmem>>) semaphore(%arg14 : memref<!tpu.dma_semaphore, #tpu.memory_space<semaphore_mem>>)
    %dma_wait3A_247 = arith.constant 0 : i32
    %dma_wait3A_248 = arith.constant 0 : i32
    %dma_wait3A_249 = tpu.memref_slice %arg4[%dma_wait3A_247, %dma_wait3A_248] : memref<21128x384xf32, #tpu.memory_space<hbm>> -> memref<21128x384xf32, #tpu.memory_space<hbm>>
    tpu.wait_indirect_dma semaphore(%arg13 : memref<!tpu.dma_semaphore, #tpu.memory_space<semaphore_mem>>) src(%dma_wait3A_249 : memref<21128x384xf32, #tpu.memory_space<hbm>>) dst(%arg11 : memref<32x384xf32, #tpu.memory_space<vmem>>)
    %add3A_250 = arith.constant 256 : i32
    %add3A_251 = arith.addi %multiple_of3A, %add3A_250 : i32
    "tpu.region"() ({
      %run_scoped3A = tpu.sem_alloc : memref<!tpu.dma_semaphore, #tpu.memory_space<semaphore_mem>>
      %dma_start3A_317 = arith.constant 0 : i32
      %dma_start3A_318 = tpu.memref_slice %arg6[%add3A_251, %dma_start3A_317] : memref<16384x384xf32, #tpu.memory_space<hbm>> -> memref<32x384xf32, #tpu.memory_space<hbm>>
      %dma_start3A_319 = arith.constant 0 : i32
      %dma_start3A_320 = tpu.memref_slice %arg6[%add3A_251, %dma_start3A_319] : memref<16384x384xf32, #tpu.memory_space<hbm>> -> memref<32x384xf32, #tpu.memory_space<hbm>>
      tpu.enqueue_dma source(%arg11 : memref<32x384xf32, #tpu.memory_space<vmem>>) target(%dma_start3A_320 : memref<32x384xf32, #tpu.memory_space<hbm>>) target_semaphore(%run_scoped3A : memref<!tpu.dma_semaphore, #tpu.memory_space<semaphore_mem>>)
      %dma_wait3A_321 = arith.constant 0 : i32
      %dma_wait3A_322 = tpu.memref_slice %arg6[%add3A_251, %dma_wait3A_321] : memref<16384x384xf32, #tpu.memory_space<hbm>> -> memref<32x384xf32, #tpu.memory_space<hbm>>
      %dma_wait3A_323 = arith.constant 0 : i32
      %dma_wait3A_324 = tpu.memref_slice %arg6[%add3A_251, %dma_wait3A_323] : memref<16384x384xf32, #tpu.memory_space<hbm>> -> memref<32x384xf32, #tpu.memory_space<hbm>>
      tpu.wait_dma2 semaphore(%run_scoped3A : memref<!tpu.dma_semaphore, #tpu.memory_space<semaphore_mem>>) src(%arg11 : memref<32x384xf32, #tpu.memory_space<vmem>>) dst(%dma_wait3A_324 : memref<32x384xf32, #tpu.memory_space<hbm>>)
      tpu.yield
    }) : () -> ()
    %add3A_252 = arith.constant 320 : i32
    %add3A_253 = arith.addi %multiple_of3A, %add3A_252 : i32
    "tpu.region"() ({
      %run_scoped3A = tpu.sem_alloc : memref<!tpu.dma_semaphore, #tpu.memory_space<semaphore_mem>>
      %dma_start3A_317 = tpu.memref_slice %arg2[%add3A_253] : memref<16384xi32, #tpu.memory_space<hbm>> -> memref<32xi32, #tpu.memory_space<hbm>>
      %dma_start3A_318 = tpu.memref_slice %arg2[%add3A_253] : memref<16384xi32, #tpu.memory_space<hbm>> -> memref<32xi32, #tpu.memory_space<hbm>>
      tpu.enqueue_dma source(%dma_start3A_318 : memref<32xi32, #tpu.memory_space<hbm>>) target(%arg7 : memref<32xi32, #tpu.memory_space<vmem>>) target_semaphore(%run_scoped3A : memref<!tpu.dma_semaphore, #tpu.memory_space<semaphore_mem>>)
      %dma_wait3A_319 = tpu.memref_slice %arg2[%add3A_253] : memref<16384xi32, #tpu.memory_space<hbm>> -> memref<32xi32, #tpu.memory_space<hbm>>
      %dma_wait3A_320 = tpu.memref_slice %arg2[%add3A_253] : memref<16384xi32, #tpu.memory_space<hbm>> -> memref<32xi32, #tpu.memory_space<hbm>>
      tpu.wait_dma2 semaphore(%run_scoped3A : memref<!tpu.dma_semaphore, #tpu.memory_space<semaphore_mem>>) src(%dma_wait3A_320 : memref<32xi32, #tpu.memory_space<hbm>>) dst(%arg7 : memref<32xi32, #tpu.memory_space<vmem>>)
      tpu.yield
    }) : () -> ()
    %dma_start3A_254 = arith.constant 0 : i32
    %dma_start3A_255 = arith.constant 0 : i32
    %dma_start3A_256 = tpu.memref_slice %arg4[%dma_start3A_254, %dma_start3A_255] : memref<21128x384xf32, #tpu.memory_space<hbm>> -> memref<21128x384xf32, #tpu.memory_space<hbm>>
    tpu.enqueue_indirect_dma source(%dma_start3A_256 : memref<21128x384xf32, #tpu.memory_space<hbm>>) target(%arg11 : memref<32x384xf32, #tpu.memory_space<vmem>>) offsets(%arg7 : memref<32xi32, #tpu.memory_space<vmem>>) semaphore(%arg13 : memref<!tpu.dma_semaphore, #tpu.memory_space<semaphore_mem>>)
    %dma_wait3A_257 = arith.constant 0 : i32
    %dma_wait3A_258 = arith.constant 0 : i32
    %dma_wait3A_259 = tpu.memref_slice %arg4[%dma_wait3A_257, %dma_wait3A_258] : memref<21128x384xf32, #tpu.memory_space<hbm>> -> memref<21128x384xf32, #tpu.memory_space<hbm>>
    tpu.wait_indirect_dma semaphore(%arg14 : memref<!tpu.dma_semaphore, #tpu.memory_space<semaphore_mem>>) src(%dma_wait3A_259 : memref<21128x384xf32, #tpu.memory_space<hbm>>) dst(%arg12 : memref<32x384xf32, #tpu.memory_space<vmem>>)
    %add3A_260 = arith.constant 288 : i32
    %add3A_261 = arith.addi %multiple_of3A, %add3A_260 : i32
    "tpu.region"() ({
      %run_scoped3A = tpu.sem_alloc : memref<!tpu.dma_semaphore, #tpu.memory_space<semaphore_mem>>
      %dma_start3A_317 = arith.constant 0 : i32
      %dma_start3A_318 = tpu.memref_slice %arg6[%add3A_261, %dma_start3A_317] : memref<16384x384xf32, #tpu.memory_space<hbm>> -> memref<32x384xf32, #tpu.memory_space<hbm>>
      %dma_start3A_319 = arith.constant 0 : i32
      %dma_start3A_320 = tpu.memref_slice %arg6[%add3A_261, %dma_start3A_319] : memref<16384x384xf32, #tpu.memory_space<hbm>> -> memref<32x384xf32, #tpu.memory_space<hbm>>
      tpu.enqueue_dma source(%arg12 : memref<32x384xf32, #tpu.memory_space<vmem>>) target(%dma_start3A_320 : memref<32x384xf32, #tpu.memory_space<hbm>>) target_semaphore(%run_scoped3A : memref<!tpu.dma_semaphore, #tpu.memory_space<semaphore_mem>>)
      %dma_wait3A_321 = arith.constant 0 : i32
      %dma_wait3A_322 = tpu.memref_slice %arg6[%add3A_261, %dma_wait3A_321] : memref<16384x384xf32, #tpu.memory_space<hbm>> -> memref<32x384xf32, #tpu.memory_space<hbm>>
      %dma_wait3A_323 = arith.constant 0 : i32
      %dma_wait3A_324 = tpu.memref_slice %arg6[%add3A_261, %dma_wait3A_323] : memref<16384x384xf32, #tpu.memory_space<hbm>> -> memref<32x384xf32, #tpu.memory_space<hbm>>
      tpu.wait_dma2 semaphore(%run_scoped3A : memref<!tpu.dma_semaphore, #tpu.memory_space<semaphore_mem>>) src(%arg12 : memref<32x384xf32, #tpu.memory_space<vmem>>) dst(%dma_wait3A_324 : memref<32x384xf32, #tpu.memory_space<hbm>>)
      tpu.yield
    }) : () -> ()
    %add3A_262 = arith.constant 352 : i32
    %add3A_263 = arith.addi %multiple_of3A, %add3A_262 : i32
    "tpu.region"() ({
      %run_scoped3A = tpu.sem_alloc : memref<!tpu.dma_semaphore, #tpu.memory_space<semaphore_mem>>
      %dma_start3A_317 = tpu.memref_slice %arg2[%add3A_263] : memref<16384xi32, #tpu.memory_space<hbm>> -> memref<32xi32, #tpu.memory_space<hbm>>
      %dma_start3A_318 = tpu.memref_slice %arg2[%add3A_263] : memref<16384xi32, #tpu.memory_space<hbm>> -> memref<32xi32, #tpu.memory_space<hbm>>
      tpu.enqueue_dma source(%dma_start3A_318 : memref<32xi32, #tpu.memory_space<hbm>>) target(%arg8 : memref<32xi32, #tpu.memory_space<vmem>>) target_semaphore(%run_scoped3A : memref<!tpu.dma_semaphore, #tpu.memory_space<semaphore_mem>>)
      %dma_wait3A_319 = tpu.memref_slice %arg2[%add3A_263] : memref<16384xi32, #tpu.memory_space<hbm>> -> memref<32xi32, #tpu.memory_space<hbm>>
      %dma_wait3A_320 = tpu.memref_slice %arg2[%add3A_263] : memref<16384xi32, #tpu.memory_space<hbm>> -> memref<32xi32, #tpu.memory_space<hbm>>
      tpu.wait_dma2 semaphore(%run_scoped3A : memref<!tpu.dma_semaphore, #tpu.memory_space<semaphore_mem>>) src(%dma_wait3A_320 : memref<32xi32, #tpu.memory_space<hbm>>) dst(%arg8 : memref<32xi32, #tpu.memory_space<vmem>>)
      tpu.yield
    }) : () -> ()
    %dma_start3A_264 = arith.constant 0 : i32
    %dma_start3A_265 = arith.constant 0 : i32
    %dma_start3A_266 = tpu.memref_slice %arg4[%dma_start3A_264, %dma_start3A_265] : memref<21128x384xf32, #tpu.memory_space<hbm>> -> memref<21128x384xf32, #tpu.memory_space<hbm>>
    tpu.enqueue_indirect_dma source(%dma_start3A_266 : memref<21128x384xf32, #tpu.memory_space<hbm>>) target(%arg12 : memref<32x384xf32, #tpu.memory_space<vmem>>) offsets(%arg8 : memref<32xi32, #tpu.memory_space<vmem>>) semaphore(%arg14 : memref<!tpu.dma_semaphore, #tpu.memory_space<semaphore_mem>>)
    %dma_wait3A_267 = arith.constant 0 : i32
    %dma_wait3A_268 = arith.constant 0 : i32
    %dma_wait3A_269 = tpu.memref_slice %arg4[%dma_wait3A_267, %dma_wait3A_268] : memref<21128x384xf32, #tpu.memory_space<hbm>> -> memref<21128x384xf32, #tpu.memory_space<hbm>>
    tpu.wait_indirect_dma semaphore(%arg13 : memref<!tpu.dma_semaphore, #tpu.memory_space<semaphore_mem>>) src(%dma_wait3A_269 : memref<21128x384xf32, #tpu.memory_space<hbm>>) dst(%arg11 : memref<32x384xf32, #tpu.memory_space<vmem>>)
    %add3A_270 = arith.constant 320 : i32
    %add3A_271 = arith.addi %multiple_of3A, %add3A_270 : i32
    "tpu.region"() ({
      %run_scoped3A = tpu.sem_alloc : memref<!tpu.dma_semaphore, #tpu.memory_space<semaphore_mem>>
      %dma_start3A_317 = arith.constant 0 : i32
      %dma_start3A_318 = tpu.memref_slice %arg6[%add3A_271, %dma_start3A_317] : memref<16384x384xf32, #tpu.memory_space<hbm>> -> memref<32x384xf32, #tpu.memory_space<hbm>>
      %dma_start3A_319 = arith.constant 0 : i32
      %dma_start3A_320 = tpu.memref_slice %arg6[%add3A_271, %dma_start3A_319] : memref<16384x384xf32, #tpu.memory_space<hbm>> -> memref<32x384xf32, #tpu.memory_space<hbm>>
      tpu.enqueue_dma source(%arg11 : memref<32x384xf32, #tpu.memory_space<vmem>>) target(%dma_start3A_320 : memref<32x384xf32, #tpu.memory_space<hbm>>) target_semaphore(%run_scoped3A : memref<!tpu.dma_semaphore, #tpu.memory_space<semaphore_mem>>)
      %dma_wait3A_321 = arith.constant 0 : i32
      %dma_wait3A_322 = tpu.memref_slice %arg6[%add3A_271, %dma_wait3A_321] : memref<16384x384xf32, #tpu.memory_space<hbm>> -> memref<32x384xf32, #tpu.memory_space<hbm>>
      %dma_wait3A_323 = arith.constant 0 : i32
      %dma_wait3A_324 = tpu.memref_slice %arg6[%add3A_271, %dma_wait3A_323] : memref<16384x384xf32, #tpu.memory_space<hbm>> -> memref<32x384xf32, #tpu.memory_space<hbm>>
      tpu.wait_dma2 semaphore(%run_scoped3A : memref<!tpu.dma_semaphore, #tpu.memory_space<semaphore_mem>>) src(%arg11 : memref<32x384xf32, #tpu.memory_space<vmem>>) dst(%dma_wait3A_324 : memref<32x384xf32, #tpu.memory_space<hbm>>)
      tpu.yield
    }) : () -> ()
    %add3A_272 = arith.constant 384 : i32
    %add3A_273 = arith.addi %multiple_of3A, %add3A_272 : i32
    "tpu.region"() ({
      %run_scoped3A = tpu.sem_alloc : memref<!tpu.dma_semaphore, #tpu.memory_space<semaphore_mem>>
      %dma_start3A_317 = tpu.memref_slice %arg2[%add3A_273] : memref<16384xi32, #tpu.memory_space<hbm>> -> memref<32xi32, #tpu.memory_space<hbm>>
      %dma_start3A_318 = tpu.memref_slice %arg2[%add3A_273] : memref<16384xi32, #tpu.memory_space<hbm>> -> memref<32xi32, #tpu.memory_space<hbm>>
      tpu.enqueue_dma source(%dma_start3A_318 : memref<32xi32, #tpu.memory_space<hbm>>) target(%arg7 : memref<32xi32, #tpu.memory_space<vmem>>) target_semaphore(%run_scoped3A : memref<!tpu.dma_semaphore, #tpu.memory_space<semaphore_mem>>)
      %dma_wait3A_319 = tpu.memref_slice %arg2[%add3A_273] : memref<16384xi32, #tpu.memory_space<hbm>> -> memref<32xi32, #tpu.memory_space<hbm>>
      %dma_wait3A_320 = tpu.memref_slice %arg2[%add3A_273] : memref<16384xi32, #tpu.memory_space<hbm>> -> memref<32xi32, #tpu.memory_space<hbm>>
      tpu.wait_dma2 semaphore(%run_scoped3A : memref<!tpu.dma_semaphore, #tpu.memory_space<semaphore_mem>>) src(%dma_wait3A_320 : memref<32xi32, #tpu.memory_space<hbm>>) dst(%arg7 : memref<32xi32, #tpu.memory_space<vmem>>)
      tpu.yield
    }) : () -> ()
    %dma_start3A_274 = arith.constant 0 : i32
    %dma_start3A_275 = arith.constant 0 : i32
    %dma_start3A_276 = tpu.memref_slice %arg4[%dma_start3A_274, %dma_start3A_275] : memref<21128x384xf32, #tpu.memory_space<hbm>> -> memref<21128x384xf32, #tpu.memory_space<hbm>>
    tpu.enqueue_indirect_dma source(%dma_start3A_276 : memref<21128x384xf32, #tpu.memory_space<hbm>>) target(%arg11 : memref<32x384xf32, #tpu.memory_space<vmem>>) offsets(%arg7 : memref<32xi32, #tpu.memory_space<vmem>>) semaphore(%arg13 : memref<!tpu.dma_semaphore, #tpu.memory_space<semaphore_mem>>)
    %dma_wait3A_277 = arith.constant 0 : i32
    %dma_wait3A_278 = arith.constant 0 : i32
    %dma_wait3A_279 = tpu.memref_slice %arg4[%dma_wait3A_277, %dma_wait3A_278] : memref<21128x384xf32, #tpu.memory_space<hbm>> -> memref<21128x384xf32, #tpu.memory_space<hbm>>
    tpu.wait_indirect_dma semaphore(%arg14 : memref<!tpu.dma_semaphore, #tpu.memory_space<semaphore_mem>>) src(%dma_wait3A_279 : memref<21128x384xf32, #tpu.memory_space<hbm>>) dst(%arg12 : memref<32x384xf32, #tpu.memory_space<vmem>>)
    %add3A_280 = arith.constant 352 : i32
    %add3A_281 = arith.addi %multiple_of3A, %add3A_280 : i32
    "tpu.region"() ({
      %run_scoped3A = tpu.sem_alloc : memref<!tpu.dma_semaphore, #tpu.memory_space<semaphore_mem>>
      %dma_start3A_317 = arith.constant 0 : i32
      %dma_start3A_318 = tpu.memref_slice %arg6[%add3A_281, %dma_start3A_317] : memref<16384x384xf32, #tpu.memory_space<hbm>> -> memref<32x384xf32, #tpu.memory_space<hbm>>
      %dma_start3A_319 = arith.constant 0 : i32
      %dma_start3A_320 = tpu.memref_slice %arg6[%add3A_281, %dma_start3A_319] : memref<16384x384xf32, #tpu.memory_space<hbm>> -> memref<32x384xf32, #tpu.memory_space<hbm>>
      tpu.enqueue_dma source(%arg12 : memref<32x384xf32, #tpu.memory_space<vmem>>) target(%dma_start3A_320 : memref<32x384xf32, #tpu.memory_space<hbm>>) target_semaphore(%run_scoped3A : memref<!tpu.dma_semaphore, #tpu.memory_space<semaphore_mem>>)
      %dma_wait3A_321 = arith.constant 0 : i32
      %dma_wait3A_322 = tpu.memref_slice %arg6[%add3A_281, %dma_wait3A_321] : memref<16384x384xf32, #tpu.memory_space<hbm>> -> memref<32x384xf32, #tpu.memory_space<hbm>>
      %dma_wait3A_323 = arith.constant 0 : i32
      %dma_wait3A_324 = tpu.memref_slice %arg6[%add3A_281, %dma_wait3A_323] : memref<16384x384xf32, #tpu.memory_space<hbm>> -> memref<32x384xf32, #tpu.memory_space<hbm>>
      tpu.wait_dma2 semaphore(%run_scoped3A : memref<!tpu.dma_semaphore, #tpu.memory_space<semaphore_mem>>) src(%arg12 : memref<32x384xf32, #tpu.memory_space<vmem>>) dst(%dma_wait3A_324 : memref<32x384xf32, #tpu.memory_space<hbm>>)
      tpu.yield
    }) : () -> ()
    %add3A_282 = arith.constant 416 : i32
    %add3A_283 = arith.addi %multiple_of3A, %add3A_282 : i32
    "tpu.region"() ({
      %run_scoped3A = tpu.sem_alloc : memref<!tpu.dma_semaphore, #tpu.memory_space<semaphore_mem>>
      %dma_start3A_317 = tpu.memref_slice %arg2[%add3A_283] : memref<16384xi32, #tpu.memory_space<hbm>> -> memref<32xi32, #tpu.memory_space<hbm>>
      %dma_start3A_318 = tpu.memref_slice %arg2[%add3A_283] : memref<16384xi32, #tpu.memory_space<hbm>> -> memref<32xi32, #tpu.memory_space<hbm>>
      tpu.enqueue_dma source(%dma_start3A_318 : memref<32xi32, #tpu.memory_space<hbm>>) target(%arg8 : memref<32xi32, #tpu.memory_space<vmem>>) target_semaphore(%run_scoped3A : memref<!tpu.dma_semaphore, #tpu.memory_space<semaphore_mem>>)
      %dma_wait3A_319 = tpu.memref_slice %arg2[%add3A_283] : memref<16384xi32, #tpu.memory_space<hbm>> -> memref<32xi32, #tpu.memory_space<hbm>>
      %dma_wait3A_320 = tpu.memref_slice %arg2[%add3A_283] : memref<16384xi32, #tpu.memory_space<hbm>> -> memref<32xi32, #tpu.memory_space<hbm>>
      tpu.wait_dma2 semaphore(%run_scoped3A : memref<!tpu.dma_semaphore, #tpu.memory_space<semaphore_mem>>) src(%dma_wait3A_320 : memref<32xi32, #tpu.memory_space<hbm>>) dst(%arg8 : memref<32xi32, #tpu.memory_space<vmem>>)
      tpu.yield
    }) : () -> ()
    %dma_start3A_284 = arith.constant 0 : i32
    %dma_start3A_285 = arith.constant 0 : i32
    %dma_start3A_286 = tpu.memref_slice %arg4[%dma_start3A_284, %dma_start3A_285] : memref<21128x384xf32, #tpu.memory_space<hbm>> -> memref<21128x384xf32, #tpu.memory_space<hbm>>
    tpu.enqueue_indirect_dma source(%dma_start3A_286 : memref<21128x384xf32, #tpu.memory_space<hbm>>) target(%arg12 : memref<32x384xf32, #tpu.memory_space<vmem>>) offsets(%arg8 : memref<32xi32, #tpu.memory_space<vmem>>) semaphore(%arg14 : memref<!tpu.dma_semaphore, #tpu.memory_space<semaphore_mem>>)
    %dma_wait3A_287 = arith.constant 0 : i32
    %dma_wait3A_288 = arith.constant 0 : i32
    %dma_wait3A_289 = tpu.memref_slice %arg4[%dma_wait3A_287, %dma_wait3A_288] : memref<21128x384xf32, #tpu.memory_space<hbm>> -> memref<21128x384xf32, #tpu.memory_space<hbm>>
    tpu.wait_indirect_dma semaphore(%arg13 : memref<!tpu.dma_semaphore, #tpu.memory_space<semaphore_mem>>) src(%dma_wait3A_289 : memref<21128x384xf32, #tpu.memory_space<hbm>>) dst(%arg11 : memref<32x384xf32, #tpu.memory_space<vmem>>)
    %add3A_290 = arith.constant 384 : i32
    %add3A_291 = arith.addi %multiple_of3A, %add3A_290 : i32
    "tpu.region"() ({
      %run_scoped3A = tpu.sem_alloc : memref<!tpu.dma_semaphore, #tpu.memory_space<semaphore_mem>>
      %dma_start3A_317 = arith.constant 0 : i32
      %dma_start3A_318 = tpu.memref_slice %arg6[%add3A_291, %dma_start3A_317] : memref<16384x384xf32, #tpu.memory_space<hbm>> -> memref<32x384xf32, #tpu.memory_space<hbm>>
      %dma_start3A_319 = arith.constant 0 : i32
      %dma_start3A_320 = tpu.memref_slice %arg6[%add3A_291, %dma_start3A_319] : memref<16384x384xf32, #tpu.memory_space<hbm>> -> memref<32x384xf32, #tpu.memory_space<hbm>>
      tpu.enqueue_dma source(%arg11 : memref<32x384xf32, #tpu.memory_space<vmem>>) target(%dma_start3A_320 : memref<32x384xf32, #tpu.memory_space<hbm>>) target_semaphore(%run_scoped3A : memref<!tpu.dma_semaphore, #tpu.memory_space<semaphore_mem>>)
      %dma_wait3A_321 = arith.constant 0 : i32
      %dma_wait3A_322 = tpu.memref_slice %arg6[%add3A_291, %dma_wait3A_321] : memref<16384x384xf32, #tpu.memory_space<hbm>> -> memref<32x384xf32, #tpu.memory_space<hbm>>
      %dma_wait3A_323 = arith.constant 0 : i32
      %dma_wait3A_324 = tpu.memref_slice %arg6[%add3A_291, %dma_wait3A_323] : memref<16384x384xf32, #tpu.memory_space<hbm>> -> memref<32x384xf32, #tpu.memory_space<hbm>>
      tpu.wait_dma2 semaphore(%run_scoped3A : memref<!tpu.dma_semaphore, #tpu.memory_space<semaphore_mem>>) src(%arg11 : memref<32x384xf32, #tpu.memory_space<vmem>>) dst(%dma_wait3A_324 : memref<32x384xf32, #tpu.memory_space<hbm>>)
      tpu.yield
    }) : () -> ()
    %add3A_292 = arith.constant 448 : i32
    %add3A_293 = arith.addi %multiple_of3A, %add3A_292 : i32
    "tpu.region"() ({
      %run_scoped3A = tpu.sem_alloc : memref<!tpu.dma_semaphore, #tpu.memory_space<semaphore_mem>>
      %dma_start3A_317 = tpu.memref_slice %arg2[%add3A_293] : memref<16384xi32, #tpu.memory_space<hbm>> -> memref<32xi32, #tpu.memory_space<hbm>>
      %dma_start3A_318 = tpu.memref_slice %arg2[%add3A_293] : memref<16384xi32, #tpu.memory_space<hbm>> -> memref<32xi32, #tpu.memory_space<hbm>>
      tpu.enqueue_dma source(%dma_start3A_318 : memref<32xi32, #tpu.memory_space<hbm>>) target(%arg7 : memref<32xi32, #tpu.memory_space<vmem>>) target_semaphore(%run_scoped3A : memref<!tpu.dma_semaphore, #tpu.memory_space<semaphore_mem>>)
      %dma_wait3A_319 = tpu.memref_slice %arg2[%add3A_293] : memref<16384xi32, #tpu.memory_space<hbm>> -> memref<32xi32, #tpu.memory_space<hbm>>
      %dma_wait3A_320 = tpu.memref_slice %arg2[%add3A_293] : memref<16384xi32, #tpu.memory_space<hbm>> -> memref<32xi32, #tpu.memory_space<hbm>>
      tpu.wait_dma2 semaphore(%run_scoped3A : memref<!tpu.dma_semaphore, #tpu.memory_space<semaphore_mem>>) src(%dma_wait3A_320 : memref<32xi32, #tpu.memory_space<hbm>>) dst(%arg7 : memref<32xi32, #tpu.memory_space<vmem>>)
      tpu.yield
    }) : () -> ()
    %dma_start3A_294 = arith.constant 0 : i32
    %dma_start3A_295 = arith.constant 0 : i32
    %dma_start3A_296 = tpu.memref_slice %arg4[%dma_start3A_294, %dma_start3A_295] : memref<21128x384xf32, #tpu.memory_space<hbm>> -> memref<21128x384xf32, #tpu.memory_space<hbm>>
    tpu.enqueue_indirect_dma source(%dma_start3A_296 : memref<21128x384xf32, #tpu.memory_space<hbm>>) target(%arg11 : memref<32x384xf32, #tpu.memory_space<vmem>>) offsets(%arg7 : memref<32xi32, #tpu.memory_space<vmem>>) semaphore(%arg13 : memref<!tpu.dma_semaphore, #tpu.memory_space<semaphore_mem>>)
    %dma_wait3A_297 = arith.constant 0 : i32
    %dma_wait3A_298 = arith.constant 0 : i32
    %dma_wait3A_299 = tpu.memref_slice %arg4[%dma_wait3A_297, %dma_wait3A_298] : memref<21128x384xf32, #tpu.memory_space<hbm>> -> memref<21128x384xf32, #tpu.memory_space<hbm>>
    tpu.wait_indirect_dma semaphore(%arg14 : memref<!tpu.dma_semaphore, #tpu.memory_space<semaphore_mem>>) src(%dma_wait3A_299 : memref<21128x384xf32, #tpu.memory_space<hbm>>) dst(%arg12 : memref<32x384xf32, #tpu.memory_space<vmem>>)
    %add3A_300 = arith.constant 416 : i32
    %add3A_301 = arith.addi %multiple_of3A, %add3A_300 : i32
    "tpu.region"() ({
      %run_scoped3A = tpu.sem_alloc : memref<!tpu.dma_semaphore, #tpu.memory_space<semaphore_mem>>
      %dma_start3A_317 = arith.constant 0 : i32
      %dma_start3A_318 = tpu.memref_slice %arg6[%add3A_301, %dma_start3A_317] : memref<16384x384xf32, #tpu.memory_space<hbm>> -> memref<32x384xf32, #tpu.memory_space<hbm>>
      %dma_start3A_319 = arith.constant 0 : i32
      %dma_start3A_320 = tpu.memref_slice %arg6[%add3A_301, %dma_start3A_319] : memref<16384x384xf32, #tpu.memory_space<hbm>> -> memref<32x384xf32, #tpu.memory_space<hbm>>
      tpu.enqueue_dma source(%arg12 : memref<32x384xf32, #tpu.memory_space<vmem>>) target(%dma_start3A_320 : memref<32x384xf32, #tpu.memory_space<hbm>>) target_semaphore(%run_scoped3A : memref<!tpu.dma_semaphore, #tpu.memory_space<semaphore_mem>>)
      %dma_wait3A_321 = arith.constant 0 : i32
      %dma_wait3A_322 = tpu.memref_slice %arg6[%add3A_301, %dma_wait3A_321] : memref<16384x384xf32, #tpu.memory_space<hbm>> -> memref<32x384xf32, #tpu.memory_space<hbm>>
      %dma_wait3A_323 = arith.constant 0 : i32
      %dma_wait3A_324 = tpu.memref_slice %arg6[%add3A_301, %dma_wait3A_323] : memref<16384x384xf32, #tpu.memory_space<hbm>> -> memref<32x384xf32, #tpu.memory_space<hbm>>
      tpu.wait_dma2 semaphore(%run_scoped3A : memref<!tpu.dma_semaphore, #tpu.memory_space<semaphore_mem>>) src(%arg12 : memref<32x384xf32, #tpu.memory_space<vmem>>) dst(%dma_wait3A_324 : memref<32x384xf32, #tpu.memory_space<hbm>>)
      tpu.yield
    }) : () -> ()
    %add3A_302 = arith.constant 480 : i32
    %add3A_303 = arith.addi %multiple_of3A, %add3A_302 : i32
    "tpu.region"() ({
      %run_scoped3A = tpu.sem_alloc : memref<!tpu.dma_semaphore, #tpu.memory_space<semaphore_mem>>
      %dma_start3A_317 = tpu.memref_slice %arg2[%add3A_303] : memref<16384xi32, #tpu.memory_space<hbm>> -> memref<32xi32, #tpu.memory_space<hbm>>
      %dma_start3A_318 = tpu.memref_slice %arg2[%add3A_303] : memref<16384xi32, #tpu.memory_space<hbm>> -> memref<32xi32, #tpu.memory_space<hbm>>
      tpu.enqueue_dma source(%dma_start3A_318 : memref<32xi32, #tpu.memory_space<hbm>>) target(%arg8 : memref<32xi32, #tpu.memory_space<vmem>>) target_semaphore(%run_scoped3A : memref<!tpu.dma_semaphore, #tpu.memory_space<semaphore_mem>>)
      %dma_wait3A_319 = tpu.memref_slice %arg2[%add3A_303] : memref<16384xi32, #tpu.memory_space<hbm>> -> memref<32xi32, #tpu.memory_space<hbm>>
      %dma_wait3A_320 = tpu.memref_slice %arg2[%add3A_303] : memref<16384xi32, #tpu.memory_space<hbm>> -> memref<32xi32, #tpu.memory_space<hbm>>
      tpu.wait_dma2 semaphore(%run_scoped3A : memref<!tpu.dma_semaphore, #tpu.memory_space<semaphore_mem>>) src(%dma_wait3A_320 : memref<32xi32, #tpu.memory_space<hbm>>) dst(%arg8 : memref<32xi32, #tpu.memory_space<vmem>>)
      tpu.yield
    }) : () -> ()
    %dma_start3A_304 = arith.constant 0 : i32
    %dma_start3A_305 = arith.constant 0 : i32
    %dma_start3A_306 = tpu.memref_slice %arg4[%dma_start3A_304, %dma_start3A_305] : memref<21128x384xf32, #tpu.memory_space<hbm>> -> memref<21128x384xf32, #tpu.memory_space<hbm>>
    tpu.enqueue_indirect_dma source(%dma_start3A_306 : memref<21128x384xf32, #tpu.memory_space<hbm>>) target(%arg12 : memref<32x384xf32, #tpu.memory_space<vmem>>) offsets(%arg8 : memref<32xi32, #tpu.memory_space<vmem>>) semaphore(%arg14 : memref<!tpu.dma_semaphore, #tpu.memory_space<semaphore_mem>>)
    %dma_wait3A_307 = arith.constant 0 : i32
    %dma_wait3A_308 = arith.constant 0 : i32
    %dma_wait3A_309 = tpu.memref_slice %arg4[%dma_wait3A_307, %dma_wait3A_308] : memref<21128x384xf32, #tpu.memory_space<hbm>> -> memref<21128x384xf32, #tpu.memory_space<hbm>>
    tpu.wait_indirect_dma semaphore(%arg13 : memref<!tpu.dma_semaphore, #tpu.memory_space<semaphore_mem>>) src(%dma_wait3A_309 : memref<21128x384xf32, #tpu.memory_space<hbm>>) dst(%arg11 : memref<32x384xf32, #tpu.memory_space<vmem>>)
    %add3A_310 = arith.constant 448 : i32
    %add3A_311 = arith.addi %multiple_of3A, %add3A_310 : i32
    "tpu.region"() ({
      %run_scoped3A = tpu.sem_alloc : memref<!tpu.dma_semaphore, #tpu.memory_space<semaphore_mem>>
      %dma_start3A_317 = arith.constant 0 : i32
      %dma_start3A_318 = tpu.memref_slice %arg6[%add3A_311, %dma_start3A_317] : memref<16384x384xf32, #tpu.memory_space<hbm>> -> memref<32x384xf32, #tpu.memory_space<hbm>>
      %dma_start3A_319 = arith.constant 0 : i32
      %dma_start3A_320 = tpu.memref_slice %arg6[%add3A_311, %dma_start3A_319] : memref<16384x384xf32, #tpu.memory_space<hbm>> -> memref<32x384xf32, #tpu.memory_space<hbm>>
      tpu.enqueue_dma source(%arg11 : memref<32x384xf32, #tpu.memory_space<vmem>>) target(%dma_start3A_320 : memref<32x384xf32, #tpu.memory_space<hbm>>) target_semaphore(%run_scoped3A : memref<!tpu.dma_semaphore, #tpu.memory_space<semaphore_mem>>)
      %dma_wait3A_321 = arith.constant 0 : i32
      %dma_wait3A_322 = tpu.memref_slice %arg6[%add3A_311, %dma_wait3A_321] : memref<16384x384xf32, #tpu.memory_space<hbm>> -> memref<32x384xf32, #tpu.memory_space<hbm>>
      %dma_wait3A_323 = arith.constant 0 : i32
      %dma_wait3A_324 = tpu.memref_slice %arg6[%add3A_311, %dma_wait3A_323] : memref<16384x384xf32, #tpu.memory_space<hbm>> -> memref<32x384xf32, #tpu.memory_space<hbm>>
      tpu.wait_dma2 semaphore(%run_scoped3A : memref<!tpu.dma_semaphore, #tpu.memory_space<semaphore_mem>>) src(%arg11 : memref<32x384xf32, #tpu.memory_space<vmem>>) dst(%dma_wait3A_324 : memref<32x384xf32, #tpu.memory_space<hbm>>)
      tpu.yield
    }) : () -> ()
    %dma_wait3A_312 = arith.constant 0 : i32
    %dma_wait3A_313 = arith.constant 0 : i32
    %dma_wait3A_314 = tpu.memref_slice %arg4[%dma_wait3A_312, %dma_wait3A_313] : memref<21128x384xf32, #tpu.memory_space<hbm>> -> memref<21128x384xf32, #tpu.memory_space<hbm>>
    tpu.wait_indirect_dma semaphore(%arg14 : memref<!tpu.dma_semaphore, #tpu.memory_space<semaphore_mem>>) src(%dma_wait3A_314 : memref<21128x384xf32, #tpu.memory_space<hbm>>) dst(%arg12 : memref<32x384xf32, #tpu.memory_space<vmem>>)
    %add3A_315 = arith.constant 480 : i32
    %add3A_316 = arith.addi %multiple_of3A, %add3A_315 : i32
    "tpu.region"() ({
      %run_scoped3A = tpu.sem_alloc : memref<!tpu.dma_semaphore, #tpu.memory_space<semaphore_mem>>
      %dma_start3A_317 = arith.constant 0 : i32
      %dma_start3A_318 = tpu.memref_slice %arg6[%add3A_316, %dma_start3A_317] : memref<16384x384xf32, #tpu.memory_space<hbm>> -> memref<32x384xf32, #tpu.memory_space<hbm>>
      %dma_start3A_319 = arith.constant 0 : i32
      %dma_start3A_320 = tpu.memref_slice %arg6[%add3A_316, %dma_start3A_319] : memref<16384x384xf32, #tpu.memory_space<hbm>> -> memref<32x384xf32, #tpu.memory_space<hbm>>
      tpu.enqueue_dma source(%arg12 : memref<32x384xf32, #tpu.memory_space<vmem>>) target(%dma_start3A_320 : memref<32x384xf32, #tpu.memory_space<hbm>>) target_semaphore(%run_scoped3A : memref<!tpu.dma_semaphore, #tpu.memory_space<semaphore_mem>>)
      %dma_wait3A_321 = arith.constant 0 : i32
      %dma_wait3A_322 = tpu.memref_slice %arg6[%add3A_316, %dma_wait3A_321] : memref<16384x384xf32, #tpu.memory_space<hbm>> -> memref<32x384xf32, #tpu.memory_space<hbm>>
      %dma_wait3A_323 = arith.constant 0 : i32
      %dma_wait3A_324 = tpu.memref_slice %arg6[%add3A_316, %dma_wait3A_323] : memref<16384x384xf32, #tpu.memory_space<hbm>> -> memref<32x384xf32, #tpu.memory_space<hbm>>
      tpu.wait_dma2 semaphore(%run_scoped3A : memref<!tpu.dma_semaphore, #tpu.memory_space<semaphore_mem>>) src(%arg12 : memref<32x384xf32, #tpu.memory_space<vmem>>) dst(%dma_wait3A_324 : memref<32x384xf32, #tpu.memory_space<hbm>>)
      tpu.yield
    }) : () -> ()
    return
  }
}

module attributes {stable_mosaic.version = 14 : i64} {
  func.func @_glyph_proj_body(%arg0: i32, %arg1: memref<512x1728xf32, #tpu.memory_space<vmem>>, %arg2: memref<512x1728xf32, #tpu.memory_space<vmem>>, %arg3: memref<1728x768xbf16, #tpu.memory_space<vmem>>, %arg4: memref<1024x384xf32, #tpu.memory_space<vmem>>) attributes {dimension_semantics = [#tpu.dimension_semantics<arbitrary>], iteration_bounds = array<i64: 21>, scalar_prefetch = 0 : i64, scratch_operands = 0 : i64, tpu.core_type = #tpu.core_type<tc>, window_params = [{transform_indices = @transform_0, window_bounds = array<i64: 512, 1728>}, {transform_indices = @transform_1, window_bounds = array<i64: 512, 1728>}, {pipeline_mode = #tpu.pipeline_mode<synchronous>, transform_indices = @transform_2, window_bounds = array<i64: 1728, 768>}, {transform_indices = @transform_3, window_bounds = array<i64: 1024, 384>}]} {
    %get3A = arith.constant 0 : index
    %get3A_0 = arith.constant 0 : index
    %get3A_1 = vector.load %arg1[%get3A, %get3A_0] : memref<512x1728xf32, #tpu.memory_space<vmem>>, vector<512x1728xf32>
    %convert_element_type3A = arith.truncf %get3A_1 : vector<512x1728xf32> to vector<512x1728xbf16>
    %get3A_2 = arith.constant 0 : index
    %get3A_3 = arith.constant 0 : index
    %get3A_4 = vector.load %arg3[%get3A_2, %get3A_3] : memref<1728x768xbf16, #tpu.memory_space<vmem>>, vector<1728x768xbf16>
    %dot_general3A = arith.constant dense<0.000000e+00> : vector<512x768xf32>
    %dot_general3A_5 = tpu.matmul %convert_element_type3A, %get3A_4, %dot_general3A {dimension_numbers = #tpu.dot_dimension_numbers<[1], [0], [0], [1], [0, 0, 1, 1], [], []>, transpose_lhs_hint = false} : vector<512x1728xbf16>, vector<1728x768xbf16>, vector<512x768xf32> -> vector<512x768xf32>
    %get3A_6 = arith.constant 0 : index
    %get3A_7 = arith.constant 0 : index
    %get3A_8 = vector.load %arg2[%get3A_6, %get3A_7] : memref<512x1728xf32, #tpu.memory_space<vmem>>, vector<512x1728xf32>
    %convert_element_type3A_9 = arith.truncf %get3A_8 : vector<512x1728xf32> to vector<512x1728xbf16>
    %get3A_10 = arith.constant 0 : index
    %get3A_11 = arith.constant 0 : index
    %get3A_12 = vector.load %arg3[%get3A_10, %get3A_11] : memref<1728x768xbf16, #tpu.memory_space<vmem>>, vector<1728x768xbf16>
    %dot_general3A_13 = arith.constant dense<0.000000e+00> : vector<512x768xf32>
    %dot_general3A_14 = tpu.matmul %convert_element_type3A_9, %get3A_12, %dot_general3A_13 {dimension_numbers = #tpu.dot_dimension_numbers<[1], [0], [0], [1], [0, 0, 1, 1], [], []>, transpose_lhs_hint = false} : vector<512x1728xbf16>, vector<1728x768xbf16>, vector<512x768xf32> -> vector<512x768xf32>
    %concatenate3A = tpu.concatenate %dot_general3A_5, %dot_general3A_14 in 0 : vector<512x768xf32>, vector<512x768xf32> -> vector<1024x768xf32>
    %slice3A = vector.extract_strided_slice %concatenate3A {offsets = [0, 0], sizes = [1024, 384], strides = [1, 1]} : vector<1024x768xf32> to vector<1024x384xf32>
    %convert_element_type3A_15 = arith.truncf %slice3A : vector<1024x384xf32> to vector<1024x384xbf16>
    %bitcast_convert_type3A = tpu.bitcast %convert_element_type3A_15 : vector<1024x384xbf16> -> vector<1024x384xi16>
    %slice3A_16 = vector.extract_strided_slice %concatenate3A {offsets = [0, 384], sizes = [1024, 384], strides = [1, 1]} : vector<1024x768xf32> to vector<1024x384xf32>
    %convert_element_type3A_17 = arith.truncf %slice3A_16 : vector<1024x384xf32> to vector<1024x384xbf16>
    %bitcast_convert_type3A_18 = tpu.bitcast %convert_element_type3A_17 : vector<1024x384xbf16> -> vector<1024x384xi16>
    %convert_element_type3A_19 = arith.extui %bitcast_convert_type3A : vector<1024x384xi16> to vector<1024x384xi32>
    %convert_element_type3A_20 = arith.extui %bitcast_convert_type3A_18 : vector<1024x384xi16> to vector<1024x384xi32>
    %shift_left3A = arith.constant 16 : i32
    %shift_left3A_21 = vector.broadcast %shift_left3A : i32 to vector<1024x384xi32>
    %shift_left3A_22 = arith.shli %convert_element_type3A_20, %shift_left3A_21 : vector<1024x384xi32>
    %or3A = arith.ori %convert_element_type3A_19, %shift_left3A_22 : vector<1024x384xi32>
    %bitcast_convert_type3A_23 = tpu.bitcast %or3A : vector<1024x384xi32> -> vector<1024x384xf32>
    %swap3A = arith.constant 0 : index
    %swap3A_24 = arith.constant 0 : index
    %swap3A_25 = vector.load %arg4[%swap3A, %swap3A_24] : memref<1024x384xf32, #tpu.memory_space<vmem>>, vector<1024x384xf32>
    tpu.vector_store %arg4[%swap3A, %swap3A_24], %bitcast_convert_type3A_23 {strides = array<i32>} : memref<1024x384xf32, #tpu.memory_space<vmem>>, vector<1024x384xf32>,
    return
  }
  func.func @transform_0(%arg0: i32) -> (i32, i32) {
    %mul3A = arith.constant 2 : i32
    %mul3A_0 = arith.muli %mul3A, %arg0 : i32
    %c0_i32 = arith.constant 0 : i32
    %c0_i32_1 = arith.constant 0 : i32
    return %mul3A_0, %c0_i32 : i32, i32
  }
  func.func @transform_1(%arg0: i32) -> (i32, i32) {
    %mul3A = arith.constant 2 : i32
    %mul3A_0 = arith.muli %mul3A, %arg0 : i32
    %add3A = arith.constant 1 : i32
    %add3A_1 = arith.addi %mul3A_0, %add3A : i32
    %c0_i32 = arith.constant 0 : i32
    %c0_i32_2 = arith.constant 0 : i32
    return %add3A_1, %c0_i32 : i32, i32
  }
  func.func @transform_2(%arg0: i32) -> (i32, i32) {
    %c0_i32 = arith.constant 0 : i32
    %c0_i32_0 = arith.constant 0 : i32
    %c0_i32_1 = arith.constant 0 : i32
    return %c0_i32, %c0_i32_0 : i32, i32
  }
  func.func @transform_3(%arg0: i32) -> (i32, i32) {
    %c0_i32 = arith.constant 0 : i32
    %c0_i32_0 = arith.constant 0 : i32
    return %arg0, %c0_i32 : i32, i32
  }
}

module attributes {stable_mosaic.version = 14 : i64} {
  func.func @_tc_body(%arg0: i32, %arg1: memref<8x512xi32, #tpu.memory_space<vmem>>, %arg2: memref<512x768xf32, #tpu.memory_space<vmem>>, %arg3: memref<512x384xf32, #tpu.memory_space<vmem>>, %arg4: memref<512x768xf32, #tpu.memory_space<vmem>>, %arg5: memref<9x768xf32, #tpu.memory_space<vmem>>, %arg6: memref<32x128xf32, #tpu.memory_space<vmem>>, %arg7: memref<2x128x768xf32, #tpu.memory_space<vmem>>, %arg8: memref<512x768xf32, #tpu.memory_space<vmem>>, %arg9: memref<512x768xf32, #tpu.memory_space<vmem>>, %arg10: memref<512x768xf32, #tpu.memory_space<vmem>>) attributes {dimension_semantics = [#tpu.dimension_semantics<arbitrary>], iteration_bounds = array<i64: 32>, scalar_prefetch = 0 : i64, scratch_operands = 0 : i64, tpu.core_type = #tpu.core_type<tc>, window_params = [{transform_indices = @transform_0, window_bounds = array<i64: 8, 512>}, {transform_indices = @transform_1, window_bounds = array<i64: 512, 768>}, {transform_indices = @transform_2, window_bounds = array<i64: 512, 384>}, {transform_indices = @transform_3, window_bounds = array<i64: 512, 768>}, {pipeline_mode = #tpu.pipeline_mode<synchronous>, transform_indices = @transform_4, window_bounds = array<i64: 9, 768>}, {pipeline_mode = #tpu.pipeline_mode<synchronous>, transform_indices = @transform_5, window_bounds = array<i64: 32, 128>}, {pipeline_mode = #tpu.pipeline_mode<synchronous>, transform_indices = @transform_6, window_bounds = array<i64: 2, 128, 768>}, {transform_indices = @transform_7, window_bounds = array<i64: 512, 768>}, {transform_indices = @transform_8, window_bounds = array<i64: 512, 768>}, {transform_indices = @transform_9, window_bounds = array<i64: 512, 768>}]} {
    %get3A = arith.constant 0 : index
    %get3A_0 = arith.constant 0 : index
    %get3A_1 = vector.load %arg4[%get3A, %get3A_0] : memref<512x768xf32, #tpu.memory_space<vmem>>, vector<512x768xf32>
    %get3A_2 = arith.constant 0 : index
    %get3A_3 = arith.constant 0 : index
    %get3A_4 = vector.load %arg5[%get3A_2, %get3A_3] : memref<9x768xf32, #tpu.memory_space<vmem>>, vector<1x768xf32>
    %get3A_5 = vector.shape_cast %get3A_4 : vector<1x768xf32> to vector<768xf32>
    %broadcast_in_dim3A = vector.shape_cast %get3A_5 : vector<768xf32> to vector<1x768xf32>
    %add3A = vector.broadcast %broadcast_in_dim3A : vector<1x768xf32> to vector<512x768xf32>
    %add3A_6 = arith.addf %get3A_1, %add3A : vector<512x768xf32>
    %get3A_7 = arith.constant 0 : index
    %get3A_8 = arith.constant 0 : index
    %get3A_9 = vector.load %arg2[%get3A_7, %get3A_8] : memref<512x768xf32, #tpu.memory_space<vmem>>, vector<512x768xf32>
    %add3A_10 = arith.addf %get3A_9, %add3A_6 : vector<512x768xf32>
    %reduce_sum3A = arith.constant dense<0.000000e+00> : vector<512xf32>
    %reduce_sum3A_11 = vector.multi_reduction <add>, %add3A_10, %reduce_sum3A [1] : vector<512x768xf32> to vector<512xf32>
    %broadcast_in_dim3A_12 = vector.shape_cast %reduce_sum3A_11 : vector<512xf32> to vector<512x1xf32>
    %mul3A = arith.constant 0.00130208337 : f32
    %mul3A_13 = vector.broadcast %mul3A : f32 to vector<512x1xf32>
    %mul3A_14 = arith.mulf %broadcast_in_dim3A_12, %mul3A_13 : vector<512x1xf32>
    %mul3A_15 = arith.mulf %add3A_10, %add3A_10 : vector<512x768xf32>
    %reduce_sum3A_16 = arith.constant dense<0.000000e+00> : vector<512xf32>
    %reduce_sum3A_17 = vector.multi_reduction <add>, %mul3A_15, %reduce_sum3A_16 [1] : vector<512x768xf32> to vector<512xf32>
    %broadcast_in_dim3A_18 = vector.shape_cast %reduce_sum3A_17 : vector<512xf32> to vector<512x1xf32>
    %mul3A_19 = arith.constant 0.00130208337 : f32
    %mul3A_20 = vector.broadcast %mul3A_19 : f32 to vector<512x1xf32>
    %mul3A_21 = arith.mulf %broadcast_in_dim3A_18, %mul3A_20 : vector<512x1xf32>
    %mul3A_22 = arith.mulf %mul3A_14, %mul3A_14 : vector<512x1xf32>
    %sub3A = arith.subf %mul3A_21, %mul3A_22 : vector<512x1xf32>
    %sub3A_23 = vector.broadcast %mul3A_14 : vector<512x1xf32> to vector<512x768xf32>
    %sub3A_24 = arith.subf %add3A_10, %sub3A_23 : vector<512x768xf32>
    %add3A_25 = arith.constant 1.000000e-03 : f32
    %add3A_26 = vector.broadcast %add3A_25 : f32 to vector<512x1xf32>
    %add3A_27 = arith.addf %sub3A, %add3A_26 : vector<512x1xf32>
    %rsqrt3A = math.rsqrt %add3A_27 : vector<512x1xf32>
    %mul3A_28 = vector.broadcast %rsqrt3A : vector<512x1xf32> to vector<512x768xf32>
    %mul3A_29 = arith.mulf %sub3A_24, %mul3A_28 : vector<512x768xf32>
    %get3A_30 = arith.constant 3 : index
    %get3A_31 = arith.constant 0 : index
    %get3A_32 = vector.load %arg5[%get3A_30, %get3A_31] : memref<9x768xf32, #tpu.memory_space<vmem>>, vector<1x768xf32>
    %get3A_33 = vector.shape_cast %get3A_32 : vector<1x768xf32> to vector<768xf32>
    %broadcast_in_dim3A_34 = vector.shape_cast %get3A_33 : vector<768xf32> to vector<1x768xf32>
    %mul3A_35 = vector.broadcast %broadcast_in_dim3A_34 : vector<1x768xf32> to vector<512x768xf32>
    %mul3A_36 = arith.mulf %mul3A_29, %mul3A_35 : vector<512x768xf32>
    %get3A_37 = arith.constant 4 : index
    %get3A_38 = arith.constant 0 : index
    %get3A_39 = vector.load %arg5[%get3A_37, %get3A_38] : memref<9x768xf32, #tpu.memory_space<vmem>>, vector<1x768xf32>
    %get3A_40 = vector.shape_cast %get3A_39 : vector<1x768xf32> to vector<768xf32>
    %broadcast_in_dim3A_41 = vector.shape_cast %get3A_40 : vector<768xf32> to vector<1x768xf32>
    %add3A_42 = vector.broadcast %broadcast_in_dim3A_41 : vector<1x768xf32> to vector<512x768xf32>
    %add3A_43 = arith.addf %mul3A_36, %add3A_42 : vector<512x768xf32>
    %swap3A = arith.constant 0 : index
    %swap3A_44 = arith.constant 0 : index
    %swap3A_45 = vector.load %arg8[%swap3A, %swap3A_44] : memref<512x768xf32, #tpu.memory_space<vmem>>, vector<512x768xf32>
    tpu.vector_store %arg8[%swap3A, %swap3A_44], %add3A_43 {strides = array<i32>} : memref<512x768xf32, #tpu.memory_space<vmem>>, vector<512x768xf32>,
    %get3A_46 = arith.constant 0 : index
    %get3A_47 = arith.constant 0 : index
    %get3A_48 = vector.load %arg3[%get3A_46, %get3A_47] : memref<512x384xf32, #tpu.memory_space<vmem>>, vector<512x384xf32>
    %bitcast_convert_type3A = tpu.bitcast %get3A_48 : vector<512x384xf32> -> vector<512x384xi32>
    %and3A = arith.constant 65535 : i32
    %and3A_49 = vector.broadcast %and3A : i32 to vector<512x384xi32>
    %and3A_50 = arith.andi %bitcast_convert_type3A, %and3A_49 : vector<512x384xi32>
    %convert_element_type3A = arith.trunci %and3A_50 : vector<512x384xi32> to vector<512x384xi16>
    %bitcast_convert_type3A_51 = tpu.bitcast %convert_element_type3A : vector<512x384xi16> -> vector<512x384xbf16>
    %shift_right_logical3A = arith.constant 16 : i32
    %shift_right_logical3A_52 = vector.broadcast %shift_right_logical3A : i32 to vector<512x384xi32>
    %shift_right_logical3A_53 = arith.shrui %bitcast_convert_type3A, %shift_right_logical3A_52 : vector<512x384xi32>
    %convert_element_type3A_54 = arith.trunci %shift_right_logical3A_53 : vector<512x384xi32> to vector<512x384xi16>
    %bitcast_convert_type3A_55 = tpu.bitcast %convert_element_type3A_54 : vector<512x384xi16> -> vector<512x384xbf16>
    %concatenate3A = tpu.concatenate %bitcast_convert_type3A_51, %bitcast_convert_type3A_55 in 1 : vector<512x384xbf16>, vector<512x384xbf16> -> vector<512x768xbf16>
    %convert_element_type3A_56 = arith.extf %concatenate3A : vector<512x768xbf16> to vector<512x768xf32>
    %get3A_57 = arith.constant 2 : index
    %get3A_58 = arith.constant 0 : index
    %get3A_59 = vector.load %arg5[%get3A_57, %get3A_58] : memref<9x768xf32, #tpu.memory_space<vmem>>, vector<1x768xf32>
    %get3A_60 = vector.shape_cast %get3A_59 : vector<1x768xf32> to vector<768xf32>
    %broadcast_in_dim3A_61 = vector.shape_cast %get3A_60 : vector<768xf32> to vector<1x768xf32>
    %add3A_62 = vector.broadcast %broadcast_in_dim3A_61 : vector<1x768xf32> to vector<512x768xf32>
    %add3A_63 = arith.addf %convert_element_type3A_56, %add3A_62 : vector<512x768xf32>
    %add3A_64 = arith.addf %add3A_63, %add3A_6 : vector<512x768xf32>
    %reduce_sum3A_65 = arith.constant dense<0.000000e+00> : vector<512xf32>
    %reduce_sum3A_66 = vector.multi_reduction <add>, %add3A_64, %reduce_sum3A_65 [1] : vector<512x768xf32> to vector<512xf32>
    %broadcast_in_dim3A_67 = vector.shape_cast %reduce_sum3A_66 : vector<512xf32> to vector<512x1xf32>
    %mul3A_68 = arith.constant 0.00130208337 : f32
    %mul3A_69 = vector.broadcast %mul3A_68 : f32 to vector<512x1xf32>
    %mul3A_70 = arith.mulf %broadcast_in_dim3A_67, %mul3A_69 : vector<512x1xf32>
    %mul3A_71 = arith.mulf %add3A_64, %add3A_64 : vector<512x768xf32>
    %reduce_sum3A_72 = arith.constant dense<0.000000e+00> : vector<512xf32>
    %reduce_sum3A_73 = vector.multi_reduction <add>, %mul3A_71, %reduce_sum3A_72 [1] : vector<512x768xf32> to vector<512xf32>
    %broadcast_in_dim3A_74 = vector.shape_cast %reduce_sum3A_73 : vector<512xf32> to vector<512x1xf32>
    %mul3A_75 = arith.constant 0.00130208337 : f32
    %mul3A_76 = vector.broadcast %mul3A_75 : f32 to vector<512x1xf32>
    %mul3A_77 = arith.mulf %broadcast_in_dim3A_74, %mul3A_76 : vector<512x1xf32>
    %mul3A_78 = arith.mulf %mul3A_70, %mul3A_70 : vector<512x1xf32>
    %sub3A_79 = arith.subf %mul3A_77, %mul3A_78 : vector<512x1xf32>
    %sub3A_80 = vector.broadcast %mul3A_70 : vector<512x1xf32> to vector<512x768xf32>
    %sub3A_81 = arith.subf %add3A_64, %sub3A_80 : vector<512x768xf32>
    %add3A_82 = arith.constant 1.000000e-03 : f32
    %add3A_83 = vector.broadcast %add3A_82 : f32 to vector<512x1xf32>
    %add3A_84 = arith.addf %sub3A_79, %add3A_83 : vector<512x1xf32>
    %rsqrt3A_85 = math.rsqrt %add3A_84 : vector<512x1xf32>
    %mul3A_86 = vector.broadcast %rsqrt3A_85 : vector<512x1xf32> to vector<512x768xf32>
    %mul3A_87 = arith.mulf %sub3A_81, %mul3A_86 : vector<512x768xf32>
    %get3A_88 = arith.constant 7 : index
    %get3A_89 = arith.constant 0 : index
    %get3A_90 = vector.load %arg5[%get3A_88, %get3A_89] : memref<9x768xf32, #tpu.memory_space<vmem>>, vector<1x768xf32>
    %get3A_91 = vector.shape_cast %get3A_90 : vector<1x768xf32> to vector<768xf32>
    %broadcast_in_dim3A_92 = vector.shape_cast %get3A_91 : vector<768xf32> to vector<1x768xf32>
    %mul3A_93 = vector.broadcast %broadcast_in_dim3A_92 : vector<1x768xf32> to vector<512x768xf32>
    %mul3A_94 = arith.mulf %mul3A_87, %mul3A_93 : vector<512x768xf32>
    %get3A_95 = arith.constant 8 : index
    %get3A_96 = arith.constant 0 : index
    %get3A_97 = vector.load %arg5[%get3A_95, %get3A_96] : memref<9x768xf32, #tpu.memory_space<vmem>>, vector<1x768xf32>
    %get3A_98 = vector.shape_cast %get3A_97 : vector<1x768xf32> to vector<768xf32>
    %broadcast_in_dim3A_99 = vector.shape_cast %get3A_98 : vector<768xf32> to vector<1x768xf32>
    %add3A_100 = vector.broadcast %broadcast_in_dim3A_99 : vector<1x768xf32> to vector<512x768xf32>
    %add3A_101 = arith.addf %mul3A_94, %add3A_100 : vector<512x768xf32>
    %swap3A_102 = arith.constant 0 : index
    %swap3A_103 = arith.constant 0 : index
    %swap3A_104 = vector.load %arg10[%swap3A_102, %swap3A_103] : memref<512x768xf32, #tpu.memory_space<vmem>>, vector<512x768xf32>
    tpu.vector_store %arg10[%swap3A_102, %swap3A_103], %add3A_101 {strides = array<i32>} : memref<512x768xf32, #tpu.memory_space<vmem>>, vector<512x768xf32>,
    %get3A_105 = arith.constant 0 : index
    %get3A_106 = arith.constant 0 : index
    %get3A_107 = vector.load %arg6[%get3A_105, %get3A_106] : memref<32x128xf32, #tpu.memory_space<vmem>>, vector<32x128xf32>
    %get3A_108 = arith.constant 0 : index
    %get3A_109 = arith.constant 0 : index
    %get3A_110 = arith.constant 0 : index
    %get3A_111 = vector.load %arg7[%get3A_108, %get3A_109, %get3A_110] : memref<2x128x768xf32, #tpu.memory_space<vmem>>, vector<1x128x768xf32>
    %get3A_112 = vector.shape_cast %get3A_111 : vector<1x128x768xf32> to vector<128x768xf32>
    %dot_general3A = arith.constant dense<0.000000e+00> : vector<32x768xf32>
    %dot_general3A_113 = tpu.matmul %get3A_107, %get3A_112, %dot_general3A {dimension_numbers = #tpu.dot_dimension_numbers<[1], [0], [0], [1], [0, 0, 1, 1], [], []>, transpose_lhs_hint = false} : vector<32x128xf32>, vector<128x768xf32>, vector<32x768xf32> -> vector<32x768xf32>
    %get3A_114 = arith.constant 0 : index
    %get3A_115 = arith.constant 0 : index
    %get3A_116 = vector.load %arg6[%get3A_114, %get3A_115] : memref<32x128xf32, #tpu.memory_space<vmem>>, vector<32x128xf32>
    %get3A_117 = arith.constant 1 : index
    %get3A_118 = arith.constant 0 : index
    %get3A_119 = arith.constant 0 : index
    %get3A_120 = vector.load %arg7[%get3A_117, %get3A_118, %get3A_119] : memref<2x128x768xf32, #tpu.memory_space<vmem>>, vector<1x128x768xf32>
    %get3A_121 = vector.shape_cast %get3A_120 : vector<1x128x768xf32> to vector<128x768xf32>
    %dot_general3A_122 = arith.constant dense<0.000000e+00> : vector<32x768xf32>
    %dot_general3A_123 = tpu.matmul %get3A_116, %get3A_121, %dot_general3A_122 {dimension_numbers = #tpu.dot_dimension_numbers<[1], [0], [0], [1], [0, 0, 1, 1], [], []>, transpose_lhs_hint = false} : vector<32x128xf32>, vector<128x768xf32>, vector<32x768xf32> -> vector<32x768xf32>
    %concatenate3A_124 = tpu.concatenate %dot_general3A_113, %dot_general3A_123 in 0 : vector<32x768xf32>, vector<32x768xf32> -> vector<64x768xf32>
    %convert_element_type3A_125 = arith.truncf %concatenate3A_124 : vector<64x768xf32> to vector<64x768xbf16>
    %get3A_126 = arith.constant 0 : index
    %get3A_127 = arith.constant 0 : index
    %get3A_128 = vector.load %arg1[%get3A_126, %get3A_127] : memref<8x512xi32, #tpu.memory_space<vmem>>, vector<8x512xi32>
    %slice3A = vector.extract_strided_slice %get3A_128 {offsets = [0, 0], sizes = [7, 512], strides = [1, 1]} : vector<8x512xi32> to vector<7x512xi32>
    %slice3A_129 = vector.extract_strided_slice %get3A_128 {offsets = [1, 0], sizes = [7, 512], strides = [1, 1]} : vector<8x512xi32> to vector<7x512xi32>
    %iota3A = tpu.iota {dimensions = array<i32: 2>} : vector<7x512x64xi32>
    %broadcast_in_dim3A_130 = vector.shape_cast %slice3A : vector<7x512xi32> to vector<7x512x1xi32>
    %eq3A = vector.broadcast %broadcast_in_dim3A_130 : vector<7x512x1xi32> to vector<7x512x64xi32>
    %eq3A_131 = arith.cmpi eq, %iota3A, %eq3A : vector<7x512x64xi32>
    %broadcast_in_dim3A_132 = vector.shape_cast %slice3A_129 : vector<7x512xi32> to vector<7x512x1xi32>
    %add3A_133 = arith.constant 32 : i32
    %add3A_134 = vector.broadcast %add3A_133 : i32 to vector<7x512x1xi32>
    %add3A_135 = arith.addi %broadcast_in_dim3A_132, %add3A_134 : vector<7x512x1xi32>
    %eq3A_136 = vector.broadcast %add3A_135 : vector<7x512x1xi32> to vector<7x512x64xi32>
    %eq3A_137 = arith.cmpi eq, %iota3A, %eq3A_136 : vector<7x512x64xi32>
    %or3A = arith.ori %eq3A_131, %eq3A_137 : vector<7x512x64xi1>
    %convert_element_type3A_138 = arith.extui %or3A : vector<7x512x64xi1> to vector<7x512x64xi32>
    %convert_element_type3A_139 = arith.sitofp %convert_element_type3A_138 : vector<7x512x64xi32> to vector<7x512x64xf32>
    %convert_element_type3A_140 = arith.truncf %convert_element_type3A_139 : vector<7x512x64xf32> to vector<7x512x64xbf16>
    %reshape3A = vector.shape_cast %convert_element_type3A_140 : vector<7x512x64xbf16> to vector<3584x64xbf16>
    %dot_general3A_141 = arith.constant dense<0.000000e+00> : vector<3584x768xf32>
    %dot_general3A_142 = tpu.matmul %reshape3A, %convert_element_type3A_125, %dot_general3A_141 {dimension_numbers = #tpu.dot_dimension_numbers<[1], [0], [0], [1], [0, 0, 1, 1], [], []>, transpose_lhs_hint = false} : vector<3584x64xbf16>, vector<64x768xbf16>, vector<3584x768xf32> -> vector<3584x768xf32>
    %reshape3A_143 = vector.shape_cast %dot_general3A_142 : vector<3584x768xf32> to vector<7x512x768xf32>
    %reduce_max3A = arith.constant dense<0xFF800000> : vector<512x768xf32>
    %reduce_max3A_144 = vector.multi_reduction <maximumf>, %reshape3A_143, %reduce_max3A [0] : vector<7x512x768xf32> to vector<512x768xf32>
    %get3A_145 = arith.constant 1 : index
    %get3A_146 = arith.constant 0 : index
    %get3A_147 = vector.load %arg5[%get3A_145, %get3A_146] : memref<9x768xf32, #tpu.memory_space<vmem>>, vector<1x768xf32>
    %get3A_148 = vector.shape_cast %get3A_147 : vector<1x768xf32> to vector<768xf32>
    %broadcast_in_dim3A_149 = vector.shape_cast %get3A_148 : vector<768xf32> to vector<1x768xf32>
    %add3A_150 = vector.broadcast %broadcast_in_dim3A_149 : vector<1x768xf32> to vector<512x768xf32>
    %add3A_151 = arith.addf %reduce_max3A_144, %add3A_150 : vector<512x768xf32>
    %add3A_152 = arith.addf %add3A_151, %add3A_6 : vector<512x768xf32>
    %reduce_sum3A_153 = arith.constant dense<0.000000e+00> : vector<512xf32>
    %reduce_sum3A_154 = vector.multi_reduction <add>, %add3A_152, %reduce_sum3A_153 [1] : vector<512x768xf32> to vector<512xf32>
    %broadcast_in_dim3A_155 = vector.shape_cast %reduce_sum3A_154 : vector<512xf32> to vector<512x1xf32>
    %mul3A_156 = arith.constant 0.00130208337 : f32
    %mul3A_157 = vector.broadcast %mul3A_156 : f32 to vector<512x1xf32>
    %mul3A_158 = arith.mulf %broadcast_in_dim3A_155, %mul3A_157 : vector<512x1xf32>
    %mul3A_159 = arith.mulf %add3A_152, %add3A_152 : vector<512x768xf32>
    %reduce_sum3A_160 = arith.constant dense<0.000000e+00> : vector<512xf32>
    %reduce_sum3A_161 = vector.multi_reduction <add>, %mul3A_159, %reduce_sum3A_160 [1] : vector<512x768xf32> to vector<512xf32>
    %broadcast_in_dim3A_162 = vector.shape_cast %reduce_sum3A_161 : vector<512xf32> to vector<512x1xf32>
    %mul3A_163 = arith.constant 0.00130208337 : f32
    %mul3A_164 = vector.broadcast %mul3A_163 : f32 to vector<512x1xf32>
    %mul3A_165 = arith.mulf %broadcast_in_dim3A_162, %mul3A_164 : vector<512x1xf32>
    %mul3A_166 = arith.mulf %mul3A_158, %mul3A_158 : vector<512x1xf32>
    %sub3A_167 = arith.subf %mul3A_165, %mul3A_166 : vector<512x1xf32>
    %sub3A_168 = vector.broadcast %mul3A_158 : vector<512x1xf32> to vector<512x768xf32>
    %sub3A_169 = arith.subf %add3A_152, %sub3A_168 : vector<512x768xf32>
    %add3A_170 = arith.constant 1.000000e-03 : f32
    %add3A_171 = vector.broadcast %add3A_170 : f32 to vector<512x1xf32>
    %add3A_172 = arith.addf %sub3A_167, %add3A_171 : vector<512x1xf32>
    %rsqrt3A_173 = math.rsqrt %add3A_172 : vector<512x1xf32>
    %mul3A_174 = vector.broadcast %rsqrt3A_173 : vector<512x1xf32> to vector<512x768xf32>
    %mul3A_175 = arith.mulf %sub3A_169, %mul3A_174 : vector<512x768xf32>
    %get3A_176 = arith.constant 5 : index
    %get3A_177 = arith.constant 0 : index
    %get3A_178 = vector.load %arg5[%get3A_176, %get3A_177] : memref<9x768xf32, #tpu.memory_space<vmem>>, vector<1x768xf32>
    %get3A_179 = vector.shape_cast %get3A_178 : vector<1x768xf32> to vector<768xf32>
    %broadcast_in_dim3A_180 = vector.shape_cast %get3A_179 : vector<768xf32> to vector<1x768xf32>
    %mul3A_181 = vector.broadcast %broadcast_in_dim3A_180 : vector<1x768xf32> to vector<512x768xf32>
    %mul3A_182 = arith.mulf %mul3A_175, %mul3A_181 : vector<512x768xf32>
    %get3A_183 = arith.constant 6 : index
    %get3A_184 = arith.constant 0 : index
    %get3A_185 = vector.load %arg5[%get3A_183, %get3A_184] : memref<9x768xf32, #tpu.memory_space<vmem>>, vector<1x768xf32>
    %get3A_186 = vector.shape_cast %get3A_185 : vector<1x768xf32> to vector<768xf32>
    %broadcast_in_dim3A_187 = vector.shape_cast %get3A_186 : vector<768xf32> to vector<1x768xf32>
    %add3A_188 = vector.broadcast %broadcast_in_dim3A_187 : vector<1x768xf32> to vector<512x768xf32>
    %add3A_189 = arith.addf %mul3A_182, %add3A_188 : vector<512x768xf32>
    %swap3A_190 = arith.constant 0 : index
    %swap3A_191 = arith.constant 0 : index
    %swap3A_192 = vector.load %arg9[%swap3A_190, %swap3A_191] : memref<512x768xf32, #tpu.memory_space<vmem>>, vector<512x768xf32>
    tpu.vector_store %arg9[%swap3A_190, %swap3A_191], %add3A_189 {strides = array<i32>} : memref<512x768xf32, #tpu.memory_space<vmem>>, vector<512x768xf32>,
    return
  }
  func.func @transform_0(%arg0: i32) -> (i32, i32) {
    %c0_i32 = arith.constant 0 : i32
    %c0_i32_0 = arith.constant 0 : i32
    return %c0_i32, %arg0 : i32, i32
  }
  func.func @transform_1(%arg0: i32) -> (i32, i32) {
    %c0_i32 = arith.constant 0 : i32
    %c0_i32_0 = arith.constant 0 : i32
    return %arg0, %c0_i32 : i32, i32
  }
  func.func @transform_2(%arg0: i32) -> (i32, i32) {
    %c0_i32 = arith.constant 0 : i32
    %c0_i32_0 = arith.constant 0 : i32
    return %arg0, %c0_i32 : i32, i32
  }
  func.func @transform_3(%arg0: i32) -> (i32, i32) {
    %jit3A = arith.constant 1 : i32
    %eq3A = arith.constant 0 : i32
    %eq3A_0 = arith.cmpi eq, %jit3A, %eq3A : i32
    %jit3A_1 = arith.constant 1 : i32
    %select_n3A = arith.select %eq3A_0, %jit3A_1, %jit3A : i32
    %rem3A = arith.remsi %arg0, %select_n3A : i32
    %ne3A = arith.constant 0 : i32
    %ne3A_2 = arith.cmpi ne, %rem3A, %ne3A : i32
    %lt3A = arith.constant 0 : i32
    %lt3A_3 = arith.cmpi slt, %rem3A, %lt3A : i32
    %lt3A_4 = arith.constant 0 : i32
    %lt3A_5 = arith.cmpi slt, %select_n3A, %lt3A_4 : i32
    %ne3A_6 = arith.xori %lt3A_3, %lt3A_5 : i1
    %and3A = arith.andi %ne3A_6, %ne3A_2 : i1
    %add3A = arith.addi %rem3A, %select_n3A : i32
    %select_n3A_7 = arith.select %and3A, %add3A, %rem3A : i32
    %c0_i32 = arith.constant 0 : i32
    %c0_i32_8 = arith.constant 0 : i32
    return %select_n3A_7, %c0_i32 : i32, i32
  }
  func.func @transform_4(%arg0: i32) -> (i32, i32) {
    %c0_i32 = arith.constant 0 : i32
    %c0_i32_0 = arith.constant 0 : i32
    %c0_i32_1 = arith.constant 0 : i32
    return %c0_i32, %c0_i32_0 : i32, i32
  }
  func.func @transform_5(%arg0: i32) -> (i32, i32) {
    %c0_i32 = arith.constant 0 : i32
    %c0_i32_0 = arith.constant 0 : i32
    %c0_i32_1 = arith.constant 0 : i32
    return %c0_i32, %c0_i32_0 : i32, i32
  }
  func.func @transform_6(%arg0: i32) -> (i32, i32, i32) {
    %c0_i32 = arith.constant 0 : i32
    %c0_i32_0 = arith.constant 0 : i32
    %c0_i32_1 = arith.constant 0 : i32
    %c0_i32_2 = arith.constant 0 : i32
    return %c0_i32, %c0_i32_0, %c0_i32_1 : i32, i32, i32
  }
  func.func @transform_7(%arg0: i32) -> (i32, i32) {
    %c0_i32 = arith.constant 0 : i32
    %c0_i32_0 = arith.constant 0 : i32
    return %arg0, %c0_i32 : i32, i32
  }
  func.func @transform_8(%arg0: i32) -> (i32, i32) {
    %c0_i32 = arith.constant 0 : i32
    %c0_i32_0 = arith.constant 0 : i32
    return %arg0, %c0_i32 : i32, i32
  }
  func.func @transform_9(%arg0: i32) -> (i32, i32) {
    %c0_i32 = arith.constant 0 : i32
    %c0_i32_0 = arith.constant 0 : i32
    return %arg0, %c0_i32 : i32, i32
  }
}

</mosaic_0001>

<sc_bundles>
// kernel: kernel.5.cloned.1.call-start
scs
__scs_entry_jumppad:
0x0: {  	(pc) =	sbr.rel $0x88, $3  }
0x1: {  	(tag) =	ssettag $0x0;
	lr =	simm.s32 $0x1  }
0x2: {  	[smem:$0x3F90] =	sst lr;
	_ =	strace $0xD0000000  }
0x3: {  	_ = 	snop  }
0x4: {  	_ = 	snop  }
0x5: {  	_ = 	snop  }
0x6: {  	_ = 	snop  }
0x7: {  	_ = 	snop  }
__scs_overlays_trampoline_lowered:
0x8: {  	[smem:$0x3F9F] =	sst s0  }
0x9: {  	[smem:$0x3FA0] =	sst s1  }
0xa: {  	[smem:$0x3FA1] =	sst s2  }
0xb: {  	[smem:$0x3FA2] =	sst s3  }
0xc: {  	[smem:$0x3FA3] =	sst s4  }
0xd: {  	[smem:$0x3FA4] =	sst s5  }
0xe: {  	[smem:$0x3FA5] =	sst s6  }
0xf: {  	[smem:$0x3FA6] =	sst s7  }
0x10: {  	[smem:$0x3FA7] =	sst s8  }
0x11: {  	[smem:$0x3FA8] =	sst s9;
	s0 =	simm.s32 @!p0 $0x0  }
0x12: {  	s1 =	sld [smem:$0x3F8E];
	s0 =	simm.s32 @p0 $0x1  }
0x13: {  	[smem:$0x3FA9] =	sst s0;
	s0 =	simm.s32 @!p1 $0x0  }
0x14: {  	s2 =	sld [smem:$0x3F8D];
	s0 =	simm.s32 @p1 $0x1  }
0x15: {  	[smem:$0x3FAA] =	sst s0;
	s0 =	simm.s32 @!p2 $0x0  }
0x16: {  	s3 =	sld [smem:$0x3FDB];
	s0 =	simm.s32 @p2 $0x1  }
0x17: {  	s4 =	simm.s32 $0x1BF5;
	[smem:$0x3FAC] =	sst s0  }
0x18: {  	s0 =	sld [smem:$0x3F8F];
	_ =	swait.ge [sflag:s4], $0x0  }
0x19: {  	s7 =	sld [smem:$0x3F90]  }
0x1a: {  	s8 =	sadd.s32 $0xFFFFE003, lr  }
0x1b: {  	s9 =	sadd.s32 $0xFFFFFEF7, lr;
	s5 =	simm.s32 $0xFFFFFFFF;
	p2 =	slt.u32 s8, $0xFFFFF086  }
0x1c: {  	p1 =	slt.u32 s9, $0xF7A;
	s5 =	simm.s32 @!p2 $0x0  }
0x1d: {  	s5 =	simm.s32 @p1 $0x1;
	p0 =	seq.s32 s7, s2  }
0x1e: {  	s7 =	smul.u32 @!p0 $0xF7A, s2;
	p2 =	seq.s32 @!p0 s5, $0x0  }
0x1f: {  	s9 =	smul.u32 $0xF7A, s1;
	s8 =	simm.s32 @!p0 $0x1BF5;
	p2 =	por !p2, p0  }
0x20: {  	[sflag:s8] =	ssyncset.s32 @!p0 $0xFFFFF086;
	s6 =	sadd.s32 @!p0 s3, s7;
	s7 =	simm.s32 @!p0 $0x108  }
0x21: {  	s3 =	sadd.s32 s3, s9;
	s6 =	sadd.s32 @!p0 $0x88, s6;
	s7 =	simm.s32 @p2 $0x1082  }
0x22: {  	[simem:s7], [sflag:s8] =	dma.local @!p0 [hbm:s6], $0xF7A  }
0x23: {  	s9 =	sor.u32 $0xD0000000, s2;
	s6 =	simm.s32 $0x108;
	_ =	swait.ge @!p0 [sflag:s8], $0x0  }
0x24: {  	s3 =	sadd.s32 $0x88, s3;
	s6 =	simm.s32 @!p1 $0x1082;
	[sflag:s4] =	ssyncset.s32 $0xFFFFF086  }
0x25: {  	[simem:s6], [sflag:s4] =	dma.local [hbm:s3], $0xF7A  }
0x26: {  	[smem:$0x3F90] =	sst s1;
	(tag) =	ssettag s2;
	_ =	strace s9  }
0x27: {  	s1 =	sld [smem:$0x3FA0]  }
0x28: {  	s2 =	sld [smem:$0x3FA1]  }
0x29: {  	s4 =	sld [smem:$0x3FA3]  }
0x2a: {  	p0 =	seq.s32 s5, $0x0;
	s5 =	sld [smem:$0x3FA4]  }
0x2b: {  	s6 =	sld [smem:$0x3FA5]  }
0x2c: {  	s7 =	sld [smem:$0x3FA6]  }
0x2d: {  	s3 =	simm.s32 $0x108;
	s8 =	sld [smem:$0x3FA7]  }
0x2e: {  	s3 =	simm.s32 @!p0 $0x1082;
	s9 =	sld [smem:$0x3FA8]  }
0x2f: {  	lr =	sadd.s32 s0, s3;
	s0 =	sld [smem:$0x3F9F]  }
0x30: {  	s3 =	sld [smem:$0x3FA2]  }
0x31: {  	[smem:$0x3FAB] =	sst s10  }
0x32: {  	s10 =	sld [smem:$0x3FA9];
	_ =	sdelay $0x3  }
0x33: {  	p0 =	seq.s32 s10, $0x1;
	s10 =	sld [smem:$0x3FAB];
	_ =	sdelay $0x3  }
0x34: {  	[smem:$0x3FAB] =	sst s10  }
0x35: {  	s10 =	sld [smem:$0x3FAA];
	_ =	sdelay $0x3  }
0x36: {  	p1 =	seq.s32 s10, $0x1;
	s10 =	sld [smem:$0x3FAB];
	_ =	sdelay $0x3  }
0x37: {  	[smem:$0x3FAB] =	sst s10  }
0x38: {  	s10 =	sld [smem:$0x3FAC]  }
0x39: {  	_ = 	snop;
	(pc) =	sbr.ind lr, $3  }
0x3a: {  	_ = 	snop  }
0x3b: {  	_ = 	snop  }
0x3c: {  	p2 =	seq.s32 s10, $0x1;
	s10 =	sld [smem:$0x3FAB]  }
0x3d: {  	_ =	shalt  }
0x3e: {  	_ =	shalt  }
0x3f: {  	_ =	shalt  }
0x40: {  	_ =	shalt  }
0x41: {  	_ =	shalt  }
0x42: {  	_ =	shalt  }
0x43: {  	_ =	shalt  }
0x44: {  	_ =	shalt  }
0x45: {  	_ =	shalt  }
0x46: {  	_ =	shalt  }
0x47: {  	_ =	shalt  }
0x48: {  	_ =	shalt  }
0x49: {  	_ =	shalt  }
0x4a: {  	_ =	shalt  }
0x4b: {  	_ =	shalt  }
0x4c: {  	_ =	shalt  }
0x4d: {  	_ =	shalt  }
0x4e: {  	_ =	shalt  }
0x4f: {  	_ =	shalt  }
0x50: {  	_ =	shalt  }
0x51: {  	_ =	shalt  }
0x52: {  	_ =	shalt  }
0x53: {  	_ =	shalt  }
0x54: {  	_ =	shalt  }
0x55: {  	_ =	shalt  }
0x56: {  	_ =	shalt  }
0x57: {  	_ =	shalt  }
0x58: {  	_ =	shalt  }
0x59: {  	_ =	shalt  }
0x5a: {  	_ =	shalt  }
0x5b: {  	_ =	shalt  }
0x5c: {  	_ =	shalt  }
0x5d: {  	_ =	shalt  }
0x5e: {  	_ =	shalt  }
0x5f: {  	_ =	shalt  }
0x60: {  	_ =	shalt  }
0x61: {  	_ =	shalt  }
0x62: {  	_ =	shalt  }
0x63: {  	_ =	shalt  }
0x64: {  	_ =	shalt  }
0x65: {  	_ =	shalt  }
0x66: {  	_ =	shalt  }
0x67: {  	_ =	shalt  }
0x68: {  	_ =	shalt  }
0x69: {  	_ =	shalt  }
0x6a: {  	_ =	shalt  }
0x6b: {  	_ =	shalt  }
0x6c: {  	_ =	shalt  }
0x6d: {  	_ =	shalt  }
0x6e: {  	_ =	shalt  }
0x6f: {  	_ =	shalt  }
0x70: {  	_ =	shalt  }
0x71: {  	_ =	shalt  }
0x72: {  	_ =	shalt  }
0x73: {  	_ =	shalt  }
0x74: {  	_ =	shalt  }
0x75: {  	_ =	shalt  }
0x76: {  	_ =	shalt  }
0x77: {  	_ =	shalt  }
0x78: {  	_ =	shalt  }
0x79: {  	_ =	shalt  }
0x7a: {  	_ =	shalt  }
0x7b: {  	_ =	shalt  }
0x7c: {  	_ =	shalt  }
0x7d: {  	_ =	shalt  }
0x7e: {  	_ =	shalt  }
0x7f: {  	_ =	shalt  }
0x80: {  	_ =	shalt  }
0x81: {  	_ =	shalt  }
0x82: {  	_ =	shalt  }
0x83: {  	_ =	shalt  }
0x84: {  	_ =	shalt  }
0x85: {  	_ =	shalt  }
0x86: {  	_ =	shalt  }
0x87: {  	_ =	shalt  }
.Lfunc_end0:
.L_simem_size_0:
called_computation_lowered:
.L_overlay_start_0:
0x88: {  	s2 =	sld [smem:$0x3FD9]  }
0x89: {  	s3 =	sld [smem:$0x3FFE];
	_ =	sdelay $0x1  }
0x8a: {  	s1 =	srdreg.scid  }
0x8b: {  	s0 =	sand.u32 $0x1, s1  }
0x8c: {  	s14 =	sshll.u32 s0, $0xA;
	s2 =	sadd.s32 s3, s2  }
0x8d: {  	s2 =	sadd.s32 s2, s14  }
0x8e: {  	[smem:$0x3FB7] =	sst s2  }
0x8f: {  	_ = 	snop  }
0x90: {  	s2 =	sld [smem:$0x3FD0];
	_ =	sdelay $0x2  }
0x91: {  	s4 =	simm.s32 $0xA;
	s5 =	simm.s32 $0x10;
	s15 =	sld [smem:$0x3FC7]  }
0x92: {  	[smem:s5], [sflag:s4] =	dma.local [hbm:s2], $0x1  }
0x93: {  	_ =	swait.eq [sflag:s4], $0x1  }
0x94: {  	s16 =	sld [smem:$0x11];
	[sflag:s4] =	ssyncset.done $0x0  }
0x95: {  	s17 =	sld [smem:$0x12];
	[sflag:s4] =	ssyncadd.s32 $0xFFFFFFFF  }
0x96: {  	s18 =	sld [smem:$0x13];
	(tm) =	ssettm $0x1  }
0x97: {  	s6 =	sld [smem:$0x3FFB];
	_ =	sdelay $0x3  }
0x98: {  	_ =	strace s6  }
0x99: {  	s6 =	sld [smem:$0x3FFC];
	_ =	sdelay $0x3  }
0x9a: {  	_ =	strace s6  }
0x9b: {  	s6 =	sld [smem:$0x3FFD];
	_ =	sdelay $0x3  }
0x9c: {  	_ =	strace s6  }
0x9d: {  	_ =	strace $0x8FFFFFFF  }
0x9e: {  	s19 =	sld [smem:$0x3FDB];
	_ =	sdelay $0x1  }
0x9f: {  	s7 =	simm.s32 $_scs_section_size  }
0xa0: {  	s8 =	simm.s32 $_size__tile_overlayer_lowered;
	s9 =	simm.s32 $_tile_overlayer_lowered  }
0xa1: {  	s22 =	simm.s32 $0x1BFF;
	s21 =	sshll.u32 s9, $0x1;
	s6 =	sadd.s32 s7, s19  }
0xa2: {  	s10 =	simm.s32 $0x0;
	s20 =	sshll.u32 s8, $0x1;
	s8 =	sadd.s32 s21, s6  }
0xa3: {  	[timem:s10], [sflag:s22] =	dma.local [hbm:s8], s20  }
0xa4: {  	_ =	swait.ge [sflag:s22], s20  }
0xa5: {  	s7 =	ssub.s32 $0x0, s20;
	[sflag:s22] =	ssyncset.done $0x0  }
0xa6: {  	[sflag:s22] =	ssyncadd.s32 s7;
	_ =	sdelay $0x1  }
0xa7: {  	s23 =	simm.s32 $0x1B8B  }
0xa8: {  	_ =	swait.ge [sflag:s23], $0x1  }
0xa9: {  	[sflag:s23] =	ssyncset.done $0x0  }
0xaa: {  	s25 =	simm.s32 $0x1B8E;
	s24 =	sld [smem:$0x3FFE];
	[sflag:s23] =	ssyncadd.s32 $0xFFFFFFFF  }
0xab: {  	s26 =	simm.s32 $execute0_lowered;
	[smem:$0x3FD2] =	sst s25  }
0xac: {  	s8 =	sshll.u32 s26, $0x1;
	_ =	strace $0x80000046;
	[dreg:$0x1] =	wrdreg $0xFFFFFFFF  }
0xad: {  	s28 =	simm.s32 $_size_execute0_lowered;
	s6 =	sadd.s32 s6, s8;
	[dreg:$0x0] =	wrdreg $0x0  }
0xae: {  	s8 =	sshll.u32 s28, $0x1;
	[dreg:$0x2] =	wrdreg s6  }
0xaf: {  	[dreg:$0x3] =	wrdreg s8  }
0xb0: {  	[dreg:$0x4] =	wrdreg $0xC0  }
0xb1: {  	_ =	task [dreg:s10], $0x5FFFF  }
0xb2: {  	[dreg:$0x1] =	wrdreg $0xFFFFFFFF  }
0xb3: {  	[dreg:$0x0] =	wrdreg $0x60  }
0xb4: {  	[dreg:$0x2] =	wrdreg s16  }
0xb5: {  	[dreg:$0x3] =	wrdreg s15  }
0xb6: {  	[dreg:$0x4] =	wrdreg s17  }
0xb7: {  	[dreg:$0x5] =	wrdreg s18  }
0xb8: {  	[dreg:$0x6] =	wrdreg s24  }
0xb9: {  	[dreg:$0x7] =	wrdreg $0x9  }
0xba: {  	_ =	task.clear_ibuf [dreg:s10], $0x8FFFF;
	_ =	strace $0x90000046  }
0xbb: {  	s29 =	simm.s32 $0x9;
	_ =	strace $0x80000048  }
0xbc: {  	_ =	swait.ge [sflag:s29], $0x1  }
0xbd: {  	[sflag:s29] =	ssyncadd.s32 $0xFFFFFFFF  }
0xbe: {  	_ =	strace $0x90000048  }
0xbf: {  	_ =	sfence  }
0xc0: {  	s30 =	sld [smem:$0x0];
	_ =	sdelay $0x2  }
0xc1: {  	s31 =	sshll.u32 s1, $0xD;
	s1 =	sshrl.u32 s1, $0x2  }
0xc2: {  	s3 =	sand.u32 $0x4000, s31;
	s1 =	sadd.s32 s1, s30  }
0xc3: {  	s0 =	sor.u32 s3, s0;
	s1 =	sshll.u32 s1, $0x11  }
0xc4: {  	s0 =	sor.u32 s1, s0  }
0xc5: {  	s0 =	sadd.s32 $0x8F2B, s0  }
0xc6: {  	[sflag:s0] =	ssyncadd.remote.s32 $0x1  }
0xc7: {  	_ =	sfence.sel $0xFFFF  }
0xc8: {  	[dreg:$0x0] =	wrdreg $0xFFFFFFFF;
	(pc) =	sbr.abs _section_cstart, $3  }
0xc9: {  	[dreg:$0x1] =	wrdreg $0xFFFFFFFF  }
0xca: {  	_ =	task.clear_ibuf [dreg:s10], $0x2FFFF;
	_ =	strace $0x9FFFFFFF  }
0xcb: {  	(tm) =	ssettm $0x7FFFFFFF  }
tec
execute0_lowered:
.L_overlay_start_1:
0x0: {  	(tag) =	ssettag $0x1  }
0x1: {  	s0 =	rddreg [dreg:$0x0]  }
0x2: {  	s1 =	rddreg [dreg:$0x1];
	s3 =	srdreg.scid  }
0x3: {  	s2 =	rddreg [dreg:$0x2];
	s4 =	stileid.u32;
	s21 =	sand.u32 $0x1, s3  }
0x4: {  	s7 =	rddreg [dreg:$0x3];
	s17 =	sshll.u32 s4, $0x7;
	s5 =	sshll.u32 s21, $0x6  }
0x5: {  	s20 =	rddreg [dreg:$0x4];
	s6 =	sor.u32 s5, s17  }
0x6: {  	s4 =	simm.s32 $0x0;
	s3 =	sor.u32 $0x4, s6;
	s8 =	smul.u32 $0x300, s6  }
0x7: {  	[smem:$0x7FF] =	sst s4;
	s5 =	sor.u32 $0x8, s6;
	s9 =	smul.u32 $0x300, s3  }
0x8: {  	_ =	strace $0x80000047;
	s11 =	smul.u32 $0x300, s5;
	s10 =	sadd.s32 s7, s8  }
0x9: {  	s8 =	sor.u32 $0xC, s6;
	[dreg:$0x6] =	wrdreg s10;
	s9 =	sadd.s32 s7, s9  }
0xa: {  	s18 =	smul.u32 $0x300, s8;
	s11 =	sadd.s32 s7, s11;
	[dreg:$0x7] =	wrdreg s9  }
0xb: {  	s29 =	smul.u32 $0x180, s3;
	s9 =	sor.u32 $0x10, s6;
	[dreg:$0x8] =	wrdreg s11  }
0xc: {  	s11 =	sor.u32 $0x18, s6;
	s10 =	sadd.s32 s7, s18;
	s19 =	smul.u32 $0x300, s9  }
0xd: {  	s14 =	smul.u32 $0x300, s11;
	[dreg:$0x9] =	wrdreg s10;
	s10 =	sor.u32 $0x14, s6  }
0xe: {  	s12 =	sadd.s32 s7, s19;
	s13 =	smul.u32 $0x300, s10  }
0xf: {  	s14 =	sadd.s32 s7, s14;
	[dreg:$0xa] =	wrdreg s12;
	s12 =	sor.u32 $0x1C, s6  }
0x10: {  	[dreg:$0xc] =	wrdreg s14;
	s14 =	sor.u32 $0x24, s6;
	s16 =	smul.u32 $0x300, s12  }
0x11: {  	s15 =	sadd.s32 s7, s13;
	s13 =	sor.u32 $0x20, s6;
	s23 =	smul.u32 $0x300, s14  }
0x12: {  	s22 =	smul.u32 $0x300, s13  }
0x13: {  	[dreg:$0xb] =	wrdreg s15;
	s16 =	sadd.s32 s7, s16;
	s17 =	sadd.s32 s7, s23  }
0x14: {  	[dreg:$0xd] =	wrdreg s16;
	s15 =	sadd.s32 s7, s22;
	s16 =	sor.u32 $0x2C, s6  }
0x15: {  	[dreg:$0xf] =	wrdreg s17;
	s17 =	sor.u32 $0x30, s6;
	s19 =	smul.u32 $0x300, s16  }
0x16: {  	[dreg:$0xe] =	wrdreg s15;
	s15 =	sor.u32 $0x28, s6;
	s23 =	smul.u32 $0x300, s17  }
0x17: {  	s3 =	sadd.s32 s0, s3;
	s18 =	smul.u32 $0x300, s15  }
0x18: {  	[smem:$0x7EE] =	sst s3;
	s19 =	sadd.s32 s7, s19  }
0x19: {  	s23 =	sadd.s32 s7, s23;
	s22 =	sadd.s32 s7, s18;
	s18 =	sor.u32 $0x34, s6  }
0x1a: {  	[dreg:$0x11] =	wrdreg s19;
	s19 =	sor.u32 $0x38, s6;
	s24 =	smul.u32 $0x300, s18  }
0x1b: {  	[dreg:$0x12] =	wrdreg s23;
	s25 =	smul.u32 $0x300, s19  }
0x1c: {  	s28 =	smul.u32 $0x180, s6;
	[dreg:$0x10] =	wrdreg s22;
	s22 =	sadd.s32 s7, s24  }
0x1d: {  	s24 =	ssub.s32 $0x2, s21;
	s23 =	sadd.s32 s7, s25;
	[dreg:$0x13] =	wrdreg s22  }
0x1e: {  	s21 =	sor.u32 $0x3C, s6;
	s6 =	sadd.s32 s0, s6;
	[dreg:$0x14] =	wrdreg s23  }
0x1f: {  	s26 =	sshrl.u32 s24, $0x1;
	s25 =	smul.u32 $0x300, s21;
	[smem:$0x7EC] =	sst s6  }
0x20: {  	s22 =	ssub.s32 s24, s26;
	s26 =	smul.u32 $0x180, s5;
	s5 =	sadd.s32 s0, s5  }
0x21: {  	s24 =	sadd.s32 s0, s15;
	[smem:$0x7EF] =	sst s5  }
0x22: {  	s20 =	sadd.s32 $0x2A00, s20;
	s7 =	sadd.s32 s7, s25;
	[smem:$0x7F7] =	sst s24  }
0x23: {  	s25 =	sadd.s32 s20, s28;
	[dreg:$0x15] =	wrdreg s7  }
0x24: {  	s28 =	sadd.s32 s20, s29;
	[dreg:$0x16] =	wrdreg s25  }
0x25: {  	s29 =	smul.u32 $0x180, s8;
	s8 =	sadd.s32 s0, s8;
	[dreg:$0x17] =	wrdreg s28  }
0x26: {  	s25 =	sadd.s32 s20, s26;
	[smem:$0x7F0] =	sst s8  }
0x27: {  	s26 =	smul.u32 $0x180, s9;
	s9 =	sadd.s32 s0, s9;
	[dreg:$0x18] =	wrdreg s25  }
0x28: {  	s28 =	sadd.s32 s20, s29;
	[smem:$0x7F1] =	sst s9  }
0x29: {  	s29 =	smul.u32 $0x180, s10;
	s10 =	sadd.s32 s0, s10;
	[dreg:$0x19] =	wrdreg s28  }
0x2a: {  	s25 =	sadd.s32 s20, s26;
	[smem:$0x7F2] =	sst s10  }
0x2b: {  	s26 =	smul.u32 $0x180, s11;
	s11 =	sadd.s32 s0, s11;
	[dreg:$0x1a] =	wrdreg s25  }
0x2c: {  	s28 =	sadd.s32 s20, s29;
	[smem:$0x7F3] =	sst s11  }
0x2d: {  	s29 =	smul.u32 $0x180, s12;
	s12 =	sadd.s32 s0, s12;
	[dreg:$0x1b] =	wrdreg s28  }
0x2e: {  	s25 =	sadd.s32 s20, s26;
	[smem:$0x7F4] =	sst s12  }
0x2f: {  	s26 =	smul.u32 $0x180, s13;
	s13 =	sadd.s32 s0, s13;
	[dreg:$0x1c] =	wrdreg s25  }
0x30: {  	s28 =	sadd.s32 s20, s29;
	s29 =	smul.u32 $0x180, s14;
	[smem:$0x7F5] =	sst s13  }
0x31: {  	[dreg:$0x1d] =	wrdreg s28;
	s25 =	sadd.s32 s20, s26;
	s26 =	smul.u32 $0x180, s15  }
0x32: {  	[dreg:$0x1e] =	wrdreg s25;
	s28 =	sadd.s32 s20, s29;
	s29 =	smul.u32 $0x180, s16  }
0x33: {  	[dreg:$0x1f] =	wrdreg s28;
	s25 =	sadd.s32 s20, s26;
	s26 =	smul.u32 $0x180, s17  }
0x34: {  	[smem:$0x7E8] =	sst s25;
	s28 =	sadd.s32 s20, s29;
	s29 =	smul.u32 $0x180, s18  }
0x35: {  	s25 =	smul.u32 $0x180, s19;
	[smem:$0x7E9] =	sst s28;
	s23 =	sadd.s32 s20, s26  }
0x36: {  	[smem:$0x7EA] =	sst s23;
	s26 =	sadd.s32 s20, s29  }
0x37: {  	s29 =	sadd.s32 s20, s25;
	[smem:$0x7EB] =	sst s26  }
0x38: {  	s23 =	sadd.s32 s0, s14;
	[smem:$0x7ED] =	sst s29  }
0x39: {  	s28 =	smul.u32 $0x180, s21;
	s25 =	sadd.s32 s0, s16;
	[smem:$0x7F6] =	sst s23  }
0x3a: {  	s30 =	simm.s32 $0x1;
	[smem:$0x7F8] =	sst s25;
	s26 =	sadd.s32 s0, s17  }
0x3b: {  	s20 =	sadd.s32 s20, s28;
	s28 =	sadd.s32 s0, s18;
	[smem:$0x7F9] =	sst s26  }
0x3c: {  	s31 =	simm.s32 $0x2;
	s29 =	sadd.s32 s0, s19;
	[smem:$0x7FA] =	sst s28  }
0x3d: {  	v2 =	vlaneseq.u32;
	s6 =	sadd.s32 $0x100, s1;
	s0 =	sadd.s32 s0, s21;
	[smem:$0x7FB] =	sst s29  }
0x3e: {  	vm0 =	vmmov $0xffff;
	vm1 =	vmmov $0xff;
	v1 =	vshrl.u32 v2, $0x3;
	s7 =	sadd.s32 $0x200, s1;
	s23 =	sadd.s32 $0x100, s2;
	[smem:$0x7FC] =	sst s0  }
0x3f: {  	v0 =	vand.u32 $0x7, v2;
	v2 =	vor.u32 $0x8, v2;
	v1 =	vmul.u32 $0x8, v1;
	s25 =	simm.s32 $0x3;
	[smem:$0x7FD] =	sst s20;
	s0 =	smax.u32 s22, $0x1  }
.LBB2_1:
0x40: {  	s5 =	sld [smem:$0x7EC];
	_ =	sdelay $0x1  }
0x41: {  	[smem:$0x7E7] =	sst s0  }
0x42: {  	[tilespmem:s4], [sflag:$0x3] =	stream.linear.gather [hbm4b:s5+s4], $0x20, $0x38;
	[tilespmem:$0x12100] =	vst v63  }
0x43: {  	_ =	swait.ge [sflag:s25], $0x20  }
0x44: {  	[sflag:s25] =	ssyncset.done $0x0  }
0x45: {  	[sflag:s25] =	ssyncadd.s32 $0xFFFFFFE0  }
0x46: {  	v3 =	vld [tilespmem:$0x0];
	_ =	sdelay $0x4  }
0x47: {  	v4 =	vshrl.u32 v3, $0x3  }
0x48: {  	v4 =	vmul.u32 $0x30, v4  }
0x49: {  	v3 =	vand.u32 $0x7, v3  }
0x4a: {  	v3 =	vor.u32 v3, v4  }
0x4b: {  	v4 =	vperm.xlane v3, v0;
	_ =	sdelay $0x1  }
0x4c: {  	v4 =	vadd.s32 v1, v4;
	_ =	sdelay $0x3  }
0x4d: {  	s12 =	simm.s32 $0x100;
	v3 =	vperm.xlane v3, v2  }
0x4e: {  	[tilespmem:s12], [sflag:$0x1] =	stream.indirect_vreg.gather [hbm4b:s1+s4], $0x80, v4, vm0, $0xb8;
	[tilespmem:$0x12100] =	vst v63  }
0x4f: {  	s8 =	simm.s32 $0x900;
	v3 =	vadd.s32 v1, v3  }
0x50: {  	[tilespmem:s8], [sflag:$0x1] =	stream.indirect_vreg.gather [hbm4b:s6+s4], $0x80, v4, vm0, $0xb8;
	[tilespmem:$0x12100] =	vst v63  }
0x51: {  	s9 =	simm.s32 $0x1100  }
0x52: {  	[tilespmem:s9], [sflag:$0x1] =	stream.indirect_vreg.gather [hbm4b:s7+s4], $0x80, v4, vm0, $0xb8;
	[tilespmem:$0x12100] =	vst v63  }
0x53: {  	s10 =	simm.s32 $0x1900  }
0x54: {  	[tilespmem:s10], [sflag:$0x1] =	stream.indirect_vreg.gather [hbm4b:s1+s4], $0x80, v3, vm0, $0xb8;
	[tilespmem:$0x12100] =	vst v63  }
0x55: {  	s11 =	simm.s32 $0x2100  }
0x56: {  	[tilespmem:s11], [sflag:$0x1] =	stream.indirect_vreg.gather [hbm4b:s6+s4], $0x80, v3, vm0, $0xb8;
	[tilespmem:$0x12100] =	vst v63  }
0x57: {  	s13 =	simm.s32 $0x2900  }
0x58: {  	[tilespmem:s13], [sflag:$0x1] =	stream.indirect_vreg.gather [hbm4b:s7+s4], $0x80, v3, vm0, $0xb8;
	[tilespmem:$0x12100] =	vst v63  }
0x59: {  	v3 =	vld [tilespmem:$0x10];
	_ =	sdelay $0x4  }
0x5a: {  	v57 =	vshrl.u32 v3, $0x3  }
0x5b: {  	v4 =	vmul.u32 $0x30, v57  }
0x5c: {  	v3 =	vand.u32 $0x7, v3  }
0x5d: {  	v3 =	vor.u32 v3, v4  }
0x5e: {  	v4 =	vperm.xlane v3, v0;
	_ =	sdelay $0x1  }
0x5f: {  	v4 =	vadd.s32 v1, v4;
	_ =	sdelay $0x3  }
0x60: {  	s14 =	simm.s32 $0x3100;
	v3 =	vperm.xlane v3, v2  }
0x61: {  	[tilespmem:s14], [sflag:$0x1] =	stream.indirect_vreg.gather [hbm4b:s1+s4], $0x80, v4, vm0, $0xb8;
	[tilespmem:$0x12100] =	vst v63  }
0x62: {  	s15 =	simm.s32 $0x3900;
	v3 =	vadd.s32 v1, v3  }
0x63: {  	[tilespmem:s15], [sflag:$0x1] =	stream.indirect_vreg.gather [hbm4b:s6+s4], $0x80, v4, vm0, $0xb8;
	[tilespmem:$0x12100] =	vst v63  }
0x64: {  	s16 =	simm.s32 $0x4100  }
0x65: {  	[tilespmem:s16], [sflag:$0x1] =	stream.indirect_vreg.gather [hbm4b:s7+s4], $0x80, v4, vm0, $0xb8;
	[tilespmem:$0x12100] =	vst v63  }
0x66: {  	s17 =	simm.s32 $0x4900  }
0x67: {  	[tilespmem:s17], [sflag:$0x1] =	stream.indirect_vreg.gather [hbm4b:s1+s4], $0x80, v3, vm0, $0xb8;
	[tilespmem:$0x12100] =	vst v63  }
0x68: {  	s20 =	simm.s32 $0x5100  }
0x69: {  	[tilespmem:s20], [sflag:$0x1] =	stream.indirect_vreg.gather [hbm4b:s6+s4], $0x80, v3, vm0, $0xb8;
	[tilespmem:$0x12100] =	vst v63  }
0x6a: {  	s24 =	simm.s32 $0x5900;
	s26 =	sld [smem:$0x7EE]  }
0x6b: {  	[tilespmem:s24], [sflag:$0x1] =	stream.indirect_vreg.gather [hbm4b:s7+s4], $0x80, v3, vm0, $0xb8;
	[tilespmem:$0x12100] =	vst v63  }
0x6c: {  	s3 =	simm.s32 $0x80  }
0x6d: {  	[tilespmem:s3], [sflag:$0x3] =	stream.linear.gather [hbm4b:s26+s4], $0x20, $0x38;
	[tilespmem:$0x12100] =	vst v63  }
0x6e: {  	_ =	swait.ge [sflag:s25], $0x20  }
0x6f: {  	[sflag:s25] =	ssyncset.done $0x0  }
0x70: {  	[sflag:s25] =	ssyncadd.s32 $0xFFFFFFE0  }
0x71: {  	v3 =	vld [tilespmem:$0x80];
	_ =	sdelay $0x4  }
0x72: {  	v58 =	vshrl.u32 v3, $0x3  }
0x73: {  	v4 =	vmul.u32 $0x30, v58  }
0x74: {  	v3 =	vand.u32 $0x7, v3  }
0x75: {  	v3 =	vor.u32 v3, v4  }
0x76: {  	v4 =	vperm.xlane v3, v0;
	_ =	sdelay $0x1  }
0x77: {  	v4 =	vadd.s32 v1, v4;
	_ =	sdelay $0x3  }
0x78: {  	s11 =	simm.s32 $0x6100;
	v3 =	vperm.xlane v3, v2  }
0x79: {  	[tilespmem:s11], [sflag:$0x2] =	stream.indirect_vreg.gather [hbm4b:s1+s4], $0x80, v4, vm0, $0xb8;
	[tilespmem:$0x12100] =	vst v63  }
0x7a: {  	s5 =	simm.s32 $0x6900;
	v3 =	vadd.s32 v1, v3  }
0x7b: {  	[tilespmem:s5], [sflag:$0x2] =	stream.indirect_vreg.gather [hbm4b:s6+s4], $0x80, v4, vm0, $0xb8;
	[tilespmem:$0x12100] =	vst v63  }
0x7c: {  	s28 =	simm.s32 $0x7100  }
0x7d: {  	[tilespmem:s28], [sflag:$0x2] =	stream.indirect_vreg.gather [hbm4b:s7+s4], $0x80, v4, vm0, $0xb8;
	[tilespmem:$0x12100] =	vst v63  }
0x7e: {  	s29 =	simm.s32 $0x7900  }
0x7f: {  	[tilespmem:s29], [sflag:$0x2] =	stream.indirect_vreg.gather [hbm4b:s1+s4], $0x80, v3, vm0, $0xb8;
	[tilespmem:$0x12100] =	vst v63  }
0x80: {  	s3 =	simm.s32 $0x8100  }
0x81: {  	[tilespmem:s3], [sflag:$0x2] =	stream.indirect_vreg.gather [hbm4b:s6+s4], $0x80, v3, vm0, $0xb8;
	[tilespmem:$0x12100] =	vst v63  }
0x82: {  	s5 =	simm.s32 $0x8900  }
0x83: {  	[tilespmem:s5], [sflag:$0x2] =	stream.indirect_vreg.gather [hbm4b:s7+s4], $0x80, v3, vm0, $0xb8;
	[tilespmem:$0x12100] =	vst v63  }
0x84: {  	v3 =	vld [tilespmem:$0x90];
	_ =	sdelay $0x4  }
0x85: {  	v59 =	vshrl.u32 v3, $0x3  }
0x86: {  	v4 =	vmul.u32 $0x30, v59  }
0x87: {  	v3 =	vand.u32 $0x7, v3  }
0x88: {  	v3 =	vor.u32 v3, v4  }
0x89: {  	v4 =	vperm.xlane v3, v0;
	_ =	sdelay $0x1  }
0x8a: {  	v4 =	vadd.s32 v1, v4;
	_ =	sdelay $0x3  }
0x8b: {  	s17 =	simm.s32 $0x9100;
	v3 =	vperm.xlane v3, v2  }
0x8c: {  	[tilespmem:s17], [sflag:$0x2] =	stream.indirect_vreg.gather [hbm4b:s1+s4], $0x80, v4, vm0, $0xb8;
	[tilespmem:$0x12100] =	vst v63  }
0x8d: {  	s20 =	simm.s32 $0x9900;
	v3 =	vadd.s32 v1, v3  }
0x8e: {  	[tilespmem:s20], [sflag:$0x2] =	stream.indirect_vreg.gather [hbm4b:s6+s4], $0x80, v4, vm0, $0xb8;
	[tilespmem:$0x12100] =	vst v63  }
0x8f: {  	s28 =	simm.s32 $0xA100  }
0x90: {  	[tilespmem:s28], [sflag:$0x2] =	stream.indirect_vreg.gather [hbm4b:s7+s4], $0x80, v4, vm0, $0xb8;
	[tilespmem:$0x12100] =	vst v63  }
0x91: {  	s24 =	simm.s32 $0xA900  }
0x92: {  	[tilespmem:s24], [sflag:$0x2] =	stream.indirect_vreg.gather [hbm4b:s1+s4], $0x80, v3, vm0, $0xb8;
	[tilespmem:$0x12100] =	vst v63  }
0x93: {  	s26 =	simm.s32 $0xB100  }
0x94: {  	[tilespmem:s26], [sflag:$0x2] =	stream.indirect_vreg.gather [hbm4b:s6+s4], $0x80, v3, vm0, $0xb8;
	[tilespmem:$0x12100] =	vst v63  }
0x95: {  	s29 =	simm.s32 $0xB900  }
0x96: {  	[tilespmem:s29], [sflag:$0x2] =	stream.indirect_vreg.gather [hbm4b:s7+s4], $0x80, v3, vm0, $0xb8;
	[tilespmem:$0x12100] =	vst v63  }
0x97: {  	_ =	swait.ge [sflag:s30], $0x6000  }
0x98: {  	[sflag:s30] =	ssyncset.done $0x0  }
0x99: {  	s3 =	rddreg [dreg:$0x6];
	[sflag:s30] =	ssyncadd.s32 $0xFFFFA000  }
0x9a: {  	[hbm4b:s3+s4] =	stream.linear.scatter [tilespmem:s12], [sflag:$0x3], $0x6000, $0x38;
	[tilespmem:$0x12100] =	vst v63  }
0x9b: {  	_ =	swait.ge [sflag:s25], $0x6000  }
0x9c: {  	s5 =	sld [smem:$0x7EF]  }
0x9d: {  	[sflag:s25] =	ssyncset.done $0x0  }
0x9e: {  	[sflag:s25] =	ssyncadd.s32 $0xFFFFA000  }
0x9f: {  	[tilespmem:s4], [sflag:$0x3] =	stream.linear.gather [hbm4b:s5+s4], $0x20, $0x38;
	[tilespmem:$0x12100] =	vst v63  }
0xa0: {  	_ =	swait.ge [sflag:s25], $0x20  }
0xa1: {  	[sflag:s25] =	ssyncset.done $0x0  }
0xa2: {  	[sflag:s25] =	ssyncadd.s32 $0xFFFFFFE0  }
0xa3: {  	v3 =	vld [tilespmem:$0x0];
	_ =	sdelay $0x4  }
0xa4: {  	v60 =	vshrl.u32 v3, $0x3  }
0xa5: {  	v4 =	vmul.u32 $0x30, v60  }
0xa6: {  	v3 =	vand.u32 $0x7, v3  }
0xa7: {  	v3 =	vor.u32 v3, v4  }
0xa8: {  	v4 =	vperm.xlane v3, v0;
	_ =	sdelay $0x1  }
0xa9: {  	v4 =	vadd.s32 v1, v4;
	_ =	sdelay $0x3  }
0xaa: {  	v3 =	vperm.xlane v3, v2  }
0xab: {  	[tilespmem:s12], [sflag:$0x1] =	stream.indirect_vreg.gather [hbm4b:s1+s4], $0x80, v4, vm0, $0xb8;
	[tilespmem:$0x12100] =	vst v63  }
0xac: {  	s19 =	simm.s32 $0x900;
	v3 =	vadd.s32 v1, v3  }
0xad: {  	[tilespmem:s19], [sflag:$0x1] =	stream.indirect_vreg.gather [hbm4b:s6+s4], $0x80, v4, vm0, $0xb8;
	[tilespmem:$0x12100] =	vst v63  }
0xae: {  	s21 =	simm.s32 $0x1100  }
0xaf: {  	[tilespmem:s21], [sflag:$0x1] =	stream.indirect_vreg.gather [hbm4b:s7+s4], $0x80, v4, vm0, $0xb8;
	[tilespmem:$0x12100] =	vst v63  }
0xb0: {  	s22 =	simm.s32 $0x1900  }
0xb1: {  	[tilespmem:s22], [sflag:$0x1] =	stream.indirect_vreg.gather [hbm4b:s1+s4], $0x80, v3, vm0, $0xb8;
	[tilespmem:$0x12100] =	vst v63  }
0xb2: {  	s8 =	simm.s32 $0x2100  }
0xb3: {  	[tilespmem:s8], [sflag:$0x1] =	stream.indirect_vreg.gather [hbm4b:s6+s4], $0x80, v3, vm0, $0xb8;
	[tilespmem:$0x12100] =	vst v63  }
0xb4: {  	s13 =	simm.s32 $0x2900  }
0xb5: {  	[tilespmem:s13], [sflag:$0x1] =	stream.indirect_vreg.gather [hbm4b:s7+s4], $0x80, v3, vm0, $0xb8;
	[tilespmem:$0x12100] =	vst v63  }
0xb6: {  	v3 =	vld [tilespmem:$0x10];
	_ =	sdelay $0x4  }
0xb7: {  	v61 =	vshrl.u32 v3, $0x3  }
0xb8: {  	v4 =	vmul.u32 $0x30, v61  }
0xb9: {  	v3 =	vand.u32 $0x7, v3  }
0xba: {  	v3 =	vor.u32 v3, v4  }
0xbb: {  	v4 =	vperm.xlane v3, v0;
	_ =	sdelay $0x1  }
0xbc: {  	v4 =	vadd.s32 v1, v4;
	_ =	sdelay $0x3  }
0xbd: {  	s18 =	simm.s32 $0x3100;
	v3 =	vperm.xlane v3, v2  }
0xbe: {  	[tilespmem:s18], [sflag:$0x1] =	stream.indirect_vreg.gather [hbm4b:s1+s4], $0x80, v4, vm0, $0xb8;
	[tilespmem:$0x12100] =	vst v63  }
0xbf: {  	s14 =	simm.s32 $0x3900;
	v3 =	vadd.s32 v1, v3  }
0xc0: {  	[tilespmem:s14], [sflag:$0x1] =	stream.indirect_vreg.gather [hbm4b:s6+s4], $0x80, v4, vm0, $0xb8;
	[tilespmem:$0x12100] =	vst v63  }
0xc1: {  	s15 =	simm.s32 $0x4100  }
0xc2: {  	[tilespmem:s15], [sflag:$0x1] =	stream.indirect_vreg.gather [hbm4b:s7+s4], $0x80, v4, vm0, $0xb8;
	[tilespmem:$0x12100] =	vst v63  }
0xc3: {  	s16 =	simm.s32 $0x4900  }
0xc4: {  	[tilespmem:s16], [sflag:$0x1] =	stream.indirect_vreg.gather [hbm4b:s1+s4], $0x80, v3, vm0, $0xb8;
	[tilespmem:$0x12100] =	vst v63  }
0xc5: {  	s9 =	simm.s32 $0x5100  }
0xc6: {  	[tilespmem:s9], [sflag:$0x1] =	stream.indirect_vreg.gather [hbm4b:s6+s4], $0x80, v3, vm0, $0xb8;
	[tilespmem:$0x12100] =	vst v63  }
0xc7: {  	s10 =	simm.s32 $0x5900  }
0xc8: {  	[tilespmem:s10], [sflag:$0x1] =	stream.indirect_vreg.gather [hbm4b:s7+s4], $0x80, v3, vm0, $0xb8;
	[tilespmem:$0x12100] =	vst v63  }
0xc9: {  	_ =	swait.ge [sflag:s31], $0x6000  }
0xca: {  	[sflag:s31] =	ssyncset.done $0x0  }
0xcb: {  	s16 =	rddreg [dreg:$0x7];
	[sflag:s31] =	ssyncadd.s32 $0xFFFFA000  }
0xcc: {  	[hbm4b:s16+s4] =	stream.linear.scatter [tilespmem:s11], [sflag:$0x3], $0x6000, $0x38;
	[tilespmem:$0x12100] =	vst v63  }
0xcd: {  	_ =	swait.ge [sflag:s25], $0x6000  }
0xce: {  	s18 =	sld [smem:$0x7F0]  }
0xcf: {  	[sflag:s25] =	ssyncset.done $0x0  }
0xd0: {  	s0 =	simm.s32 $0x80;
	[sflag:s25] =	ssyncadd.s32 $0xFFFFA000  }
0xd1: {  	[tilespmem:s0], [sflag:$0x3] =	stream.linear.gather [hbm4b:s18+s4], $0x20, $0x38;
	[tilespmem:$0x12100] =	vst v63  }
0xd2: {  	_ =	swait.ge [sflag:s25], $0x20  }
0xd3: {  	[sflag:s25] =	ssyncset.done $0x0  }
0xd4: {  	[sflag:s25] =	ssyncadd.s32 $0xFFFFFFE0  }
0xd5: {  	v3 =	vld [tilespmem:$0x80];
	_ =	sdelay $0x4  }
0xd6: {  	v62 =	vshrl.u32 v3, $0x3  }
0xd7: {  	v4 =	vmul.u32 $0x30, v62  }
0xd8: {  	v3 =	vand.u32 $0x7, v3  }
0xd9: {  	v3 =	vor.u32 v3, v4  }
0xda: {  	v4 =	vperm.xlane v3, v0;
	_ =	sdelay $0x1  }
0xdb: {  	v4 =	vadd.s32 v1, v4;
	_ =	sdelay $0x3  }
0xdc: {  	v3 =	vperm.xlane v3, v2  }
0xdd: {  	[tilespmem:s11], [sflag:$0x2] =	stream.indirect_vreg.gather [hbm4b:s1+s4], $0x80, v4, vm0, $0xb8;
	[tilespmem:$0x12100] =	vst v63  }
0xde: {  	s0 =	simm.s32 $0x6900;
	v3 =	vadd.s32 v1, v3  }
0xdf: {  	[tilespmem:s0], [sflag:$0x2] =	stream.indirect_vreg.gather [hbm4b:s6+s4], $0x80, v4, vm0, $0xb8;
	[tilespmem:$0x12100] =	vst v63  }
0xe0: {  	s3 =	simm.s32 $0x7100  }
0xe1: {  	[tilespmem:s3], [sflag:$0x2] =	stream.indirect_vreg.gather [hbm4b:s7+s4], $0x80, v4, vm0, $0xb8;
	[tilespmem:$0x12100] =	vst v63  }
0xe2: {  	s5 =	simm.s32 $0x7900  }
0xe3: {  	[tilespmem:s5], [sflag:$0x2] =	stream.indirect_vreg.gather [hbm4b:s1+s4], $0x80, v3, vm0, $0xb8;
	[tilespmem:$0x12100] =	vst v63  }
0xe4: {  	s8 =	simm.s32 $0x8100  }
0xe5: {  	[tilespmem:s8], [sflag:$0x2] =	stream.indirect_vreg.gather [hbm4b:s6+s4], $0x80, v3, vm0, $0xb8;
	[tilespmem:$0x12100] =	vst v63  }
0xe6: {  	s9 =	simm.s32 $0x8900  }
0xe7: {  	[tilespmem:s9], [sflag:$0x2] =	stream.indirect_vreg.gather [hbm4b:s7+s4], $0x80, v3, vm0, $0xb8;
	[tilespmem:$0x12100] =	vst v63  }
0xe8: {  	v3 =	vld [tilespmem:$0x90];
	_ =	sdelay $0x4  }
0xe9: {  	v63 =	vshrl.u32 v3, $0x3  }
0xea: {  	v4 =	vmul.u32 $0x30, v63  }
0xeb: {  	v3 =	vand.u32 $0x7, v3  }
0xec: {  	v3 =	vor.u32 v3, v4  }
0xed: {  	v4 =	vperm.xlane v3, v0;
	_ =	sdelay $0x1  }
0xee: {  	v4 =	vadd.s32 v1, v4;
	_ =	sdelay $0x3  }
0xef: {  	s10 =	simm.s32 $0x9100;
	v3 =	vperm.xlane v3, v2  }
0xf0: {  	[tilespmem:s10], [sflag:$0x2] =	stream.indirect_vreg.gather [hbm4b:s1+s4], $0x80, v4, vm0, $0xb8;
	[tilespmem:$0x12100] =	vst v63  }
0xf1: {  	s28 =	simm.s32 $0x9900;
	v3 =	vadd.s32 v1, v3  }
0xf2: {  	[tilespmem:s28], [sflag:$0x2] =	stream.indirect_vreg.gather [hbm4b:s6+s4], $0x80, v4, vm0, $0xb8;
	[tilespmem:$0x12100] =	vst v63  }
0xf3: {  	s16 =	simm.s32 $0xA100  }
0xf4: {  	[tilespmem:s16], [sflag:$0x2] =	stream.indirect_vreg.gather [hbm4b:s7+s4], $0x80, v4, vm0, $0xb8;
	[tilespmem:$0x12100] =	vst v63  }
0xf5: {  	s17 =	simm.s32 $0xA900  }
0xf6: {  	[tilespmem:s17], [sflag:$0x2] =	stream.indirect_vreg.gather [hbm4b:s1+s4], $0x80, v3, vm0, $0xb8;
	[tilespmem:$0x12100] =	vst v63  }
0xf7: {  	s24 =	simm.s32 $0xB100  }
0xf8: {  	[tilespmem:s24], [sflag:$0x2] =	stream.indirect_vreg.gather [hbm4b:s6+s4], $0x80, v3, vm0, $0xb8;
	[tilespmem:$0x12100] =	vst v63  }
0xf9: {  	s20 =	simm.s32 $0xB900  }
0xfa: {  	[tilespmem:s20], [sflag:$0x2] =	stream.indirect_vreg.gather [hbm4b:s7+s4], $0x80, v3, vm0, $0xb8;
	[tilespmem:$0x12100] =	vst v63  }
0xfb: {  	_ =	swait.ge [sflag:s30], $0x6000  }
0xfc: {  	[sflag:s30] =	ssyncset.done $0x0  }
0xfd: {  	s20 =	rddreg [dreg:$0x8];
	[sflag:s30] =	ssyncadd.s32 $0xFFFFA000  }
0xfe: {  	[hbm4b:s20+s4] =	stream.linear.scatter [tilespmem:s12], [sflag:$0x3], $0x6000, $0x38;
	[tilespmem:$0x12100] =	vst v63  }
0xff: {  	_ =	swait.ge [sflag:s25], $0x6000  }
0x100: {  	s20 =	sld [smem:$0x7F1]  }
0x101: {  	[sflag:s25] =	ssyncset.done $0x0  }
0x102: {  	[sflag:s25] =	ssyncadd.s32 $0xFFFFA000  }
0x103: {  	[tilespmem:s4], [sflag:$0x3] =	stream.linear.gather [hbm4b:s20+s4], $0x20, $0x38;
	[tilespmem:$0x12100] =	vst v63  }
0x104: {  	_ =	swait.ge [sflag:s25], $0x20  }
0x105: {  	[sflag:s25] =	ssyncset.done $0x0  }
0x106: {  	[sflag:s25] =	ssyncadd.s32 $0xFFFFFFE0  }
0x107: {  	v3 =	vld [tilespmem:$0x0];
	_ =	sdelay $0x4  }
0x108: {  	v8 =	vshrl.u32 v3, $0x3  }
0x109: {  	v4 =	vmul.u32 $0x30, v8  }
0x10a: {  	v3 =	vand.u32 $0x7, v3  }
0x10b: {  	v3 =	vor.u32 v3, v4  }
0x10c: {  	v4 =	vperm.xlane v3, v0;
	_ =	sdelay $0x1  }
0x10d: {  	v4 =	vadd.s32 v1, v4;
	_ =	sdelay $0x3  }
0x10e: {  	v3 =	vperm.xlane v3, v2  }
0x10f: {  	[tilespmem:s12], [sflag:$0x1] =	stream.indirect_vreg.gather [hbm4b:s1+s4], $0x80, v4, vm0, $0xb8;
	[tilespmem:$0x12100] =	vst v63  }
0x110: {  	s28 =	simm.s32 $0x900;
	v3 =	vadd.s32 v1, v3  }
0x111: {  	[tilespmem:s28], [sflag:$0x1] =	stream.indirect_vreg.gather [hbm4b:s6+s4], $0x80, v4, vm0, $0xb8;
	[tilespmem:$0x12100] =	vst v63  }
0x112: {  	s28 =	simm.s32 $0x1100  }
0x113: {  	[tilespmem:s28], [sflag:$0x1] =	stream.indirect_vreg.gather [hbm4b:s7+s4], $0x80, v4, vm0, $0xb8;
	[tilespmem:$0x12100] =	vst v63  }
0x114: {  	s28 =	simm.s32 $0x1900  }
0x115: {  	[tilespmem:s28], [sflag:$0x1] =	stream.indirect_vreg.gather [hbm4b:s1+s4], $0x80, v3, vm0, $0xb8;
	[tilespmem:$0x12100] =	vst v63  }
0x116: {  	s19 =	simm.s32 $0x2100  }
0x117: {  	[tilespmem:s19], [sflag:$0x1] =	stream.indirect_vreg.gather [hbm4b:s6+s4], $0x80, v3, vm0, $0xb8;
	[tilespmem:$0x12100] =	vst v63  }
0x118: {  	s22 =	simm.s32 $0x2900  }
0x119: {  	[tilespmem:s22], [sflag:$0x1] =	stream.indirect_vreg.gather [hbm4b:s7+s4], $0x80, v3, vm0, $0xb8;
	[tilespmem:$0x12100] =	vst v63  }
0x11a: {  	v3 =	vld [tilespmem:$0x10];
	_ =	sdelay $0x4  }
0x11b: {  	v9 =	vshrl.u32 v3, $0x3  }
0x11c: {  	v4 =	vmul.u32 $0x30, v9  }
0x11d: {  	v3 =	vand.u32 $0x7, v3  }
0x11e: {  	v3 =	vor.u32 v3, v4  }
0x11f: {  	v4 =	vperm.xlane v3, v0;
	_ =	sdelay $0x1  }
0x120: {  	v4 =	vadd.s32 v1, v4;
	_ =	sdelay $0x3  }
0x121: {  	s26 =	simm.s32 $0x3100;
	v3 =	vperm.xlane v3, v2  }
0x122: {  	[tilespmem:s26], [sflag:$0x1] =	stream.indirect_vreg.gather [hbm4b:s1+s4], $0x80, v4, vm0, $0xb8;
	[tilespmem:$0x12100] =	vst v63  }
0x123: {  	s29 =	simm.s32 $0x3900;
	v3 =	vadd.s32 v1, v3  }
0x124: {  	[tilespmem:s29], [sflag:$0x1] =	stream.indirect_vreg.gather [hbm4b:s6+s4], $0x80, v4, vm0, $0xb8;
	[tilespmem:$0x12100] =	vst v63  }
0x125: {  	s28 =	simm.s32 $0x4100  }
0x126: {  	[tilespmem:s28], [sflag:$0x1] =	stream.indirect_vreg.gather [hbm4b:s7+s4], $0x80, v4, vm0, $0xb8;
	[tilespmem:$0x12100] =	vst v63  }
0x127: {  	s29 =	simm.s32 $0x4900  }
0x128: {  	[tilespmem:s29], [sflag:$0x1] =	stream.indirect_vreg.gather [hbm4b:s1+s4], $0x80, v3, vm0, $0xb8;
	[tilespmem:$0x12100] =	vst v63  }
0x129: {  	s14 =	simm.s32 $0x5100  }
0x12a: {  	[tilespmem:s14], [sflag:$0x1] =	stream.indirect_vreg.gather [hbm4b:s6+s4], $0x80, v3, vm0, $0xb8;
	[tilespmem:$0x12100] =	vst v63  }
0x12b: {  	s21 =	simm.s32 $0x5900  }
0x12c: {  	[tilespmem:s21], [sflag:$0x1] =	stream.indirect_vreg.gather [hbm4b:s7+s4], $0x80, v3, vm0, $0xb8;
	[tilespmem:$0x12100] =	vst v63  }
0x12d: {  	_ =	swait.ge [sflag:s31], $0x6000  }
0x12e: {  	[sflag:s31] =	ssyncset.done $0x0  }
0x12f: {  	s21 =	rddreg [dreg:$0x9];
	[sflag:s31] =	ssyncadd.s32 $0xFFFFA000  }
0x130: {  	[hbm4b:s21+s4] =	stream.linear.scatter [tilespmem:s11], [sflag:$0x3], $0x6000, $0x38;
	[tilespmem:$0x12100] =	vst v63  }
0x131: {  	_ =	swait.ge [sflag:s25], $0x6000  }
0x132: {  	s22 =	sld [smem:$0x7F2]  }
0x133: {  	[sflag:s25] =	ssyncset.done $0x0  }
0x134: {  	s13 =	simm.s32 $0x80;
	[sflag:s25] =	ssyncadd.s32 $0xFFFFA000  }
0x135: {  	[tilespmem:s13], [sflag:$0x3] =	stream.linear.gather [hbm4b:s22+s4], $0x20, $0x38;
	[tilespmem:$0x12100] =	vst v63  }
0x136: {  	_ =	swait.ge [sflag:s25], $0x20  }
0x137: {  	[sflag:s25] =	ssyncset.done $0x0  }
0x138: {  	[sflag:s25] =	ssyncadd.s32 $0xFFFFFFE0  }
0x139: {  	v3 =	vld [tilespmem:$0x80];
	_ =	sdelay $0x4  }
0x13a: {  	v10 =	vshrl.u32 v3, $0x3  }
0x13b: {  	v4 =	vmul.u32 $0x30, v10  }
0x13c: {  	v3 =	vand.u32 $0x7, v3  }
0x13d: {  	v3 =	vor.u32 v3, v4  }
0x13e: {  	v4 =	vperm.xlane v3, v0;
	_ =	sdelay $0x1  }
0x13f: {  	v4 =	vadd.s32 v1, v4;
	_ =	sdelay $0x3  }
0x140: {  	v3 =	vperm.xlane v3, v2  }
0x141: {  	[tilespmem:s11], [sflag:$0x2] =	stream.indirect_vreg.gather [hbm4b:s1+s4], $0x80, v4, vm0, $0xb8;
	[tilespmem:$0x12100] =	vst v63  }
0x142: {  	v3 =	vadd.s32 v1, v3  }
0x143: {  	[tilespmem:s0], [sflag:$0x2] =	stream.indirect_vreg.gather [hbm4b:s6+s4], $0x80, v4, vm0, $0xb8;
	[tilespmem:$0x12100] =	vst v63  }
0x144: {  	_ = 	snop  }
0x145: {  	[tilespmem:s3], [sflag:$0x2] =	stream.indirect_vreg.gather [hbm4b:s7+s4], $0x80, v4, vm0, $0xb8;
	[tilespmem:$0x12100] =	vst v63  }
0x146: {  	_ = 	snop  }
0x147: {  	[tilespmem:s5], [sflag:$0x2] =	stream.indirect_vreg.gather [hbm4b:s1+s4], $0x80, v3, vm0, $0xb8;
	[tilespmem:$0x12100] =	vst v63  }
0x148: {  	_ = 	snop  }
0x149: {  	[tilespmem:s8], [sflag:$0x2] =	stream.indirect_vreg.gather [hbm4b:s6+s4], $0x80, v3, vm0, $0xb8;
	[tilespmem:$0x12100] =	vst v63  }
0x14a: {  	_ = 	snop  }
0x14b: {  	[tilespmem:s9], [sflag:$0x2] =	stream.indirect_vreg.gather [hbm4b:s7+s4], $0x80, v3, vm0, $0xb8;
	[tilespmem:$0x12100] =	vst v63  }
0x14c: {  	v3 =	vld [tilespmem:$0x90];
	_ =	sdelay $0x4  }
0x14d: {  	v11 =	vshrl.u32 v3, $0x3  }
0x14e: {  	v4 =	vmul.u32 $0x30, v11  }
0x14f: {  	v3 =	vand.u32 $0x7, v3  }
0x150: {  	v3 =	vor.u32 v3, v4  }
0x151: {  	v4 =	vperm.xlane v3, v0;
	_ =	sdelay $0x1  }
0x152: {  	v4 =	vadd.s32 v1, v4;
	_ =	sdelay $0x3  }
0x153: {  	v3 =	vperm.xlane v3, v2  }
0x154: {  	[tilespmem:s10], [sflag:$0x2] =	stream.indirect_vreg.gather [hbm4b:s1+s4], $0x80, v4, vm0, $0xb8;
	[tilespmem:$0x12100] =	vst v63  }
0x155: {  	s18 =	simm.s32 $0x9900;
	v3 =	vadd.s32 v1, v3  }
0x156: {  	[tilespmem:s18], [sflag:$0x2] =	stream.indirect_vreg.gather [hbm4b:s6+s4], $0x80, v4, vm0, $0xb8;
	[tilespmem:$0x12100] =	vst v63  }
0x157: {  	s15 =	simm.s32 $0xA100  }
0x158: {  	[tilespmem:s15], [sflag:$0x2] =	stream.indirect_vreg.gather [hbm4b:s7+s4], $0x80, v4, vm0, $0xb8;
	[tilespmem:$0x12100] =	vst v63  }
0x159: {  	s17 =	simm.s32 $0xA900  }
0x15a: {  	[tilespmem:s17], [sflag:$0x2] =	stream.indirect_vreg.gather [hbm4b:s1+s4], $0x80, v3, vm0, $0xb8;
	[tilespmem:$0x12100] =	vst v63  }
0x15b: {  	s16 =	simm.s32 $0xB100  }
0x15c: {  	[tilespmem:s16], [sflag:$0x2] =	stream.indirect_vreg.gather [hbm4b:s6+s4], $0x80, v3, vm0, $0xb8;
	[tilespmem:$0x12100] =	vst v63  }
0x15d: {  	s24 =	simm.s32 $0xB900  }
0x15e: {  	[tilespmem:s24], [sflag:$0x2] =	stream.indirect_vreg.gather [hbm4b:s7+s4], $0x80, v3, vm0, $0xb8;
	[tilespmem:$0x12100] =	vst v63  }
0x15f: {  	_ =	swait.ge [sflag:s30], $0x6000  }
0x160: {  	[sflag:s30] =	ssyncset.done $0x0  }
0x161: {  	s24 =	rddreg [dreg:$0xa];
	[sflag:s30] =	ssyncadd.s32 $0xFFFFA000  }
0x162: {  	[hbm4b:s24+s4] =	stream.linear.scatter [tilespmem:s12], [sflag:$0x3], $0x6000, $0x38;
	[tilespmem:$0x12100] =	vst v63  }
0x163: {  	_ =	swait.ge [sflag:s25], $0x6000  }
0x164: {  	s17 =	sld [smem:$0x7F3]  }
0x165: {  	[sflag:s25] =	ssyncset.done $0x0  }
0x166: {  	[sflag:s25] =	ssyncadd.s32 $0xFFFFA000  }
0x167: {  	[tilespmem:s4], [sflag:$0x3] =	stream.linear.gather [hbm4b:s17+s4], $0x20, $0x38;
	[tilespmem:$0x12100] =	vst v63  }
0x168: {  	_ =	swait.ge [sflag:s25], $0x20  }
0x169: {  	[sflag:s25] =	ssyncset.done $0x0  }
0x16a: {  	[sflag:s25] =	ssyncadd.s32 $0xFFFFFFE0  }
0x16b: {  	v3 =	vld [tilespmem:$0x0];
	_ =	sdelay $0x4  }
0x16c: {  	v12 =	vshrl.u32 v3, $0x3  }
0x16d: {  	v4 =	vmul.u32 $0x30, v12  }
0x16e: {  	v3 =	vand.u32 $0x7, v3  }
0x16f: {  	v3 =	vor.u32 v3, v4  }
0x170: {  	v4 =	vperm.xlane v3, v0;
	_ =	sdelay $0x1  }
0x171: {  	v4 =	vadd.s32 v1, v4;
	_ =	sdelay $0x3  }
0x172: {  	v3 =	vperm.xlane v3, v2  }
0x173: {  	[tilespmem:s12], [sflag:$0x1] =	stream.indirect_vreg.gather [hbm4b:s1+s4], $0x80, v4, vm0, $0xb8;
	[tilespmem:$0x12100] =	vst v63  }
0x174: {  	s24 =	simm.s32 $0x900;
	v3 =	vadd.s32 v1, v3  }
0x175: {  	[tilespmem:s24], [sflag:$0x1] =	stream.indirect_vreg.gather [hbm4b:s6+s4], $0x80, v4, vm0, $0xb8;
	[tilespmem:$0x12100] =	vst v63  }
0x176: {  	s28 =	simm.s32 $0x1100  }
0x177: {  	[tilespmem:s28], [sflag:$0x1] =	stream.indirect_vreg.gather [hbm4b:s7+s4], $0x80, v4, vm0, $0xb8;
	[tilespmem:$0x12100] =	vst v63  }
0x178: {  	s24 =	simm.s32 $0x1900  }
0x179: {  	[tilespmem:s24], [sflag:$0x1] =	stream.indirect_vreg.gather [hbm4b:s1+s4], $0x80, v3, vm0, $0xb8;
	[tilespmem:$0x12100] =	vst v63  }
0x17a: {  	s20 =	simm.s32 $0x2100  }
0x17b: {  	[tilespmem:s20], [sflag:$0x1] =	stream.indirect_vreg.gather [hbm4b:s6+s4], $0x80, v3, vm0, $0xb8;
	[tilespmem:$0x12100] =	vst v63  }
0x17c: {  	s19 =	simm.s32 $0x2900  }
0x17d: {  	[tilespmem:s19], [sflag:$0x1] =	stream.indirect_vreg.gather [hbm4b:s7+s4], $0x80, v3, vm0, $0xb8;
	[tilespmem:$0x12100] =	vst v63  }
0x17e: {  	v3 =	vld [tilespmem:$0x10];
	_ =	sdelay $0x4  }
0x17f: {  	v13 =	vshrl.u32 v3, $0x3  }
0x180: {  	v4 =	vmul.u32 $0x30, v13  }
0x181: {  	v3 =	vand.u32 $0x7, v3  }
0x182: {  	v3 =	vor.u32 v3, v4  }
0x183: {  	v4 =	vperm.xlane v3, v0;
	_ =	sdelay $0x1  }
0x184: {  	v4 =	vadd.s32 v1, v4;
	_ =	sdelay $0x3  }
0x185: {  	s26 =	simm.s32 $0x3100;
	v3 =	vperm.xlane v3, v2  }
0x186: {  	[tilespmem:s26], [sflag:$0x1] =	stream.indirect_vreg.gather [hbm4b:s1+s4], $0x80, v4, vm0, $0xb8;
	[tilespmem:$0x12100] =	vst v63  }
0x187: {  	v3 =	vadd.s32 v1, v3;
	s26 =	simm.s32 $0x3900  }
0x188: {  	[tilespmem:s26], [sflag:$0x1] =	stream.indirect_vreg.gather [hbm4b:s6+s4], $0x80, v4, vm0, $0xb8;
	[tilespmem:$0x12100] =	vst v63  }
0x189: {  	s28 =	simm.s32 $0x4100  }
0x18a: {  	[tilespmem:s28], [sflag:$0x1] =	stream.indirect_vreg.gather [hbm4b:s7+s4], $0x80, v4, vm0, $0xb8;
	[tilespmem:$0x12100] =	vst v63  }
0x18b: {  	s28 =	simm.s32 $0x4900  }
0x18c: {  	[tilespmem:s28], [sflag:$0x1] =	stream.indirect_vreg.gather [hbm4b:s1+s4], $0x80, v3, vm0, $0xb8;
	[tilespmem:$0x12100] =	vst v63  }
0x18d: {  	s14 =	simm.s32 $0x5100  }
0x18e: {  	[tilespmem:s14], [sflag:$0x1] =	stream.indirect_vreg.gather [hbm4b:s6+s4], $0x80, v3, vm0, $0xb8;
	[tilespmem:$0x12100] =	vst v63  }
0x18f: {  	s29 =	simm.s32 $0x5900  }
0x190: {  	[tilespmem:s29], [sflag:$0x1] =	stream.indirect_vreg.gather [hbm4b:s7+s4], $0x80, v3, vm0, $0xb8;
	[tilespmem:$0x12100] =	vst v63  }
0x191: {  	_ =	swait.ge [sflag:s31], $0x6000  }
0x192: {  	[sflag:s31] =	ssyncset.done $0x0  }
0x193: {  	s26 =	rddreg [dreg:$0xb];
	[sflag:s31] =	ssyncadd.s32 $0xFFFFA000  }
0x194: {  	[hbm4b:s26+s4] =	stream.linear.scatter [tilespmem:s11], [sflag:$0x3], $0x6000, $0x38;
	[tilespmem:$0x12100] =	vst v63  }
0x195: {  	_ =	swait.ge [sflag:s25], $0x6000  }
0x196: {  	s29 =	sld [smem:$0x7F4]  }
0x197: {  	[sflag:s25] =	ssyncset.done $0x0  }
0x198: {  	s13 =	simm.s32 $0x80;
	[sflag:s25] =	ssyncadd.s32 $0xFFFFA000  }
0x199: {  	[tilespmem:s13], [sflag:$0x3] =	stream.linear.gather [hbm4b:s29+s4], $0x20, $0x38;
	[tilespmem:$0x12100] =	vst v63  }
0x19a: {  	_ =	swait.ge [sflag:s25], $0x20  }
0x19b: {  	[sflag:s25] =	ssyncset.done $0x0  }
0x19c: {  	[sflag:s25] =	ssyncadd.s32 $0xFFFFFFE0  }
0x19d: {  	v3 =	vld [tilespmem:$0x80];
	_ =	sdelay $0x4  }
0x19e: {  	v14 =	vshrl.u32 v3, $0x3  }
0x19f: {  	v4 =	vmul.u32 $0x30, v14  }
0x1a0: {  	v3 =	vand.u32 $0x7, v3  }
0x1a1: {  	v3 =	vor.u32 v3, v4  }
0x1a2: {  	v4 =	vperm.xlane v3, v0;
	_ =	sdelay $0x1  }
0x1a3: {  	v4 =	vadd.s32 v1, v4;
	_ =	sdelay $0x3  }
0x1a4: {  	v3 =	vperm.xlane v3, v2  }
0x1a5: {  	[tilespmem:s11], [sflag:$0x2] =	stream.indirect_vreg.gather [hbm4b:s1+s4], $0x80, v4, vm0, $0xb8;
	[tilespmem:$0x12100] =	vst v63  }
0x1a6: {  	s0 =	simm.s32 $0x6900;
	v3 =	vadd.s32 v1, v3  }
0x1a7: {  	[tilespmem:s0], [sflag:$0x2] =	stream.indirect_vreg.gather [hbm4b:s6+s4], $0x80, v4, vm0, $0xb8;
	[tilespmem:$0x12100] =	vst v63  }
0x1a8: {  	s22 =	simm.s32 $0x7100  }
0x1a9: {  	[tilespmem:s22], [sflag:$0x2] =	stream.indirect_vreg.gather [hbm4b:s7+s4], $0x80, v4, vm0, $0xb8;
	[tilespmem:$0x12100] =	vst v63  }
0x1aa: {  	s3 =	simm.s32 $0x7900  }
0x1ab: {  	[tilespmem:s3], [sflag:$0x2] =	stream.indirect_vreg.gather [hbm4b:s1+s4], $0x80, v3, vm0, $0xb8;
	[tilespmem:$0x12100] =	vst v63  }
0x1ac: {  	s5 =	simm.s32 $0x8100  }
0x1ad: {  	[tilespmem:s5], [sflag:$0x2] =	stream.indirect_vreg.gather [hbm4b:s6+s4], $0x80, v3, vm0, $0xb8;
	[tilespmem:$0x12100] =	vst v63  }
0x1ae: {  	s8 =	simm.s32 $0x8900  }
0x1af: {  	[tilespmem:s8], [sflag:$0x2] =	stream.indirect_vreg.gather [hbm4b:s7+s4], $0x80, v3, vm0, $0xb8;
	[tilespmem:$0x12100] =	vst v63  }
0x1b0: {  	v3 =	vld [tilespmem:$0x90];
	_ =	sdelay $0x4  }
0x1b1: {  	v15 =	vshrl.u32 v3, $0x3  }
0x1b2: {  	v4 =	vmul.u32 $0x30, v15  }
0x1b3: {  	v3 =	vand.u32 $0x7, v3  }
0x1b4: {  	v3 =	vor.u32 v3, v4  }
0x1b5: {  	v4 =	vperm.xlane v3, v0;
	_ =	sdelay $0x1  }
0x1b6: {  	v4 =	vadd.s32 v1, v4;
	_ =	sdelay $0x3  }
0x1b7: {  	s9 =	simm.s32 $0x9100;
	v3 =	vperm.xlane v3, v2  }
0x1b8: {  	[tilespmem:s9], [sflag:$0x2] =	stream.indirect_vreg.gather [hbm4b:s1+s4], $0x80, v4, vm0, $0xb8;
	[tilespmem:$0x12100] =	vst v63  }
0x1b9: {  	s21 =	simm.s32 $0x9900;
	v3 =	vadd.s32 v1, v3  }
0x1ba: {  	[tilespmem:s21], [sflag:$0x2] =	stream.indirect_vreg.gather [hbm4b:s6+s4], $0x80, v4, vm0, $0xb8;
	[tilespmem:$0x12100] =	vst v63  }
0x1bb: {  	s10 =	simm.s32 $0xA100  }
0x1bc: {  	[tilespmem:s10], [sflag:$0x2] =	stream.indirect_vreg.gather [hbm4b:s7+s4], $0x80, v4, vm0, $0xb8;
	[tilespmem:$0x12100] =	vst v63  }
0x1bd: {  	s15 =	simm.s32 $0xA900  }
0x1be: {  	[tilespmem:s15], [sflag:$0x2] =	stream.indirect_vreg.gather [hbm4b:s1+s4], $0x80, v3, vm0, $0xb8;
	[tilespmem:$0x12100] =	vst v63  }
0x1bf: {  	s18 =	simm.s32 $0xB100  }
0x1c0: {  	[tilespmem:s18], [sflag:$0x2] =	stream.indirect_vreg.gather [hbm4b:s6+s4], $0x80, v3, vm0, $0xb8;
	[tilespmem:$0x12100] =	vst v63  }
0x1c1: {  	s16 =	simm.s32 $0xB900  }
0x1c2: {  	[tilespmem:s16], [sflag:$0x2] =	stream.indirect_vreg.gather [hbm4b:s7+s4], $0x80, v3, vm0, $0xb8;
	[tilespmem:$0x12100] =	vst v63  }
0x1c3: {  	_ =	swait.ge [sflag:s30], $0x6000  }
0x1c4: {  	[sflag:s30] =	ssyncset.done $0x0  }
0x1c5: {  	s16 =	rddreg [dreg:$0xc];
	[sflag:s30] =	ssyncadd.s32 $0xFFFFA000  }
0x1c6: {  	[hbm4b:s16+s4] =	stream.linear.scatter [tilespmem:s12], [sflag:$0x3], $0x6000, $0x38;
	[tilespmem:$0x12100] =	vst v63  }
0x1c7: {  	_ =	swait.ge [sflag:s25], $0x6000  }
0x1c8: {  	s18 =	sld [smem:$0x7F5]  }
0x1c9: {  	[sflag:s25] =	ssyncset.done $0x0  }
0x1ca: {  	[sflag:s25] =	ssyncadd.s32 $0xFFFFA000  }
0x1cb: {  	[tilespmem:s4], [sflag:$0x3] =	stream.linear.gather [hbm4b:s18+s4], $0x20, $0x38;
	[tilespmem:$0x12100] =	vst v63  }
0x1cc: {  	_ =	swait.ge [sflag:s25], $0x20  }
0x1cd: {  	[sflag:s25] =	ssyncset.done $0x0  }
0x1ce: {  	[sflag:s25] =	ssyncadd.s32 $0xFFFFFFE0  }
0x1cf: {  	v3 =	vld [tilespmem:$0x0];
	_ =	sdelay $0x4  }
0x1d0: {  	v16 =	vshrl.u32 v3, $0x3  }
0x1d1: {  	v4 =	vmul.u32 $0x30, v16  }
0x1d2: {  	v3 =	vand.u32 $0x7, v3  }
0x1d3: {  	v3 =	vor.u32 v3, v4  }
0x1d4: {  	v4 =	vperm.xlane v3, v0;
	_ =	sdelay $0x1  }
0x1d5: {  	v4 =	vadd.s32 v1, v4;
	_ =	sdelay $0x3  }
0x1d6: {  	v3 =	vperm.xlane v3, v2  }
0x1d7: {  	[tilespmem:s12], [sflag:$0x1] =	stream.indirect_vreg.gather [hbm4b:s1+s4], $0x80, v4, vm0, $0xb8;
	[tilespmem:$0x12100] =	vst v63  }
0x1d8: {  	s28 =	simm.s32 $0x900;
	v3 =	vadd.s32 v1, v3  }
0x1d9: {  	[tilespmem:s28], [sflag:$0x1] =	stream.indirect_vreg.gather [hbm4b:s6+s4], $0x80, v4, vm0, $0xb8;
	[tilespmem:$0x12100] =	vst v63  }
0x1da: {  	s16 =	simm.s32 $0x1100  }
0x1db: {  	[tilespmem:s16], [sflag:$0x1] =	stream.indirect_vreg.gather [hbm4b:s7+s4], $0x80, v4, vm0, $0xb8;
	[tilespmem:$0x12100] =	vst v63  }
0x1dc: {  	s18 =	simm.s32 $0x1900  }
0x1dd: {  	[tilespmem:s18], [sflag:$0x1] =	stream.indirect_vreg.gather [hbm4b:s1+s4], $0x80, v3, vm0, $0xb8;
	[tilespmem:$0x12100] =	vst v63  }
0x1de: {  	s20 =	simm.s32 $0x2100  }
0x1df: {  	[tilespmem:s20], [sflag:$0x1] =	stream.indirect_vreg.gather [hbm4b:s6+s4], $0x80, v3, vm0, $0xb8;
	[tilespmem:$0x12100] =	vst v63  }
0x1e0: {  	s24 =	simm.s32 $0x2900  }
0x1e1: {  	[tilespmem:s24], [sflag:$0x1] =	stream.indirect_vreg.gather [hbm4b:s7+s4], $0x80, v3, vm0, $0xb8;
	[tilespmem:$0x12100] =	vst v63  }
0x1e2: {  	v3 =	vld [tilespmem:$0x10];
	_ =	sdelay $0x4  }
0x1e3: {  	v17 =	vshrl.u32 v3, $0x3  }
0x1e4: {  	v4 =	vmul.u32 $0x30, v17  }
0x1e5: {  	v3 =	vand.u32 $0x7, v3  }
0x1e6: {  	v3 =	vor.u32 v3, v4  }
0x1e7: {  	v4 =	vperm.xlane v3, v0;
	_ =	sdelay $0x1  }
0x1e8: {  	v4 =	vadd.s32 v1, v4;
	_ =	sdelay $0x3  }
0x1e9: {  	s19 =	simm.s32 $0x3100;
	v3 =	vperm.xlane v3, v2  }
0x1ea: {  	[tilespmem:s19], [sflag:$0x1] =	stream.indirect_vreg.gather [hbm4b:s1+s4], $0x80, v4, vm0, $0xb8;
	[tilespmem:$0x12100] =	vst v63  }
0x1eb: {  	s17 =	simm.s32 $0x3900;
	v3 =	vadd.s32 v1, v3  }
0x1ec: {  	[tilespmem:s17], [sflag:$0x1] =	stream.indirect_vreg.gather [hbm4b:s6+s4], $0x80, v4, vm0, $0xb8;
	[tilespmem:$0x12100] =	vst v63  }
0x1ed: {  	s24 =	simm.s32 $0x4100  }
0x1ee: {  	[tilespmem:s24], [sflag:$0x1] =	stream.indirect_vreg.gather [hbm4b:s7+s4], $0x80, v4, vm0, $0xb8;
	[tilespmem:$0x12100] =	vst v63  }
0x1ef: {  	s28 =	simm.s32 $0x4900  }
0x1f0: {  	[tilespmem:s28], [sflag:$0x1] =	stream.indirect_vreg.gather [hbm4b:s1+s4], $0x80, v3, vm0, $0xb8;
	[tilespmem:$0x12100] =	vst v63  }
0x1f1: {  	s14 =	simm.s32 $0x5100  }
0x1f2: {  	[tilespmem:s14], [sflag:$0x1] =	stream.indirect_vreg.gather [hbm4b:s6+s4], $0x80, v3, vm0, $0xb8;
	[tilespmem:$0x12100] =	vst v63  }
0x1f3: {  	s20 =	simm.s32 $0x5900  }
0x1f4: {  	[tilespmem:s20], [sflag:$0x1] =	stream.indirect_vreg.gather [hbm4b:s7+s4], $0x80, v3, vm0, $0xb8;
	[tilespmem:$0x12100] =	vst v63  }
0x1f5: {  	_ =	swait.ge [sflag:s31], $0x6000  }
0x1f6: {  	s24 =	rddreg [dreg:$0xd];
	[sflag:s31] =	ssyncset.done $0x0  }
0x1f7: {  	[sflag:s31] =	ssyncadd.s32 $0xFFFFA000  }
0x1f8: {  	[hbm4b:s24+s4] =	stream.linear.scatter [tilespmem:s11], [sflag:$0x3], $0x6000, $0x38;
	[tilespmem:$0x12100] =	vst v63  }
0x1f9: {  	_ =	swait.ge [sflag:s25], $0x6000  }
0x1fa: {  	s20 =	sld [smem:$0x7F6]  }
0x1fb: {  	[sflag:s25] =	ssyncset.done $0x0  }
0x1fc: {  	s24 =	simm.s32 $0x80;
	[sflag:s25] =	ssyncadd.s32 $0xFFFFA000  }
0x1fd: {  	[tilespmem:s24], [sflag:$0x3] =	stream.linear.gather [hbm4b:s20+s4], $0x20, $0x38;
	[tilespmem:$0x12100] =	vst v63  }
0x1fe: {  	_ =	swait.ge [sflag:s25], $0x20  }
0x1ff: {  	[sflag:s25] =	ssyncset.done $0x0  }
0x200: {  	[sflag:s25] =	ssyncadd.s32 $0xFFFFFFE0  }
0x201: {  	v3 =	vld [tilespmem:$0x80];
	_ =	sdelay $0x4  }
0x202: {  	v18 =	vshrl.u32 v3, $0x3  }
0x203: {  	v4 =	vmul.u32 $0x30, v18  }
0x204: {  	v3 =	vand.u32 $0x7, v3  }
0x205: {  	v3 =	vor.u32 v3, v4  }
0x206: {  	v4 =	vperm.xlane v3, v0;
	_ =	sdelay $0x1  }
0x207: {  	v4 =	vadd.s32 v1, v4;
	_ =	sdelay $0x3  }
0x208: {  	v3 =	vperm.xlane v3, v2  }
0x209: {  	[tilespmem:s11], [sflag:$0x2] =	stream.indirect_vreg.gather [hbm4b:s1+s4], $0x80, v4, vm0, $0xb8;
	[tilespmem:$0x12100] =	vst v63  }
0x20a: {  	s0 =	simm.s32 $0x6900;
	v3 =	vadd.s32 v1, v3  }
0x20b: {  	[tilespmem:s0], [sflag:$0x2] =	stream.indirect_vreg.gather [hbm4b:s6+s4], $0x80, v4, vm0, $0xb8;
	[tilespmem:$0x12100] =	vst v63  }
0x20c: {  	s26 =	simm.s32 $0x7100  }
0x20d: {  	[tilespmem:s26], [sflag:$0x2] =	stream.indirect_vreg.gather [hbm4b:s7+s4], $0x80, v4, vm0, $0xb8;
	[tilespmem:$0x12100] =	vst v63  }
0x20e: {  	s29 =	simm.s32 $0x7900  }
0x20f: {  	[tilespmem:s29], [sflag:$0x2] =	stream.indirect_vreg.gather [hbm4b:s1+s4], $0x80, v3, vm0, $0xb8;
	[tilespmem:$0x12100] =	vst v63  }
0x210: {  	s3 =	simm.s32 $0x8100  }
0x211: {  	[tilespmem:s3], [sflag:$0x2] =	stream.indirect_vreg.gather [hbm4b:s6+s4], $0x80, v3, vm0, $0xb8;
	[tilespmem:$0x12100] =	vst v63  }
0x212: {  	s5 =	simm.s32 $0x8900  }
0x213: {  	[tilespmem:s5], [sflag:$0x2] =	stream.indirect_vreg.gather [hbm4b:s7+s4], $0x80, v3, vm0, $0xb8;
	[tilespmem:$0x12100] =	vst v63  }
0x214: {  	v3 =	vld [tilespmem:$0x90];
	_ =	sdelay $0x4  }
0x215: {  	v19 =	vshrl.u32 v3, $0x3  }
0x216: {  	v4 =	vmul.u32 $0x30, v19  }
0x217: {  	v3 =	vand.u32 $0x7, v3  }
0x218: {  	v3 =	vor.u32 v3, v4  }
0x219: {  	v4 =	vperm.xlane v3, v0;
	_ =	sdelay $0x1  }
0x21a: {  	v4 =	vadd.s32 v1, v4;
	_ =	sdelay $0x3  }
0x21b: {  	s8 =	simm.s32 $0x9100;
	v3 =	vperm.xlane v3, v2  }
0x21c: {  	[tilespmem:s8], [sflag:$0x2] =	stream.indirect_vreg.gather [hbm4b:s1+s4], $0x80, v4, vm0, $0xb8;
	[tilespmem:$0x12100] =	vst v63  }
0x21d: {  	s22 =	simm.s32 $0x9900;
	v3 =	vadd.s32 v1, v3  }
0x21e: {  	[tilespmem:s22], [sflag:$0x2] =	stream.indirect_vreg.gather [hbm4b:s6+s4], $0x80, v4, vm0, $0xb8;
	[tilespmem:$0x12100] =	vst v63  }
0x21f: {  	s9 =	simm.s32 $0xA100  }
0x220: {  	[tilespmem:s9], [sflag:$0x2] =	stream.indirect_vreg.gather [hbm4b:s7+s4], $0x80, v4, vm0, $0xb8;
	[tilespmem:$0x12100] =	vst v63  }
0x221: {  	s10 =	simm.s32 $0xA900  }
0x222: {  	[tilespmem:s10], [sflag:$0x2] =	stream.indirect_vreg.gather [hbm4b:s1+s4], $0x80, v3, vm0, $0xb8;
	[tilespmem:$0x12100] =	vst v63  }
0x223: {  	s21 =	simm.s32 $0xB100  }
0x224: {  	[tilespmem:s21], [sflag:$0x2] =	stream.indirect_vreg.gather [hbm4b:s6+s4], $0x80, v3, vm0, $0xb8;
	[tilespmem:$0x12100] =	vst v63  }
0x225: {  	s13 =	simm.s32 $0xB900  }
0x226: {  	[tilespmem:s13], [sflag:$0x2] =	stream.indirect_vreg.gather [hbm4b:s7+s4], $0x80, v3, vm0, $0xb8;
	[tilespmem:$0x12100] =	vst v63  }
0x227: {  	_ =	swait.ge [sflag:s30], $0x6000  }
0x228: {  	[sflag:s30] =	ssyncset.done $0x0  }
0x229: {  	s22 =	rddreg [dreg:$0xe];
	[sflag:s30] =	ssyncadd.s32 $0xFFFFA000  }
0x22a: {  	[hbm4b:s22+s4] =	stream.linear.scatter [tilespmem:s12], [sflag:$0x3], $0x6000, $0x38;
	[tilespmem:$0x12100] =	vst v63  }
0x22b: {  	_ =	swait.ge [sflag:s25], $0x6000  }
0x22c: {  	s13 =	sld [smem:$0x7F7]  }
0x22d: {  	[sflag:s25] =	ssyncset.done $0x0  }
0x22e: {  	[sflag:s25] =	ssyncadd.s32 $0xFFFFA000  }
0x22f: {  	[tilespmem:s4], [sflag:$0x3] =	stream.linear.gather [hbm4b:s13+s4], $0x20, $0x38;
	[tilespmem:$0x12100] =	vst v63  }
0x230: {  	_ =	swait.ge [sflag:s25], $0x20  }
0x231: {  	[sflag:s25] =	ssyncset.done $0x0  }
0x232: {  	[sflag:s25] =	ssyncadd.s32 $0xFFFFFFE0  }
0x233: {  	v3 =	vld [tilespmem:$0x0];
	_ =	sdelay $0x4  }
0x234: {  	v20 =	vshrl.u32 v3, $0x3  }
0x235: {  	v4 =	vmul.u32 $0x30, v20  }
0x236: {  	v3 =	vand.u32 $0x7, v3  }
0x237: {  	v3 =	vor.u32 v3, v4  }
0x238: {  	v4 =	vperm.xlane v3, v0;
	_ =	sdelay $0x1  }
0x239: {  	v4 =	vadd.s32 v1, v4;
	_ =	sdelay $0x3  }
0x23a: {  	v3 =	vperm.xlane v3, v2  }
0x23b: {  	[tilespmem:s12], [sflag:$0x1] =	stream.indirect_vreg.gather [hbm4b:s1+s4], $0x80, v4, vm0, $0xb8;
	[tilespmem:$0x12100] =	vst v63  }
0x23c: {  	s21 =	simm.s32 $0x900;
	v3 =	vadd.s32 v1, v3  }
0x23d: {  	[tilespmem:s21], [sflag:$0x1] =	stream.indirect_vreg.gather [hbm4b:s6+s4], $0x80, v4, vm0, $0xb8;
	[tilespmem:$0x12100] =	vst v63  }
0x23e: {  	s22 =	simm.s32 $0x1100  }
0x23f: {  	[tilespmem:s22], [sflag:$0x1] =	stream.indirect_vreg.gather [hbm4b:s7+s4], $0x80, v4, vm0, $0xb8;
	[tilespmem:$0x12100] =	vst v63  }
0x240: {  	s28 =	simm.s32 $0x1900  }
0x241: {  	[tilespmem:s28], [sflag:$0x1] =	stream.indirect_vreg.gather [hbm4b:s1+s4], $0x80, v3, vm0, $0xb8;
	[tilespmem:$0x12100] =	vst v63  }
0x242: {  	s16 =	simm.s32 $0x2100  }
0x243: {  	[tilespmem:s16], [sflag:$0x1] =	stream.indirect_vreg.gather [hbm4b:s6+s4], $0x80, v3, vm0, $0xb8;
	[tilespmem:$0x12100] =	vst v63  }
0x244: {  	s15 =	simm.s32 $0x2900  }
0x245: {  	[tilespmem:s15], [sflag:$0x1] =	stream.indirect_vreg.gather [hbm4b:s7+s4], $0x80, v3, vm0, $0xb8;
	[tilespmem:$0x12100] =	vst v63  }
0x246: {  	v3 =	vld [tilespmem:$0x10];
	_ =	sdelay $0x4  }
0x247: {  	v21 =	vshrl.u32 v3, $0x3  }
0x248: {  	v4 =	vmul.u32 $0x30, v21  }
0x249: {  	v3 =	vand.u32 $0x7, v3  }
0x24a: {  	v3 =	vor.u32 v3, v4  }
0x24b: {  	v4 =	vperm.xlane v3, v0;
	_ =	sdelay $0x1  }
0x24c: {  	v4 =	vadd.s32 v1, v4;
	_ =	sdelay $0x3  }
0x24d: {  	s19 =	simm.s32 $0x3100;
	v3 =	vperm.xlane v3, v2  }
0x24e: {  	[tilespmem:s19], [sflag:$0x1] =	stream.indirect_vreg.gather [hbm4b:s1+s4], $0x80, v4, vm0, $0xb8;
	[tilespmem:$0x12100] =	vst v63  }
0x24f: {  	s17 =	simm.s32 $0x3900;
	v3 =	vadd.s32 v1, v3  }
0x250: {  	[tilespmem:s17], [sflag:$0x1] =	stream.indirect_vreg.gather [hbm4b:s6+s4], $0x80, v4, vm0, $0xb8;
	[tilespmem:$0x12100] =	vst v63  }
0x251: {  	s15 =	simm.s32 $0x4100  }
0x252: {  	[tilespmem:s15], [sflag:$0x1] =	stream.indirect_vreg.gather [hbm4b:s7+s4], $0x80, v4, vm0, $0xb8;
	[tilespmem:$0x12100] =	vst v63  }
0x253: {  	s17 =	simm.s32 $0x4900  }
0x254: {  	[tilespmem:s17], [sflag:$0x1] =	stream.indirect_vreg.gather [hbm4b:s1+s4], $0x80, v3, vm0, $0xb8;
	[tilespmem:$0x12100] =	vst v63  }
0x255: {  	s18 =	simm.s32 $0x5100  }
0x256: {  	[tilespmem:s18], [sflag:$0x1] =	stream.indirect_vreg.gather [hbm4b:s6+s4], $0x80, v3, vm0, $0xb8;
	[tilespmem:$0x12100] =	vst v63  }
0x257: {  	s14 =	simm.s32 $0x5900  }
0x258: {  	[tilespmem:s14], [sflag:$0x1] =	stream.indirect_vreg.gather [hbm4b:s7+s4], $0x80, v3, vm0, $0xb8;
	[tilespmem:$0x12100] =	vst v63  }
0x259: {  	_ =	swait.ge [sflag:s31], $0x6000  }
0x25a: {  	[sflag:s31] =	ssyncset.done $0x0  }
0x25b: {  	s19 =	rddreg [dreg:$0xf];
	[sflag:s31] =	ssyncadd.s32 $0xFFFFA000  }
0x25c: {  	[hbm4b:s19+s4] =	stream.linear.scatter [tilespmem:s11], [sflag:$0x3], $0x6000, $0x38;
	[tilespmem:$0x12100] =	vst v63  }
0x25d: {  	_ =	swait.ge [sflag:s25], $0x6000  }
0x25e: {  	s13 =	sld [smem:$0x7F8]  }
0x25f: {  	[sflag:s25] =	ssyncset.done $0x0  }
0x260: {  	s17 =	simm.s32 $0x80;
	[sflag:s25] =	ssyncadd.s32 $0xFFFFA000  }
0x261: {  	[tilespmem:s17], [sflag:$0x3] =	stream.linear.gather [hbm4b:s13+s4], $0x20, $0x38;
	[tilespmem:$0x12100] =	vst v63  }
0x262: {  	_ =	swait.ge [sflag:s25], $0x20  }
0x263: {  	[sflag:s25] =	ssyncset.done $0x0  }
0x264: {  	[sflag:s25] =	ssyncadd.s32 $0xFFFFFFE0  }
0x265: {  	v3 =	vld [tilespmem:$0x80];
	_ =	sdelay $0x4  }
0x266: {  	v22 =	vshrl.u32 v3, $0x3  }
0x267: {  	v4 =	vmul.u32 $0x30, v22  }
0x268: {  	v3 =	vand.u32 $0x7, v3  }
0x269: {  	v3 =	vor.u32 v3, v4  }
0x26a: {  	v4 =	vperm.xlane v3, v0;
	_ =	sdelay $0x1  }
0x26b: {  	v4 =	vadd.s32 v1, v4;
	_ =	sdelay $0x3  }
0x26c: {  	v3 =	vperm.xlane v3, v2  }
0x26d: {  	[tilespmem:s11], [sflag:$0x2] =	stream.indirect_vreg.gather [hbm4b:s1+s4], $0x80, v4, vm0, $0xb8;
	[tilespmem:$0x12100] =	vst v63  }
0x26e: {  	s0 =	simm.s32 $0x6900;
	v3 =	vadd.s32 v1, v3  }
0x26f: {  	[tilespmem:s0], [sflag:$0x2] =	stream.indirect_vreg.gather [hbm4b:s6+s4], $0x80, v4, vm0, $0xb8;
	[tilespmem:$0x12100] =	vst v63  }
0x270: {  	s24 =	simm.s32 $0x7100  }
0x271: {  	[tilespmem:s24], [sflag:$0x2] =	stream.indirect_vreg.gather [hbm4b:s7+s4], $0x80, v4, vm0, $0xb8;
	[tilespmem:$0x12100] =	vst v63  }
0x272: {  	s18 =	simm.s32 $0x7900  }
0x273: {  	[tilespmem:s18], [sflag:$0x2] =	stream.indirect_vreg.gather [hbm4b:s1+s4], $0x80, v3, vm0, $0xb8;
	[tilespmem:$0x12100] =	vst v63  }
0x274: {  	s29 =	simm.s32 $0x8100  }
0x275: {  	[tilespmem:s29], [sflag:$0x2] =	stream.indirect_vreg.gather [hbm4b:s6+s4], $0x80, v3, vm0, $0xb8;
	[tilespmem:$0x12100] =	vst v63  }
0x276: {  	s3 =	simm.s32 $0x8900  }
0x277: {  	[tilespmem:s3], [sflag:$0x2] =	stream.indirect_vreg.gather [hbm4b:s7+s4], $0x80, v3, vm0, $0xb8;
	[tilespmem:$0x12100] =	vst v63  }
0x278: {  	v3 =	vld [tilespmem:$0x90];
	_ =	sdelay $0x4  }
0x279: {  	v23 =	vshrl.u32 v3, $0x3  }
0x27a: {  	v4 =	vmul.u32 $0x30, v23  }
0x27b: {  	v3 =	vand.u32 $0x7, v3  }
0x27c: {  	v3 =	vor.u32 v3, v4  }
0x27d: {  	v4 =	vperm.xlane v3, v0;
	_ =	sdelay $0x1  }
0x27e: {  	v4 =	vadd.s32 v1, v4;
	_ =	sdelay $0x3  }
0x27f: {  	s5 =	simm.s32 $0x9100;
	v3 =	vperm.xlane v3, v2  }
0x280: {  	[tilespmem:s5], [sflag:$0x2] =	stream.indirect_vreg.gather [hbm4b:s1+s4], $0x80, v4, vm0, $0xb8;
	[tilespmem:$0x12100] =	vst v63  }
0x281: {  	s26 =	simm.s32 $0x9900;
	v3 =	vadd.s32 v1, v3  }
0x282: {  	[tilespmem:s26], [sflag:$0x2] =	stream.indirect_vreg.gather [hbm4b:s6+s4], $0x80, v4, vm0, $0xb8;
	[tilespmem:$0x12100] =	vst v63  }
0x283: {  	s8 =	simm.s32 $0xA100  }
0x284: {  	[tilespmem:s8], [sflag:$0x2] =	stream.indirect_vreg.gather [hbm4b:s7+s4], $0x80, v4, vm0, $0xb8;
	[tilespmem:$0x12100] =	vst v63  }
0x285: {  	s9 =	simm.s32 $0xA900  }
0x286: {  	[tilespmem:s9], [sflag:$0x2] =	stream.indirect_vreg.gather [hbm4b:s1+s4], $0x80, v3, vm0, $0xb8;
	[tilespmem:$0x12100] =	vst v63  }
0x287: {  	s20 =	simm.s32 $0xB100  }
0x288: {  	[tilespmem:s20], [sflag:$0x2] =	stream.indirect_vreg.gather [hbm4b:s6+s4], $0x80, v3, vm0, $0xb8;
	[tilespmem:$0x12100] =	vst v63  }
0x289: {  	s10 =	simm.s32 $0xB900  }
0x28a: {  	[tilespmem:s10], [sflag:$0x2] =	stream.indirect_vreg.gather [hbm4b:s7+s4], $0x80, v3, vm0, $0xb8;
	[tilespmem:$0x12100] =	vst v63  }
0x28b: {  	_ =	swait.ge [sflag:s30], $0x6000  }
0x28c: {  	[sflag:s30] =	ssyncset.done $0x0  }
0x28d: {  	s20 =	rddreg [dreg:$0x10];
	[sflag:s30] =	ssyncadd.s32 $0xFFFFA000  }
0x28e: {  	[hbm4b:s20+s4] =	stream.linear.scatter [tilespmem:s12], [sflag:$0x3], $0x6000, $0x38;
	[tilespmem:$0x12100] =	vst v63  }
0x28f: {  	_ =	swait.ge [sflag:s25], $0x6000  }
0x290: {  	s24 =	sld [smem:$0x7F9]  }
0x291: {  	[sflag:s25] =	ssyncset.done $0x0  }
0x292: {  	[sflag:s25] =	ssyncadd.s32 $0xFFFFA000  }
0x293: {  	[tilespmem:s4], [sflag:$0x3] =	stream.linear.gather [hbm4b:s24+s4], $0x20, $0x38;
	[tilespmem:$0x12100] =	vst v63  }
0x294: {  	_ =	swait.ge [sflag:s25], $0x20  }
0x295: {  	[sflag:s25] =	ssyncset.done $0x0  }
0x296: {  	[sflag:s25] =	ssyncadd.s32 $0xFFFFFFE0  }
0x297: {  	v3 =	vld [tilespmem:$0x0];
	_ =	sdelay $0x4  }
0x298: {  	v24 =	vshrl.u32 v3, $0x3  }
0x299: {  	v4 =	vmul.u32 $0x30, v24  }
0x29a: {  	v3 =	vand.u32 $0x7, v3  }
0x29b: {  	v3 =	vor.u32 v3, v4  }
0x29c: {  	v4 =	vperm.xlane v3, v0;
	_ =	sdelay $0x1  }
0x29d: {  	v4 =	vadd.s32 v1, v4;
	_ =	sdelay $0x3  }
0x29e: {  	v3 =	vperm.xlane v3, v2  }
0x29f: {  	[tilespmem:s12], [sflag:$0x1] =	stream.indirect_vreg.gather [hbm4b:s1+s4], $0x80, v4, vm0, $0xb8;
	[tilespmem:$0x12100] =	vst v63  }
0x2a0: {  	s26 =	simm.s32 $0x900;
	v3 =	vadd.s32 v1, v3  }
0x2a1: {  	[tilespmem:s26], [sflag:$0x1] =	stream.indirect_vreg.gather [hbm4b:s6+s4], $0x80, v4, vm0, $0xb8;
	[tilespmem:$0x12100] =	vst v63  }
0x2a2: {  	s28 =	simm.s32 $0x1100  }
0x2a3: {  	[tilespmem:s28], [sflag:$0x1] =	stream.indirect_vreg.gather [hbm4b:s7+s4], $0x80, v4, vm0, $0xb8;
	[tilespmem:$0x12100] =	vst v63  }
0x2a4: {  	s10 =	simm.s32 $0x1900  }
0x2a5: {  	[tilespmem:s10], [sflag:$0x1] =	stream.indirect_vreg.gather [hbm4b:s1+s4], $0x80, v3, vm0, $0xb8;
	[tilespmem:$0x12100] =	vst v63  }
0x2a6: {  	s18 =	simm.s32 $0x2100  }
0x2a7: {  	[tilespmem:s18], [sflag:$0x1] =	stream.indirect_vreg.gather [hbm4b:s6+s4], $0x80, v3, vm0, $0xb8;
	[tilespmem:$0x12100] =	vst v63  }
0x2a8: {  	s16 =	simm.s32 $0x2900  }
0x2a9: {  	[tilespmem:s16], [sflag:$0x1] =	stream.indirect_vreg.gather [hbm4b:s7+s4], $0x80, v3, vm0, $0xb8;
	[tilespmem:$0x12100] =	vst v63  }
0x2aa: {  	v3 =	vld [tilespmem:$0x10];
	_ =	sdelay $0x4  }
0x2ab: {  	v25 =	vshrl.u32 v3, $0x3  }
0x2ac: {  	v4 =	vmul.u32 $0x30, v25  }
0x2ad: {  	v3 =	vand.u32 $0x7, v3  }
0x2ae: {  	v3 =	vor.u32 v3, v4  }
0x2af: {  	v4 =	vperm.xlane v3, v0;
	_ =	sdelay $0x1  }
0x2b0: {  	v4 =	vadd.s32 v1, v4;
	_ =	sdelay $0x3  }
0x2b1: {  	s20 =	simm.s32 $0x3100;
	v3 =	vperm.xlane v3, v2  }
0x2b2: {  	[tilespmem:s20], [sflag:$0x1] =	stream.indirect_vreg.gather [hbm4b:s1+s4], $0x80, v4, vm0, $0xb8;
	[tilespmem:$0x12100] =	vst v63  }
0x2b3: {  	s21 =	simm.s32 $0x3900;
	v3 =	vadd.s32 v1, v3  }
0x2b4: {  	[tilespmem:s21], [sflag:$0x1] =	stream.indirect_vreg.gather [hbm4b:s6+s4], $0x80, v4, vm0, $0xb8;
	[tilespmem:$0x12100] =	vst v63  }
0x2b5: {  	s15 =	simm.s32 $0x4100  }
0x2b6: {  	[tilespmem:s15], [sflag:$0x1] =	stream.indirect_vreg.gather [hbm4b:s7+s4], $0x80, v4, vm0, $0xb8;
	[tilespmem:$0x12100] =	vst v63  }
0x2b7: {  	s21 =	simm.s32 $0x4900  }
0x2b8: {  	[tilespmem:s21], [sflag:$0x1] =	stream.indirect_vreg.gather [hbm4b:s1+s4], $0x80, v3, vm0, $0xb8;
	[tilespmem:$0x12100] =	vst v63  }
0x2b9: {  	s22 =	simm.s32 $0x5100  }
0x2ba: {  	[tilespmem:s22], [sflag:$0x1] =	stream.indirect_vreg.gather [hbm4b:s6+s4], $0x80, v3, vm0, $0xb8;
	[tilespmem:$0x12100] =	vst v63  }
0x2bb: {  	s14 =	simm.s32 $0x5900  }
0x2bc: {  	[tilespmem:s14], [sflag:$0x1] =	stream.indirect_vreg.gather [hbm4b:s7+s4], $0x80, v3, vm0, $0xb8;
	[tilespmem:$0x12100] =	vst v63  }
0x2bd: {  	_ =	swait.ge [sflag:s31], $0x6000  }
0x2be: {  	[sflag:s31] =	ssyncset.done $0x0  }
0x2bf: {  	s22 =	rddreg [dreg:$0x11];
	[sflag:s31] =	ssyncadd.s32 $0xFFFFA000  }
0x2c0: {  	[hbm4b:s22+s4] =	stream.linear.scatter [tilespmem:s11], [sflag:$0x3], $0x6000, $0x38;
	[tilespmem:$0x12100] =	vst v63  }
0x2c1: {  	_ =	swait.ge [sflag:s25], $0x6000  }
0x2c2: {  	s10 =	sld [smem:$0x7FA]  }
0x2c3: {  	[sflag:s25] =	ssyncset.done $0x0  }
0x2c4: {  	s14 =	simm.s32 $0x80;
	[sflag:s25] =	ssyncadd.s32 $0xFFFFA000  }
0x2c5: {  	[tilespmem:s14], [sflag:$0x3] =	stream.linear.gather [hbm4b:s10+s4], $0x20, $0x38;
	[tilespmem:$0x12100] =	vst v63  }
0x2c6: {  	_ =	swait.ge [sflag:s25], $0x20  }
0x2c7: {  	[sflag:s25] =	ssyncset.done $0x0  }
0x2c8: {  	[sflag:s25] =	ssyncadd.s32 $0xFFFFFFE0  }
0x2c9: {  	v3 =	vld [tilespmem:$0x80];
	_ =	sdelay $0x4  }
0x2ca: {  	v26 =	vshrl.u32 v3, $0x3  }
0x2cb: {  	v4 =	vmul.u32 $0x30, v26  }
0x2cc: {  	v3 =	vand.u32 $0x7, v3  }
0x2cd: {  	v3 =	vor.u32 v3, v4  }
0x2ce: {  	v4 =	vperm.xlane v3, v0;
	_ =	sdelay $0x1  }
0x2cf: {  	v4 =	vadd.s32 v1, v4;
	_ =	sdelay $0x3  }
0x2d0: {  	v3 =	vperm.xlane v3, v2  }
0x2d1: {  	[tilespmem:s11], [sflag:$0x2] =	stream.indirect_vreg.gather [hbm4b:s1+s4], $0x80, v4, vm0, $0xb8;
	[tilespmem:$0x12100] =	vst v63  }
0x2d2: {  	s0 =	simm.s32 $0x6900;
	v3 =	vadd.s32 v1, v3  }
0x2d3: {  	[tilespmem:s0], [sflag:$0x2] =	stream.indirect_vreg.gather [hbm4b:s6+s4], $0x80, v4, vm0, $0xb8;
	[tilespmem:$0x12100] =	vst v63  }
0x2d4: {  	s19 =	simm.s32 $0x7100  }
0x2d5: {  	[tilespmem:s19], [sflag:$0x2] =	stream.indirect_vreg.gather [hbm4b:s7+s4], $0x80, v4, vm0, $0xb8;
	[tilespmem:$0x12100] =	vst v63  }
0x2d6: {  	s13 =	simm.s32 $0x7900  }
0x2d7: {  	[tilespmem:s13], [sflag:$0x2] =	stream.indirect_vreg.gather [hbm4b:s1+s4], $0x80, v3, vm0, $0xb8;
	[tilespmem:$0x12100] =	vst v63  }
0x2d8: {  	s16 =	simm.s32 $0x8100  }
0x2d9: {  	[tilespmem:s16], [sflag:$0x2] =	stream.indirect_vreg.gather [hbm4b:s6+s4], $0x80, v3, vm0, $0xb8;
	[tilespmem:$0x12100] =	vst v63  }
0x2da: {  	s22 =	simm.s32 $0x8900  }
0x2db: {  	[tilespmem:s22], [sflag:$0x2] =	stream.indirect_vreg.gather [hbm4b:s7+s4], $0x80, v3, vm0, $0xb8;
	[tilespmem:$0x12100] =	vst v63  }
0x2dc: {  	v3 =	vld [tilespmem:$0x90];
	_ =	sdelay $0x4  }
0x2dd: {  	v27 =	vshrl.u32 v3, $0x3  }
0x2de: {  	v4 =	vmul.u32 $0x30, v27  }
0x2df: {  	v3 =	vand.u32 $0x7, v3  }
0x2e0: {  	v3 =	vor.u32 v3, v4  }
0x2e1: {  	v4 =	vperm.xlane v3, v0;
	_ =	sdelay $0x1  }
0x2e2: {  	v4 =	vadd.s32 v1, v4;
	_ =	sdelay $0x3  }
0x2e3: {  	s5 =	simm.s32 $0x9100;
	v3 =	vperm.xlane v3, v2  }
0x2e4: {  	[tilespmem:s5], [sflag:$0x2] =	stream.indirect_vreg.gather [hbm4b:s1+s4], $0x80, v4, vm0, $0xb8;
	[tilespmem:$0x12100] =	vst v63  }
0x2e5: {  	s28 =	simm.s32 $0x9900;
	v3 =	vadd.s32 v1, v3  }
0x2e6: {  	[tilespmem:s28], [sflag:$0x2] =	stream.indirect_vreg.gather [hbm4b:s6+s4], $0x80, v4, vm0, $0xb8;
	[tilespmem:$0x12100] =	vst v63  }
0x2e7: {  	s8 =	simm.s32 $0xA100  }
0x2e8: {  	[tilespmem:s8], [sflag:$0x2] =	stream.indirect_vreg.gather [hbm4b:s7+s4], $0x80, v4, vm0, $0xb8;
	[tilespmem:$0x12100] =	vst v63  }
0x2e9: {  	s9 =	simm.s32 $0xA900  }
0x2ea: {  	[tilespmem:s9], [sflag:$0x2] =	stream.indirect_vreg.gather [hbm4b:s1+s4], $0x80, v3, vm0, $0xb8;
	[tilespmem:$0x12100] =	vst v63  }
0x2eb: {  	s29 =	simm.s32 $0xB100  }
0x2ec: {  	[tilespmem:s29], [sflag:$0x2] =	stream.indirect_vreg.gather [hbm4b:s6+s4], $0x80, v3, vm0, $0xb8;
	[tilespmem:$0x12100] =	vst v63  }
0x2ed: {  	s17 =	simm.s32 $0xB900  }
0x2ee: {  	[tilespmem:s17], [sflag:$0x2] =	stream.indirect_vreg.gather [hbm4b:s7+s4], $0x80, v3, vm0, $0xb8;
	[tilespmem:$0x12100] =	vst v63  }
0x2ef: {  	_ =	swait.ge [sflag:s30], $0x6000  }
0x2f0: {  	[sflag:s30] =	ssyncset.done $0x0  }
0x2f1: {  	s29 =	rddreg [dreg:$0x12];
	[sflag:s30] =	ssyncadd.s32 $0xFFFFA000  }
0x2f2: {  	[hbm4b:s29+s4] =	stream.linear.scatter [tilespmem:s12], [sflag:$0x3], $0x6000, $0x38;
	[tilespmem:$0x12100] =	vst v63  }
0x2f3: {  	_ =	swait.ge [sflag:s25], $0x6000  }
0x2f4: {  	s13 =	sld [smem:$0x7FB]  }
0x2f5: {  	[sflag:s25] =	ssyncset.done $0x0  }
0x2f6: {  	[sflag:s25] =	ssyncadd.s32 $0xFFFFA000  }
0x2f7: {  	[tilespmem:s4], [sflag:$0x3] =	stream.linear.gather [hbm4b:s13+s4], $0x20, $0x38;
	[tilespmem:$0x12100] =	vst v63  }
0x2f8: {  	_ =	swait.ge [sflag:s25], $0x20  }
0x2f9: {  	[sflag:s25] =	ssyncset.done $0x0  }
0x2fa: {  	[sflag:s25] =	ssyncadd.s32 $0xFFFFFFE0  }
0x2fb: {  	v3 =	vld [tilespmem:$0x0];
	_ =	sdelay $0x4  }
0x2fc: {  	v28 =	vshrl.u32 v3, $0x3  }
0x2fd: {  	v4 =	vmul.u32 $0x30, v28  }
0x2fe: {  	v3 =	vand.u32 $0x7, v3  }
0x2ff: {  	v3 =	vor.u32 v3, v4  }
0x300: {  	v4 =	vperm.xlane v3, v0;
	_ =	sdelay $0x1  }
0x301: {  	v4 =	vadd.s32 v1, v4;
	_ =	sdelay $0x3  }
0x302: {  	v3 =	vperm.xlane v3, v2  }
0x303: {  	[tilespmem:s12], [sflag:$0x1] =	stream.indirect_vreg.gather [hbm4b:s1+s4], $0x80, v4, vm0, $0xb8;
	[tilespmem:$0x12100] =	vst v63  }
0x304: {  	s17 =	simm.s32 $0x900;
	v3 =	vadd.s32 v1, v3  }
0x305: {  	[tilespmem:s17], [sflag:$0x1] =	stream.indirect_vreg.gather [hbm4b:s6+s4], $0x80, v4, vm0, $0xb8;
	[tilespmem:$0x12100] =	vst v63  }
0x306: {  	s28 =	simm.s32 $0x1100  }
0x307: {  	[tilespmem:s28], [sflag:$0x1] =	stream.indirect_vreg.gather [hbm4b:s7+s4], $0x80, v4, vm0, $0xb8;
	[tilespmem:$0x12100] =	vst v63  }
0x308: {  	s29 =	simm.s32 $0x1900  }
0x309: {  	[tilespmem:s29], [sflag:$0x1] =	stream.indirect_vreg.gather [hbm4b:s1+s4], $0x80, v3, vm0, $0xb8;
	[tilespmem:$0x12100] =	vst v63  }
0x30a: {  	s24 =	simm.s32 $0x2100  }
0x30b: {  	[tilespmem:s24], [sflag:$0x1] =	stream.indirect_vreg.gather [hbm4b:s6+s4], $0x80, v3, vm0, $0xb8;
	[tilespmem:$0x12100] =	vst v63  }
0x30c: {  	s18 =	simm.s32 $0x2900  }
0x30d: {  	[tilespmem:s18], [sflag:$0x1] =	stream.indirect_vreg.gather [hbm4b:s7+s4], $0x80, v3, vm0, $0xb8;
	[tilespmem:$0x12100] =	vst v63  }
0x30e: {  	v3 =	vld [tilespmem:$0x10];
	_ =	sdelay $0x4  }
0x30f: {  	v29 =	vshrl.u32 v3, $0x3  }
0x310: {  	v4 =	vmul.u32 $0x30, v29  }
0x311: {  	v3 =	vand.u32 $0x7, v3  }
0x312: {  	v3 =	vor.u32 v3, v4  }
0x313: {  	v4 =	vperm.xlane v3, v0;
	_ =	sdelay $0x1  }
0x314: {  	v4 =	vadd.s32 v1, v4;
	_ =	sdelay $0x3  }
0x315: {  	s26 =	simm.s32 $0x3100;
	v3 =	vperm.xlane v3, v2  }
0x316: {  	[tilespmem:s26], [sflag:$0x1] =	stream.indirect_vreg.gather [hbm4b:s1+s4], $0x80, v4, vm0, $0xb8;
	[tilespmem:$0x12100] =	vst v63  }
0x317: {  	s20 =	simm.s32 $0x3900;
	v3 =	vadd.s32 v1, v3  }
0x318: {  	[tilespmem:s20], [sflag:$0x1] =	stream.indirect_vreg.gather [hbm4b:s6+s4], $0x80, v4, vm0, $0xb8;
	[tilespmem:$0x12100] =	vst v63  }
0x319: {  	s3 =	simm.s32 $0x4100  }
0x31a: {  	[tilespmem:s3], [sflag:$0x1] =	stream.indirect_vreg.gather [hbm4b:s7+s4], $0x80, v4, vm0, $0xb8;
	[tilespmem:$0x12100] =	vst v63  }
0x31b: {  	s13 =	simm.s32 $0x4900  }
0x31c: {  	[tilespmem:s13], [sflag:$0x1] =	stream.indirect_vreg.gather [hbm4b:s1+s4], $0x80, v3, vm0, $0xb8;
	[tilespmem:$0x12100] =	vst v63  }
0x31d: {  	s21 =	simm.s32 $0x5100  }
0x31e: {  	[tilespmem:s21], [sflag:$0x1] =	stream.indirect_vreg.gather [hbm4b:s6+s4], $0x80, v3, vm0, $0xb8;
	[tilespmem:$0x12100] =	vst v63  }
0x31f: {  	s15 =	simm.s32 $0x5900  }
0x320: {  	[tilespmem:s15], [sflag:$0x1] =	stream.indirect_vreg.gather [hbm4b:s7+s4], $0x80, v3, vm0, $0xb8;
	[tilespmem:$0x12100] =	vst v63  }
0x321: {  	_ =	swait.ge [sflag:s31], $0x6000  }
0x322: {  	[sflag:s31] =	ssyncset.done $0x0  }
0x323: {  	s15 =	rddreg [dreg:$0x13];
	[sflag:s31] =	ssyncadd.s32 $0xFFFFA000  }
0x324: {  	[hbm4b:s15+s4] =	stream.linear.scatter [tilespmem:s11], [sflag:$0x3], $0x6000, $0x38;
	[tilespmem:$0x12100] =	vst v63  }
0x325: {  	_ =	swait.ge [sflag:s25], $0x6000  }
0x326: {  	s17 =	sld [smem:$0x7FC]  }
0x327: {  	[sflag:s25] =	ssyncset.done $0x0  }
0x328: {  	s18 =	simm.s32 $0x80;
	[sflag:s25] =	ssyncadd.s32 $0xFFFFA000  }
0x329: {  	[tilespmem:s18], [sflag:$0x3] =	stream.linear.gather [hbm4b:s17+s4], $0x20, $0x38;
	[tilespmem:$0x12100] =	vst v63  }
0x32a: {  	_ =	swait.ge [sflag:s25], $0x20  }
0x32b: {  	[sflag:s25] =	ssyncset.done $0x0  }
0x32c: {  	[sflag:s25] =	ssyncadd.s32 $0xFFFFFFE0  }
0x32d: {  	v3 =	vld [tilespmem:$0x80];
	_ =	sdelay $0x4  }
0x32e: {  	v30 =	vshrl.u32 v3, $0x3  }
0x32f: {  	v4 =	vmul.u32 $0x30, v30  }
0x330: {  	v3 =	vand.u32 $0x7, v3  }
0x331: {  	v3 =	vor.u32 v3, v4  }
0x332: {  	v4 =	vperm.xlane v3, v0;
	_ =	sdelay $0x1  }
0x333: {  	v4 =	vadd.s32 v1, v4;
	_ =	sdelay $0x3  }
0x334: {  	v3 =	vperm.xlane v3, v2  }
0x335: {  	[tilespmem:s11], [sflag:$0x2] =	stream.indirect_vreg.gather [hbm4b:s1+s4], $0x80, v4, vm0, $0xb8;
	[tilespmem:$0x12100] =	vst v63  }
0x336: {  	s10 =	simm.s32 $0x6900;
	v3 =	vadd.s32 v1, v3  }
0x337: {  	[tilespmem:s10], [sflag:$0x2] =	stream.indirect_vreg.gather [hbm4b:s6+s4], $0x80, v4, vm0, $0xb8;
	[tilespmem:$0x12100] =	vst v63  }
0x338: {  	s0 =	simm.s32 $0x7100  }
0x339: {  	[tilespmem:s0], [sflag:$0x2] =	stream.indirect_vreg.gather [hbm4b:s7+s4], $0x80, v4, vm0, $0xb8;
	[tilespmem:$0x12100] =	vst v63  }
0x33a: {  	s19 =	simm.s32 $0x7900  }
0x33b: {  	[tilespmem:s19], [sflag:$0x2] =	stream.indirect_vreg.gather [hbm4b:s1+s4], $0x80, v3, vm0, $0xb8;
	[tilespmem:$0x12100] =	vst v63  }
0x33c: {  	s20 =	simm.s32 $0x8100  }
0x33d: {  	[tilespmem:s20], [sflag:$0x2] =	stream.indirect_vreg.gather [hbm4b:s6+s4], $0x80, v3, vm0, $0xb8;
	[tilespmem:$0x12100] =	vst v63  }
0x33e: {  	s14 =	simm.s32 $0x8900  }
0x33f: {  	[tilespmem:s14], [sflag:$0x2] =	stream.indirect_vreg.gather [hbm4b:s7+s4], $0x80, v3, vm0, $0xb8;
	[tilespmem:$0x12100] =	vst v63  }
0x340: {  	v3 =	vld [tilespmem:$0x90];
	_ =	sdelay $0x4  }
0x341: {  	v31 =	vshrl.u32 v3, $0x3  }
0x342: {  	v4 =	vmul.u32 $0x30, v31  }
0x343: {  	v3 =	vand.u32 $0x7, v3  }
0x344: {  	v3 =	vor.u32 v3, v4  }
0x345: {  	v4 =	vperm.xlane v3, v0;
	_ =	sdelay $0x1  }
0x346: {  	v4 =	vadd.s32 v1, v4;
	_ =	sdelay $0x3  }
0x347: {  	s16 =	simm.s32 $0x9100;
	v3 =	vperm.xlane v3, v2  }
0x348: {  	[tilespmem:s16], [sflag:$0x2] =	stream.indirect_vreg.gather [hbm4b:s1+s4], $0x80, v4, vm0, $0xb8;
	[tilespmem:$0x12100] =	vst v63  }
0x349: {  	s21 =	simm.s32 $0x9900;
	v3 =	vadd.s32 v1, v3  }
0x34a: {  	[tilespmem:s21], [sflag:$0x2] =	stream.indirect_vreg.gather [hbm4b:s6+s4], $0x80, v4, vm0, $0xb8;
	[tilespmem:$0x12100] =	vst v63  }
0x34b: {  	s5 =	simm.s32 $0xA100  }
0x34c: {  	[tilespmem:s5], [sflag:$0x2] =	stream.indirect_vreg.gather [hbm4b:s7+s4], $0x80, v4, vm0, $0xb8;
	[tilespmem:$0x12100] =	vst v63  }
0x34d: {  	s8 =	simm.s32 $0xA900  }
0x34e: {  	[tilespmem:s8], [sflag:$0x2] =	stream.indirect_vreg.gather [hbm4b:s1+s4], $0x80, v3, vm0, $0xb8;
	[tilespmem:$0x12100] =	vst v63  }
0x34f: {  	s22 =	simm.s32 $0xB100  }
0x350: {  	[tilespmem:s22], [sflag:$0x2] =	stream.indirect_vreg.gather [hbm4b:s6+s4], $0x80, v3, vm0, $0xb8;
	[tilespmem:$0x12100] =	vst v63  }
0x351: {  	s9 =	simm.s32 $0xB900  }
0x352: {  	[tilespmem:s9], [sflag:$0x2] =	stream.indirect_vreg.gather [hbm4b:s7+s4], $0x80, v3, vm0, $0xb8;
	[tilespmem:$0x12100] =	vst v63  }
0x353: {  	_ =	swait.ge [sflag:s30], $0x6000  }
0x354: {  	[sflag:s30] =	ssyncset.done $0x0  }
0x355: {  	s22 =	rddreg [dreg:$0x14];
	[sflag:s30] =	ssyncadd.s32 $0xFFFFA000  }
0x356: {  	[hbm4b:s22+s4] =	stream.linear.scatter [tilespmem:s12], [sflag:$0x3], $0x6000, $0x38;
	[tilespmem:$0x12100] =	vst v63  }
0x357: {  	_ =	swait.ge [sflag:s25], $0x6000  }
0x358: {  	[sflag:s25] =	ssyncset.done $0x0  }
0x359: {  	[sflag:s25] =	ssyncadd.s32 $0xFFFFA000  }
0x35a: {  	_ =	swait.ge [sflag:s31], $0x6000  }
0x35b: {  	[sflag:s31] =	ssyncset.done $0x0  }
0x35c: {  	s24 =	rddreg [dreg:$0x15];
	[sflag:s31] =	ssyncadd.s32 $0xFFFFA000  }
0x35d: {  	[hbm4b:s24+s4] =	stream.linear.scatter [tilespmem:s11], [sflag:$0x3], $0x6000, $0x38;
	[tilespmem:$0x12100] =	vst v63  }
0x35e: {  	_ =	swait.ge [sflag:s25], $0x6000  }
0x35f: {  	s26 =	sld [smem:$0x7EC]  }
0x360: {  	[sflag:s25] =	ssyncset.done $0x0  }
0x361: {  	[sflag:s25] =	ssyncadd.s32 $0xFFFFA000  }
0x362: {  	[tilespmem:s4], [sflag:$0x3] =	stream.linear.gather [hbm4b:s26+s4], $0x20, $0x38;
	[tilespmem:$0x12100] =	vst v63  }
0x363: {  	_ =	swait.ge [sflag:s25], $0x20  }
0x364: {  	[sflag:s25] =	ssyncset.done $0x0  }
0x365: {  	[sflag:s25] =	ssyncadd.s32 $0xFFFFFFE0  }
0x366: {  	v3 =	vld [tilespmem:$0x0];
	_ =	sdelay $0x4  }
0x367: {  	v32 =	vshrl.u32 v3, $0x3  }
0x368: {  	v4 =	vmul.u32 $0x18, v32  }
0x369: {  	v3 =	vand.u32 $0x7, v3  }
0x36a: {  	v3 =	vor.u32 v3, v4  }
0x36b: {  	v4 =	vperm.xlane v3, v0;
	_ =	sdelay $0x1  }
0x36c: {  	v4 =	vadd.s32 v1, v4;
	_ =	sdelay $0x1  }
0x36d: {  	v3 =	vperm.xlane v3, v2;
	_ =	sdelay $0x1  }
0x36e: {  	s3 =	simm.s32 $0xC100;
	v3 =	vadd.s32 v1, v3  }
0x36f: {  	[tilespmem:s3], [sflag:$0x1] =	stream.indirect_vreg.gather [hbm4b:s2+s4], $0x80, v4, vm0, $0xb8;
	[tilespmem:$0x12100] =	vst v63  }
0x370: {  	s5 =	simm.s32 $0xC900  }
0x371: {  	[tilespmem:s5], [sflag:$0x1] =	stream.indirect_vreg.gather [hbm4b:s23+s4], $0x80, v4, vm1, $0xb8;
	[tilespmem:$0x12100] =	vst v63  }
0x372: {  	s8 =	simm.s32 $0xCD00  }
0x373: {  	[tilespmem:s8], [sflag:$0x1] =	stream.indirect_vreg.gather [hbm4b:s2+s4], $0x80, v3, vm0, $0xb8;
	[tilespmem:$0x12100] =	vst v63  }
0x374: {  	s9 =	simm.s32 $0xD500  }
0x375: {  	[tilespmem:s9], [sflag:$0x1] =	stream.indirect_vreg.gather [hbm4b:s23+s4], $0x80, v3, vm1, $0xb8;
	[tilespmem:$0x12100] =	vst v63  }
0x376: {  	v3 =	vld [tilespmem:$0x10];
	_ =	sdelay $0x4  }
0x377: {  	v33 =	vshrl.u32 v3, $0x3  }
0x378: {  	v4 =	vmul.u32 $0x18, v33  }
0x379: {  	v3 =	vand.u32 $0x7, v3  }
0x37a: {  	v3 =	vor.u32 v3, v4  }
0x37b: {  	v4 =	vperm.xlane v3, v0;
	_ =	sdelay $0x1  }
0x37c: {  	v4 =	vadd.s32 v1, v4;
	_ =	sdelay $0x1  }
0x37d: {  	v3 =	vperm.xlane v3, v2;
	_ =	sdelay $0x1  }
0x37e: {  	s10 =	simm.s32 $0xD900;
	v3 =	vadd.s32 v1, v3  }
0x37f: {  	[tilespmem:s10], [sflag:$0x1] =	stream.indirect_vreg.gather [hbm4b:s2+s4], $0x80, v4, vm0, $0xb8;
	[tilespmem:$0x12100] =	vst v63  }
0x380: {  	s11 =	simm.s32 $0xE100  }
0x381: {  	[tilespmem:s11], [sflag:$0x1] =	stream.indirect_vreg.gather [hbm4b:s23+s4], $0x80, v4, vm1, $0xb8;
	[tilespmem:$0x12100] =	vst v63  }
0x382: {  	s12 =	simm.s32 $0xE500  }
0x383: {  	[tilespmem:s12], [sflag:$0x1] =	stream.indirect_vreg.gather [hbm4b:s2+s4], $0x80, v3, vm0, $0xb8;
	[tilespmem:$0x12100] =	vst v63  }
0x384: {  	s13 =	simm.s32 $0xED00;
	s28 =	sld [smem:$0x7EE]  }
0x385: {  	[tilespmem:s13], [sflag:$0x1] =	stream.indirect_vreg.gather [hbm4b:s23+s4], $0x80, v3, vm1, $0xb8;
	[tilespmem:$0x12100] =	vst v63  }
0x386: {  	s29 =	simm.s32 $0x80  }
0x387: {  	[tilespmem:s29], [sflag:$0x3] =	stream.linear.gather [hbm4b:s28+s4], $0x20, $0x38;
	[tilespmem:$0x12100] =	vst v63  }
0x388: {  	_ =	swait.ge [sflag:s25], $0x20  }
0x389: {  	[sflag:s25] =	ssyncset.done $0x0  }
0x38a: {  	[sflag:s25] =	ssyncadd.s32 $0xFFFFFFE0  }
0x38b: {  	v3 =	vld [tilespmem:$0x80];
	_ =	sdelay $0x4  }
0x38c: {  	v34 =	vshrl.u32 v3, $0x3  }
0x38d: {  	v4 =	vmul.u32 $0x18, v34  }
0x38e: {  	v3 =	vand.u32 $0x7, v3  }
0x38f: {  	v3 =	vor.u32 v3, v4  }
0x390: {  	v4 =	vperm.xlane v3, v0;
	_ =	sdelay $0x1  }
0x391: {  	v4 =	vadd.s32 v1, v4;
	_ =	sdelay $0x1  }
0x392: {  	v3 =	vperm.xlane v3, v2;
	_ =	sdelay $0x1  }
0x393: {  	s14 =	simm.s32 $0xF100;
	v3 =	vadd.s32 v1, v3  }
0x394: {  	[tilespmem:s14], [sflag:$0x2] =	stream.indirect_vreg.gather [hbm4b:s2+s4], $0x80, v4, vm0, $0xb8;
	[tilespmem:$0x12100] =	vst v63  }
0x395: {  	s15 =	simm.s32 $0xF900  }
0x396: {  	[tilespmem:s15], [sflag:$0x2] =	stream.indirect_vreg.gather [hbm4b:s23+s4], $0x80, v4, vm1, $0xb8;
	[tilespmem:$0x12100] =	vst v63  }
0x397: {  	s16 =	simm.s32 $0xFD00  }
0x398: {  	[tilespmem:s16], [sflag:$0x2] =	stream.indirect_vreg.gather [hbm4b:s2+s4], $0x80, v3, vm0, $0xb8;
	[tilespmem:$0x12100] =	vst v63  }
0x399: {  	s17 =	simm.s32 $0x10500  }
0x39a: {  	[tilespmem:s17], [sflag:$0x2] =	stream.indirect_vreg.gather [hbm4b:s23+s4], $0x80, v3, vm1, $0xb8;
	[tilespmem:$0x12100] =	vst v63  }
0x39b: {  	v3 =	vld [tilespmem:$0x90];
	_ =	sdelay $0x4  }
0x39c: {  	v35 =	vshrl.u32 v3, $0x3  }
0x39d: {  	v4 =	vmul.u32 $0x18, v35  }
0x39e: {  	v3 =	vand.u32 $0x7, v3  }
0x39f: {  	v3 =	vor.u32 v3, v4  }
0x3a0: {  	v4 =	vperm.xlane v3, v0;
	_ =	sdelay $0x1  }
0x3a1: {  	v4 =	vadd.s32 v1, v4;
	_ =	sdelay $0x1  }
0x3a2: {  	v3 =	vperm.xlane v3, v2;
	_ =	sdelay $0x1  }
0x3a3: {  	s18 =	simm.s32 $0x10900;
	v3 =	vadd.s32 v1, v3  }
0x3a4: {  	[tilespmem:s18], [sflag:$0x2] =	stream.indirect_vreg.gather [hbm4b:s2+s4], $0x80, v4, vm0, $0xb8;
	[tilespmem:$0x12100] =	vst v63  }
0x3a5: {  	s19 =	simm.s32 $0x11100  }
0x3a6: {  	[tilespmem:s19], [sflag:$0x2] =	stream.indirect_vreg.gather [hbm4b:s23+s4], $0x80, v4, vm1, $0xb8;
	[tilespmem:$0x12100] =	vst v63  }
0x3a7: {  	s20 =	simm.s32 $0x11500  }
0x3a8: {  	[tilespmem:s20], [sflag:$0x2] =	stream.indirect_vreg.gather [hbm4b:s2+s4], $0x80, v3, vm0, $0xb8;
	[tilespmem:$0x12100] =	vst v63  }
0x3a9: {  	s21 =	simm.s32 $0x11D00  }
0x3aa: {  	[tilespmem:s21], [sflag:$0x2] =	stream.indirect_vreg.gather [hbm4b:s23+s4], $0x80, v3, vm1, $0xb8;
	[tilespmem:$0x12100] =	vst v63  }
0x3ab: {  	_ =	swait.ge [sflag:s30], $0x3000  }
0x3ac: {  	[sflag:s30] =	ssyncset.done $0x0  }
0x3ad: {  	s22 =	rddreg [dreg:$0x16];
	[sflag:s30] =	ssyncadd.s32 $0xFFFFD000  }
0x3ae: {  	[hbm4b:s22+s4] =	stream.linear.scatter [tilespmem:s3], [sflag:$0x3], $0x3000, $0x38;
	[tilespmem:$0x12100] =	vst v63  }
0x3af: {  	_ =	swait.ge [sflag:s25], $0x3000  }
0x3b0: {  	s24 =	sld [smem:$0x7EF]  }
0x3b1: {  	[sflag:s25] =	ssyncset.done $0x0  }
0x3b2: {  	[sflag:s25] =	ssyncadd.s32 $0xFFFFD000  }
0x3b3: {  	[tilespmem:s4], [sflag:$0x3] =	stream.linear.gather [hbm4b:s24+s4], $0x20, $0x38;
	[tilespmem:$0x12100] =	vst v63  }
0x3b4: {  	_ =	swait.ge [sflag:s25], $0x20  }
0x3b5: {  	[sflag:s25] =	ssyncset.done $0x0  }
0x3b6: {  	[sflag:s25] =	ssyncadd.s32 $0xFFFFFFE0  }
0x3b7: {  	v3 =	vld [tilespmem:$0x0];
	_ =	sdelay $0x4  }
0x3b8: {  	v36 =	vshrl.u32 v3, $0x3  }
0x3b9: {  	v4 =	vmul.u32 $0x18, v36  }
0x3ba: {  	v3 =	vand.u32 $0x7, v3  }
0x3bb: {  	v3 =	vor.u32 v3, v4  }
0x3bc: {  	v4 =	vperm.xlane v3, v0;
	_ =	sdelay $0x1  }
0x3bd: {  	v4 =	vadd.s32 v1, v4;
	_ =	sdelay $0x1  }
0x3be: {  	v3 =	vperm.xlane v3, v2;
	_ =	sdelay $0x1  }
0x3bf: {  	v3 =	vadd.s32 v1, v3  }
0x3c0: {  	[tilespmem:s3], [sflag:$0x1] =	stream.indirect_vreg.gather [hbm4b:s2+s4], $0x80, v4, vm0, $0xb8;
	[tilespmem:$0x12100] =	vst v63  }
0x3c1: {  	_ = 	snop  }
0x3c2: {  	[tilespmem:s5], [sflag:$0x1] =	stream.indirect_vreg.gather [hbm4b:s23+s4], $0x80, v4, vm1, $0xb8;
	[tilespmem:$0x12100] =	vst v63  }
0x3c3: {  	_ = 	snop  }
0x3c4: {  	[tilespmem:s8], [sflag:$0x1] =	stream.indirect_vreg.gather [hbm4b:s2+s4], $0x80, v3, vm0, $0xb8;
	[tilespmem:$0x12100] =	vst v63  }
0x3c5: {  	_ = 	snop  }
0x3c6: {  	[tilespmem:s9], [sflag:$0x1] =	stream.indirect_vreg.gather [hbm4b:s23+s4], $0x80, v3, vm1, $0xb8;
	[tilespmem:$0x12100] =	vst v63  }
0x3c7: {  	v3 =	vld [tilespmem:$0x10];
	_ =	sdelay $0x4  }
0x3c8: {  	v37 =	vshrl.u32 v3, $0x3  }
0x3c9: {  	v4 =	vmul.u32 $0x18, v37  }
0x3ca: {  	v3 =	vand.u32 $0x7, v3  }
0x3cb: {  	v3 =	vor.u32 v3, v4  }
0x3cc: {  	v4 =	vperm.xlane v3, v0;
	_ =	sdelay $0x1  }
0x3cd: {  	v4 =	vadd.s32 v1, v4;
	_ =	sdelay $0x1  }
0x3ce: {  	v3 =	vperm.xlane v3, v2;
	_ =	sdelay $0x1  }
0x3cf: {  	v3 =	vadd.s32 v1, v3  }
0x3d0: {  	[tilespmem:s10], [sflag:$0x1] =	stream.indirect_vreg.gather [hbm4b:s2+s4], $0x80, v4, vm0, $0xb8;
	[tilespmem:$0x12100] =	vst v63  }
0x3d1: {  	_ = 	snop  }
0x3d2: {  	[tilespmem:s11], [sflag:$0x1] =	stream.indirect_vreg.gather [hbm4b:s23+s4], $0x80, v4, vm1, $0xb8;
	[tilespmem:$0x12100] =	vst v63  }
0x3d3: {  	_ = 	snop  }
0x3d4: {  	[tilespmem:s12], [sflag:$0x1] =	stream.indirect_vreg.gather [hbm4b:s2+s4], $0x80, v3, vm0, $0xb8;
	[tilespmem:$0x12100] =	vst v63  }
0x3d5: {  	_ = 	snop  }
0x3d6: {  	[tilespmem:s13], [sflag:$0x1] =	stream.indirect_vreg.gather [hbm4b:s23+s4], $0x80, v3, vm1, $0xb8;
	[tilespmem:$0x12100] =	vst v63  }
0x3d7: {  	_ =	swait.ge [sflag:s31], $0x3000  }
0x3d8: {  	[sflag:s31] =	ssyncset.done $0x0  }
0x3d9: {  	s26 =	rddreg [dreg:$0x17];
	[sflag:s31] =	ssyncadd.s32 $0xFFFFD000  }
0x3da: {  	[hbm4b:s26+s4] =	stream.linear.scatter [tilespmem:s14], [sflag:$0x3], $0x3000, $0x38;
	[tilespmem:$0x12100] =	vst v63  }
0x3db: {  	_ =	swait.ge [sflag:s25], $0x3000  }
0x3dc: {  	s28 =	sld [smem:$0x7F0]  }
0x3dd: {  	[sflag:s25] =	ssyncset.done $0x0  }
0x3de: {  	[sflag:s25] =	ssyncadd.s32 $0xFFFFD000  }
0x3df: {  	[tilespmem:s29], [sflag:$0x3] =	stream.linear.gather [hbm4b:s28+s4], $0x20, $0x38;
	[tilespmem:$0x12100] =	vst v63  }
0x3e0: {  	_ =	swait.ge [sflag:s25], $0x20  }
0x3e1: {  	[sflag:s25] =	ssyncset.done $0x0  }
0x3e2: {  	[sflag:s25] =	ssyncadd.s32 $0xFFFFFFE0  }
0x3e3: {  	v3 =	vld [tilespmem:$0x80];
	_ =	sdelay $0x4  }
0x3e4: {  	v38 =	vshrl.u32 v3, $0x3  }
0x3e5: {  	v4 =	vmul.u32 $0x18, v38  }
0x3e6: {  	v3 =	vand.u32 $0x7, v3  }
0x3e7: {  	v3 =	vor.u32 v3, v4  }
0x3e8: {  	v4 =	vperm.xlane v3, v0;
	_ =	sdelay $0x1  }
0x3e9: {  	v4 =	vadd.s32 v1, v4;
	_ =	sdelay $0x1  }
0x3ea: {  	v3 =	vperm.xlane v3, v2;
	_ =	sdelay $0x1  }
0x3eb: {  	v3 =	vadd.s32 v1, v3  }
0x3ec: {  	[tilespmem:s14], [sflag:$0x2] =	stream.indirect_vreg.gather [hbm4b:s2+s4], $0x80, v4, vm0, $0xb8;
	[tilespmem:$0x12100] =	vst v63  }
0x3ed: {  	_ = 	snop  }
0x3ee: {  	[tilespmem:s15], [sflag:$0x2] =	stream.indirect_vreg.gather [hbm4b:s23+s4], $0x80, v4, vm1, $0xb8;
	[tilespmem:$0x12100] =	vst v63  }
0x3ef: {  	_ = 	snop  }
0x3f0: {  	[tilespmem:s16], [sflag:$0x2] =	stream.indirect_vreg.gather [hbm4b:s2+s4], $0x80, v3, vm0, $0xb8;
	[tilespmem:$0x12100] =	vst v63  }
0x3f1: {  	_ = 	snop  }
0x3f2: {  	[tilespmem:s17], [sflag:$0x2] =	stream.indirect_vreg.gather [hbm4b:s23+s4], $0x80, v3, vm1, $0xb8;
	[tilespmem:$0x12100] =	vst v63  }
0x3f3: {  	v3 =	vld [tilespmem:$0x90];
	_ =	sdelay $0x4  }
0x3f4: {  	v39 =	vshrl.u32 v3, $0x3  }
0x3f5: {  	v4 =	vmul.u32 $0x18, v39  }
0x3f6: {  	v3 =	vand.u32 $0x7, v3  }
0x3f7: {  	v3 =	vor.u32 v3, v4  }
0x3f8: {  	v4 =	vperm.xlane v3, v0;
	_ =	sdelay $0x1  }
0x3f9: {  	v4 =	vadd.s32 v1, v4;
	_ =	sdelay $0x1  }
0x3fa: {  	v3 =	vperm.xlane v3, v2;
	_ =	sdelay $0x1  }
0x3fb: {  	v3 =	vadd.s32 v1, v3  }
0x3fc: {  	[tilespmem:s18], [sflag:$0x2] =	stream.indirect_vreg.gather [hbm4b:s2+s4], $0x80, v4, vm0, $0xb8;
	[tilespmem:$0x12100] =	vst v63  }
0x3fd: {  	_ = 	snop  }
0x3fe: {  	[tilespmem:s19], [sflag:$0x2] =	stream.indirect_vreg.gather [hbm4b:s23+s4], $0x80, v4, vm1, $0xb8;
	[tilespmem:$0x12100] =	vst v63  }
0x3ff: {  	_ = 	snop  }
0x400: {  	[tilespmem:s20], [sflag:$0x2] =	stream.indirect_vreg.gather [hbm4b:s2+s4], $0x80, v3, vm0, $0xb8;
	[tilespmem:$0x12100] =	vst v63  }
0x401: {  	_ = 	snop  }
0x402: {  	[tilespmem:s21], [sflag:$0x2] =	stream.indirect_vreg.gather [hbm4b:s23+s4], $0x80, v3, vm1, $0xb8;
	[tilespmem:$0x12100] =	vst v63  }
0x403: {  	_ =	swait.ge [sflag:s30], $0x3000  }
0x404: {  	[sflag:s30] =	ssyncset.done $0x0  }
0x405: {  	s29 =	rddreg [dreg:$0x18];
	[sflag:s30] =	ssyncadd.s32 $0xFFFFD000  }
0x406: {  	[hbm4b:s29+s4] =	stream.linear.scatter [tilespmem:s3], [sflag:$0x3], $0x3000, $0x38;
	[tilespmem:$0x12100] =	vst v63  }
0x407: {  	_ =	swait.ge [sflag:s25], $0x3000  }
0x408: {  	s0 =	sld [smem:$0x7F1]  }
0x409: {  	[sflag:s25] =	ssyncset.done $0x0  }
0x40a: {  	[sflag:s25] =	ssyncadd.s32 $0xFFFFD000  }
0x40b: {  	[tilespmem:s4], [sflag:$0x3] =	stream.linear.gather [hbm4b:s0+s4], $0x20, $0x38;
	[tilespmem:$0x12100] =	vst v63  }
0x40c: {  	_ =	swait.ge [sflag:s25], $0x20  }
0x40d: {  	[sflag:s25] =	ssyncset.done $0x0  }
0x40e: {  	[sflag:s25] =	ssyncadd.s32 $0xFFFFFFE0  }
0x40f: {  	v3 =	vld [tilespmem:$0x0];
	_ =	sdelay $0x4  }
0x410: {  	v40 =	vshrl.u32 v3, $0x3  }
0x411: {  	v4 =	vmul.u32 $0x18, v40  }
0x412: {  	v3 =	vand.u32 $0x7, v3  }
0x413: {  	v3 =	vor.u32 v3, v4  }
0x414: {  	v4 =	vperm.xlane v3, v0;
	_ =	sdelay $0x1  }
0x415: {  	v4 =	vadd.s32 v1, v4;
	_ =	sdelay $0x1  }
0x416: {  	v3 =	vperm.xlane v3, v2;
	_ =	sdelay $0x1  }
0x417: {  	v3 =	vadd.s32 v1, v3  }
0x418: {  	[tilespmem:s3], [sflag:$0x1] =	stream.indirect_vreg.gather [hbm4b:s2+s4], $0x80, v4, vm0, $0xb8;
	[tilespmem:$0x12100] =	vst v63  }
0x419: {  	_ = 	snop  }
0x41a: {  	[tilespmem:s5], [sflag:$0x1] =	stream.indirect_vreg.gather [hbm4b:s23+s4], $0x80, v4, vm1, $0xb8;
	[tilespmem:$0x12100] =	vst v63  }
0x41b: {  	_ = 	snop  }
0x41c: {  	[tilespmem:s8], [sflag:$0x1] =	stream.indirect_vreg.gather [hbm4b:s2+s4], $0x80, v3, vm0, $0xb8;
	[tilespmem:$0x12100] =	vst v63  }
0x41d: {  	_ = 	snop  }
0x41e: {  	[tilespmem:s9], [sflag:$0x1] =	stream.indirect_vreg.gather [hbm4b:s23+s4], $0x80, v3, vm1, $0xb8;
	[tilespmem:$0x12100] =	vst v63  }
0x41f: {  	v3 =	vld [tilespmem:$0x10];
	_ =	sdelay $0x4  }
0x420: {  	v41 =	vshrl.u32 v3, $0x3  }
0x421: {  	v4 =	vmul.u32 $0x18, v41  }
0x422: {  	v3 =	vand.u32 $0x7, v3  }
0x423: {  	v3 =	vor.u32 v3, v4  }
0x424: {  	v4 =	vperm.xlane v3, v0;
	_ =	sdelay $0x1  }
0x425: {  	v4 =	vadd.s32 v1, v4;
	_ =	sdelay $0x1  }
0x426: {  	v3 =	vperm.xlane v3, v2;
	_ =	sdelay $0x1  }
0x427: {  	v3 =	vadd.s32 v1, v3  }
0x428: {  	[tilespmem:s10], [sflag:$0x1] =	stream.indirect_vreg.gather [hbm4b:s2+s4], $0x80, v4, vm0, $0xb8;
	[tilespmem:$0x12100] =	vst v63  }
0x429: {  	_ = 	snop  }
0x42a: {  	[tilespmem:s11], [sflag:$0x1] =	stream.indirect_vreg.gather [hbm4b:s23+s4], $0x80, v4, vm1, $0xb8;
	[tilespmem:$0x12100] =	vst v63  }
0x42b: {  	_ = 	snop  }
0x42c: {  	[tilespmem:s12], [sflag:$0x1] =	stream.indirect_vreg.gather [hbm4b:s2+s4], $0x80, v3, vm0, $0xb8;
	[tilespmem:$0x12100] =	vst v63  }
0x42d: {  	_ = 	snop  }
0x42e: {  	[tilespmem:s13], [sflag:$0x1] =	stream.indirect_vreg.gather [hbm4b:s23+s4], $0x80, v3, vm1, $0xb8;
	[tilespmem:$0x12100] =	vst v63  }
0x42f: {  	_ =	swait.ge [sflag:s31], $0x3000  }
0x430: {  	[sflag:s31] =	ssyncset.done $0x0  }
0x431: {  	s26 =	rddreg [dreg:$0x19];
	[sflag:s31] =	ssyncadd.s32 $0xFFFFD000  }
0x432: {  	[hbm4b:s26+s4] =	stream.linear.scatter [tilespmem:s14], [sflag:$0x3], $0x3000, $0x38;
	[tilespmem:$0x12100] =	vst v63  }
0x433: {  	_ =	swait.ge [sflag:s25], $0x3000  }
0x434: {  	s28 =	sld [smem:$0x7F2]  }
0x435: {  	[sflag:s25] =	ssyncset.done $0x0  }
0x436: {  	s24 =	simm.s32 $0x80;
	[sflag:s25] =	ssyncadd.s32 $0xFFFFD000  }
0x437: {  	[tilespmem:s24], [sflag:$0x3] =	stream.linear.gather [hbm4b:s28+s4], $0x20, $0x38;
	[tilespmem:$0x12100] =	vst v63  }
0x438: {  	_ =	swait.ge [sflag:s25], $0x20  }
0x439: {  	[sflag:s25] =	ssyncset.done $0x0  }
0x43a: {  	[sflag:s25] =	ssyncadd.s32 $0xFFFFFFE0  }
0x43b: {  	v3 =	vld [tilespmem:$0x80];
	_ =	sdelay $0x4  }
0x43c: {  	v42 =	vshrl.u32 v3, $0x3  }
0x43d: {  	v4 =	vmul.u32 $0x18, v42  }
0x43e: {  	v3 =	vand.u32 $0x7, v3  }
0x43f: {  	v3 =	vor.u32 v3, v4  }
0x440: {  	v4 =	vperm.xlane v3, v0;
	_ =	sdelay $0x1  }
0x441: {  	v4 =	vadd.s32 v1, v4;
	_ =	sdelay $0x1  }
0x442: {  	v3 =	vperm.xlane v3, v2;
	_ =	sdelay $0x1  }
0x443: {  	v3 =	vadd.s32 v1, v3  }
0x444: {  	[tilespmem:s14], [sflag:$0x2] =	stream.indirect_vreg.gather [hbm4b:s2+s4], $0x80, v4, vm0, $0xb8;
	[tilespmem:$0x12100] =	vst v63  }
0x445: {  	_ = 	snop  }
0x446: {  	[tilespmem:s15], [sflag:$0x2] =	stream.indirect_vreg.gather [hbm4b:s23+s4], $0x80, v4, vm1, $0xb8;
	[tilespmem:$0x12100] =	vst v63  }
0x447: {  	_ = 	snop  }
0x448: {  	[tilespmem:s16], [sflag:$0x2] =	stream.indirect_vreg.gather [hbm4b:s2+s4], $0x80, v3, vm0, $0xb8;
	[tilespmem:$0x12100] =	vst v63  }
0x449: {  	_ = 	snop  }
0x44a: {  	[tilespmem:s17], [sflag:$0x2] =	stream.indirect_vreg.gather [hbm4b:s23+s4], $0x80, v3, vm1, $0xb8;
	[tilespmem:$0x12100] =	vst v63  }
0x44b: {  	v3 =	vld [tilespmem:$0x90];
	_ =	sdelay $0x4  }
0x44c: {  	v43 =	vshrl.u32 v3, $0x3  }
0x44d: {  	v4 =	vmul.u32 $0x18, v43  }
0x44e: {  	v3 =	vand.u32 $0x7, v3  }
0x44f: {  	v3 =	vor.u32 v3, v4  }
0x450: {  	v4 =	vperm.xlane v3, v0;
	_ =	sdelay $0x1  }
0x451: {  	v4 =	vadd.s32 v1, v4;
	_ =	sdelay $0x1  }
0x452: {  	v3 =	vperm.xlane v3, v2;
	_ =	sdelay $0x1  }
0x453: {  	v3 =	vadd.s32 v1, v3  }
0x454: {  	[tilespmem:s18], [sflag:$0x2] =	stream.indirect_vreg.gather [hbm4b:s2+s4], $0x80, v4, vm0, $0xb8;
	[tilespmem:$0x12100] =	vst v63  }
0x455: {  	_ = 	snop  }
0x456: {  	[tilespmem:s19], [sflag:$0x2] =	stream.indirect_vreg.gather [hbm4b:s23+s4], $0x80, v4, vm1, $0xb8;
	[tilespmem:$0x12100] =	vst v63  }
0x457: {  	_ = 	snop  }
0x458: {  	[tilespmem:s20], [sflag:$0x2] =	stream.indirect_vreg.gather [hbm4b:s2+s4], $0x80, v3, vm0, $0xb8;
	[tilespmem:$0x12100] =	vst v63  }
0x459: {  	_ = 	snop  }
0x45a: {  	[tilespmem:s21], [sflag:$0x2] =	stream.indirect_vreg.gather [hbm4b:s23+s4], $0x80, v3, vm1, $0xb8;
	[tilespmem:$0x12100] =	vst v63  }
0x45b: {  	_ =	swait.ge [sflag:s30], $0x3000  }
0x45c: {  	[sflag:s30] =	ssyncset.done $0x0  }
0x45d: {  	s29 =	rddreg [dreg:$0x1a];
	[sflag:s30] =	ssyncadd.s32 $0xFFFFD000  }
0x45e: {  	[hbm4b:s29+s4] =	stream.linear.scatter [tilespmem:s3], [sflag:$0x3], $0x3000, $0x38;
	[tilespmem:$0x12100] =	vst v63  }
0x45f: {  	_ =	swait.ge [sflag:s25], $0x3000  }
0x460: {  	s0 =	sld [smem:$0x7F3]  }
0x461: {  	[sflag:s25] =	ssyncset.done $0x0  }
0x462: {  	[sflag:s25] =	ssyncadd.s32 $0xFFFFD000  }
0x463: {  	[tilespmem:s4], [sflag:$0x3] =	stream.linear.gather [hbm4b:s0+s4], $0x20, $0x38;
	[tilespmem:$0x12100] =	vst v63  }
0x464: {  	_ =	swait.ge [sflag:s25], $0x20  }
0x465: {  	[sflag:s25] =	ssyncset.done $0x0  }
0x466: {  	[sflag:s25] =	ssyncadd.s32 $0xFFFFFFE0  }
0x467: {  	v3 =	vld [tilespmem:$0x0];
	_ =	sdelay $0x4  }
0x468: {  	v44 =	vshrl.u32 v3, $0x3  }
0x469: {  	v4 =	vmul.u32 $0x18, v44  }
0x46a: {  	v3 =	vand.u32 $0x7, v3  }
0x46b: {  	v3 =	vor.u32 v3, v4  }
0x46c: {  	v4 =	vperm.xlane v3, v0;
	_ =	sdelay $0x1  }
0x46d: {  	v4 =	vadd.s32 v1, v4;
	_ =	sdelay $0x1  }
0x46e: {  	v3 =	vperm.xlane v3, v2;
	_ =	sdelay $0x1  }
0x46f: {  	v3 =	vadd.s32 v1, v3  }
0x470: {  	[tilespmem:s3], [sflag:$0x1] =	stream.indirect_vreg.gather [hbm4b:s2+s4], $0x80, v4, vm0, $0xb8;
	[tilespmem:$0x12100] =	vst v63  }
0x471: {  	_ = 	snop  }
0x472: {  	[tilespmem:s5], [sflag:$0x1] =	stream.indirect_vreg.gather [hbm4b:s23+s4], $0x80, v4, vm1, $0xb8;
	[tilespmem:$0x12100] =	vst v63  }
0x473: {  	_ = 	snop  }
0x474: {  	[tilespmem:s8], [sflag:$0x1] =	stream.indirect_vreg.gather [hbm4b:s2+s4], $0x80, v3, vm0, $0xb8;
	[tilespmem:$0x12100] =	vst v63  }
0x475: {  	_ = 	snop  }
0x476: {  	[tilespmem:s9], [sflag:$0x1] =	stream.indirect_vreg.gather [hbm4b:s23+s4], $0x80, v3, vm1, $0xb8;
	[tilespmem:$0x12100] =	vst v63  }
0x477: {  	v3 =	vld [tilespmem:$0x10];
	_ =	sdelay $0x4  }
0x478: {  	v45 =	vshrl.u32 v3, $0x3  }
0x479: {  	v4 =	vmul.u32 $0x18, v45  }
0x47a: {  	v3 =	vand.u32 $0x7, v3  }
0x47b: {  	v3 =	vor.u32 v3, v4  }
0x47c: {  	v4 =	vperm.xlane v3, v0;
	_ =	sdelay $0x1  }
0x47d: {  	v4 =	vadd.s32 v1, v4;
	_ =	sdelay $0x1  }
0x47e: {  	v3 =	vperm.xlane v3, v2;
	_ =	sdelay $0x1  }
0x47f: {  	v3 =	vadd.s32 v1, v3  }
0x480: {  	[tilespmem:s10], [sflag:$0x1] =	stream.indirect_vreg.gather [hbm4b:s2+s4], $0x80, v4, vm0, $0xb8;
	[tilespmem:$0x12100] =	vst v63  }
0x481: {  	_ = 	snop  }
0x482: {  	[tilespmem:s11], [sflag:$0x1] =	stream.indirect_vreg.gather [hbm4b:s23+s4], $0x80, v4, vm1, $0xb8;
	[tilespmem:$0x12100] =	vst v63  }
0x483: {  	_ = 	snop  }
0x484: {  	[tilespmem:s12], [sflag:$0x1] =	stream.indirect_vreg.gather [hbm4b:s2+s4], $0x80, v3, vm0, $0xb8;
	[tilespmem:$0x12100] =	vst v63  }
0x485: {  	_ = 	snop  }
0x486: {  	[tilespmem:s13], [sflag:$0x1] =	stream.indirect_vreg.gather [hbm4b:s23+s4], $0x80, v3, vm1, $0xb8;
	[tilespmem:$0x12100] =	vst v63  }
0x487: {  	_ =	swait.ge [sflag:s31], $0x3000  }
0x488: {  	[sflag:s31] =	ssyncset.done $0x0  }
0x489: {  	s26 =	rddreg [dreg:$0x1b];
	[sflag:s31] =	ssyncadd.s32 $0xFFFFD000  }
0x48a: {  	[hbm4b:s26+s4] =	stream.linear.scatter [tilespmem:s14], [sflag:$0x3], $0x3000, $0x38;
	[tilespmem:$0x12100] =	vst v63  }
0x48b: {  	_ =	swait.ge [sflag:s25], $0x3000  }
0x48c: {  	s28 =	sld [smem:$0x7F4]  }
0x48d: {  	[sflag:s25] =	ssyncset.done $0x0  }
0x48e: {  	[sflag:s25] =	ssyncadd.s32 $0xFFFFD000  }
0x48f: {  	[tilespmem:s24], [sflag:$0x3] =	stream.linear.gather [hbm4b:s28+s4], $0x20, $0x38;
	[tilespmem:$0x12100] =	vst v63  }
0x490: {  	_ =	swait.ge [sflag:s25], $0x20  }
0x491: {  	[sflag:s25] =	ssyncset.done $0x0  }
0x492: {  	[sflag:s25] =	ssyncadd.s32 $0xFFFFFFE0  }
0x493: {  	v3 =	vld [tilespmem:$0x80];
	_ =	sdelay $0x4  }
0x494: {  	v46 =	vshrl.u32 v3, $0x3  }
0x495: {  	v4 =	vmul.u32 $0x18, v46  }
0x496: {  	v3 =	vand.u32 $0x7, v3  }
0x497: {  	v3 =	vor.u32 v3, v4  }
0x498: {  	v4 =	vperm.xlane v3, v0;
	_ =	sdelay $0x1  }
0x499: {  	v4 =	vadd.s32 v1, v4;
	_ =	sdelay $0x1  }
0x49a: {  	v3 =	vperm.xlane v3, v2;
	_ =	sdelay $0x1  }
0x49b: {  	v3 =	vadd.s32 v1, v3  }
0x49c: {  	[tilespmem:s14], [sflag:$0x2] =	stream.indirect_vreg.gather [hbm4b:s2+s4], $0x80, v4, vm0, $0xb8;
	[tilespmem:$0x12100] =	vst v63  }
0x49d: {  	_ = 	snop  }
0x49e: {  	[tilespmem:s15], [sflag:$0x2] =	stream.indirect_vreg.gather [hbm4b:s23+s4], $0x80, v4, vm1, $0xb8;
	[tilespmem:$0x12100] =	vst v63  }
0x49f: {  	_ = 	snop  }
0x4a0: {  	[tilespmem:s16], [sflag:$0x2] =	stream.indirect_vreg.gather [hbm4b:s2+s4], $0x80, v3, vm0, $0xb8;
	[tilespmem:$0x12100] =	vst v63  }
0x4a1: {  	_ = 	snop  }
0x4a2: {  	[tilespmem:s17], [sflag:$0x2] =	stream.indirect_vreg.gather [hbm4b:s23+s4], $0x80, v3, vm1, $0xb8;
	[tilespmem:$0x12100] =	vst v63  }
0x4a3: {  	v3 =	vld [tilespmem:$0x90];
	_ =	sdelay $0x4  }
0x4a4: {  	v47 =	vshrl.u32 v3, $0x3  }
0x4a5: {  	v4 =	vmul.u32 $0x18, v47  }
0x4a6: {  	v3 =	vand.u32 $0x7, v3  }
0x4a7: {  	v3 =	vor.u32 v3, v4  }
0x4a8: {  	v4 =	vperm.xlane v3, v0;
	_ =	sdelay $0x1  }
0x4a9: {  	v4 =	vadd.s32 v1, v4;
	_ =	sdelay $0x1  }
0x4aa: {  	v3 =	vperm.xlane v3, v2;
	_ =	sdelay $0x1  }
0x4ab: {  	v3 =	vadd.s32 v1, v3  }
0x4ac: {  	[tilespmem:s18], [sflag:$0x2] =	stream.indirect_vreg.gather [hbm4b:s2+s4], $0x80, v4, vm0, $0xb8;
	[tilespmem:$0x12100] =	vst v63  }
0x4ad: {  	_ = 	snop  }
0x4ae: {  	[tilespmem:s19], [sflag:$0x2] =	stream.indirect_vreg.gather [hbm4b:s23+s4], $0x80, v4, vm1, $0xb8;
	[tilespmem:$0x12100] =	vst v63  }
0x4af: {  	_ = 	snop  }
0x4b0: {  	[tilespmem:s20], [sflag:$0x2] =	stream.indirect_vreg.gather [hbm4b:s2+s4], $0x80, v3, vm0, $0xb8;
	[tilespmem:$0x12100] =	vst v63  }
0x4b1: {  	_ = 	snop  }
0x4b2: {  	[tilespmem:s21], [sflag:$0x2] =	stream.indirect_vreg.gather [hbm4b:s23+s4], $0x80, v3, vm1, $0xb8;
	[tilespmem:$0x12100] =	vst v63  }
0x4b3: {  	_ =	swait.ge [sflag:s30], $0x3000  }
0x4b4: {  	[sflag:s30] =	ssyncset.done $0x0  }
0x4b5: {  	s29 =	rddreg [dreg:$0x1c];
	[sflag:s30] =	ssyncadd.s32 $0xFFFFD000  }
0x4b6: {  	[hbm4b:s29+s4] =	stream.linear.scatter [tilespmem:s3], [sflag:$0x3], $0x3000, $0x38;
	[tilespmem:$0x12100] =	vst v63  }
0x4b7: {  	_ =	swait.ge [sflag:s25], $0x3000  }
0x4b8: {  	s0 =	sld [smem:$0x7F5]  }
0x4b9: {  	[sflag:s25] =	ssyncset.done $0x0  }
0x4ba: {  	[sflag:s25] =	ssyncadd.s32 $0xFFFFD000  }
0x4bb: {  	[tilespmem:s4], [sflag:$0x3] =	stream.linear.gather [hbm4b:s0+s4], $0x20, $0x38;
	[tilespmem:$0x12100] =	vst v63  }
0x4bc: {  	_ =	swait.ge [sflag:s25], $0x20  }
0x4bd: {  	[sflag:s25] =	ssyncset.done $0x0  }
0x4be: {  	[sflag:s25] =	ssyncadd.s32 $0xFFFFFFE0  }
0x4bf: {  	v3 =	vld [tilespmem:$0x0];
	_ =	sdelay $0x4  }
0x4c0: {  	v48 =	vshrl.u32 v3, $0x3  }
0x4c1: {  	v4 =	vmul.u32 $0x18, v48  }
0x4c2: {  	v3 =	vand.u32 $0x7, v3  }
0x4c3: {  	v3 =	vor.u32 v3, v4  }
0x4c4: {  	v4 =	vperm.xlane v3, v0;
	_ =	sdelay $0x1  }
0x4c5: {  	v4 =	vadd.s32 v1, v4;
	_ =	sdelay $0x1  }
0x4c6: {  	v3 =	vperm.xlane v3, v2;
	_ =	sdelay $0x1  }
0x4c7: {  	v3 =	vadd.s32 v1, v3  }
0x4c8: {  	[tilespmem:s3], [sflag:$0x1] =	stream.indirect_vreg.gather [hbm4b:s2+s4], $0x80, v4, vm0, $0xb8;
	[tilespmem:$0x12100] =	vst v63  }
0x4c9: {  	_ = 	snop  }
0x4ca: {  	[tilespmem:s5], [sflag:$0x1] =	stream.indirect_vreg.gather [hbm4b:s23+s4], $0x80, v4, vm1, $0xb8;
	[tilespmem:$0x12100] =	vst v63  }
0x4cb: {  	_ = 	snop  }
0x4cc: {  	[tilespmem:s8], [sflag:$0x1] =	stream.indirect_vreg.gather [hbm4b:s2+s4], $0x80, v3, vm0, $0xb8;
	[tilespmem:$0x12100] =	vst v63  }
0x4cd: {  	_ = 	snop  }
0x4ce: {  	[tilespmem:s9], [sflag:$0x1] =	stream.indirect_vreg.gather [hbm4b:s23+s4], $0x80, v3, vm1, $0xb8;
	[tilespmem:$0x12100] =	vst v63  }
0x4cf: {  	v3 =	vld [tilespmem:$0x10];
	_ =	sdelay $0x4  }
0x4d0: {  	v49 =	vshrl.u32 v3, $0x3  }
0x4d1: {  	v4 =	vmul.u32 $0x18, v49  }
0x4d2: {  	v3 =	vand.u32 $0x7, v3  }
0x4d3: {  	v3 =	vor.u32 v3, v4  }
0x4d4: {  	v4 =	vperm.xlane v3, v0;
	_ =	sdelay $0x1  }
0x4d5: {  	v4 =	vadd.s32 v1, v4;
	_ =	sdelay $0x1  }
0x4d6: {  	v3 =	vperm.xlane v3, v2;
	_ =	sdelay $0x1  }
0x4d7: {  	v3 =	vadd.s32 v1, v3  }
0x4d8: {  	[tilespmem:s10], [sflag:$0x1] =	stream.indirect_vreg.gather [hbm4b:s2+s4], $0x80, v4, vm0, $0xb8;
	[tilespmem:$0x12100] =	vst v63  }
0x4d9: {  	_ = 	snop  }
0x4da: {  	[tilespmem:s11], [sflag:$0x1] =	stream.indirect_vreg.gather [hbm4b:s23+s4], $0x80, v4, vm1, $0xb8;
	[tilespmem:$0x12100] =	vst v63  }
0x4db: {  	_ = 	snop  }
0x4dc: {  	[tilespmem:s12], [sflag:$0x1] =	stream.indirect_vreg.gather [hbm4b:s2+s4], $0x80, v3, vm0, $0xb8;
	[tilespmem:$0x12100] =	vst v63  }
0x4dd: {  	_ = 	snop  }
0x4de: {  	[tilespmem:s13], [sflag:$0x1] =	stream.indirect_vreg.gather [hbm4b:s23+s4], $0x80, v3, vm1, $0xb8;
	[tilespmem:$0x12100] =	vst v63  }
0x4df: {  	_ =	swait.ge [sflag:s31], $0x3000  }
0x4e0: {  	[sflag:s31] =	ssyncset.done $0x0  }
0x4e1: {  	s26 =	rddreg [dreg:$0x1d];
	[sflag:s31] =	ssyncadd.s32 $0xFFFFD000  }
0x4e2: {  	[hbm4b:s26+s4] =	stream.linear.scatter [tilespmem:s14], [sflag:$0x3], $0x3000, $0x38;
	[tilespmem:$0x12100] =	vst v63  }
0x4e3: {  	_ =	swait.ge [sflag:s25], $0x3000  }
0x4e4: {  	s28 =	sld [smem:$0x7F6]  }
0x4e5: {  	[sflag:s25] =	ssyncset.done $0x0  }
0x4e6: {  	[sflag:s25] =	ssyncadd.s32 $0xFFFFD000  }
0x4e7: {  	[tilespmem:s24], [sflag:$0x3] =	stream.linear.gather [hbm4b:s28+s4], $0x20, $0x38;
	[tilespmem:$0x12100] =	vst v63  }
0x4e8: {  	_ =	swait.ge [sflag:s25], $0x20  }
0x4e9: {  	[sflag:s25] =	ssyncset.done $0x0  }
0x4ea: {  	[sflag:s25] =	ssyncadd.s32 $0xFFFFFFE0  }
0x4eb: {  	v3 =	vld [tilespmem:$0x80];
	_ =	sdelay $0x4  }
0x4ec: {  	v50 =	vshrl.u32 v3, $0x3  }
0x4ed: {  	v4 =	vmul.u32 $0x18, v50  }
0x4ee: {  	v3 =	vand.u32 $0x7, v3  }
0x4ef: {  	v3 =	vor.u32 v3, v4  }
0x4f0: {  	v4 =	vperm.xlane v3, v0;
	_ =	sdelay $0x1  }
0x4f1: {  	v4 =	vadd.s32 v1, v4;
	_ =	sdelay $0x1  }
0x4f2: {  	v3 =	vperm.xlane v3, v2;
	_ =	sdelay $0x1  }
0x4f3: {  	v3 =	vadd.s32 v1, v3  }
0x4f4: {  	[tilespmem:s14], [sflag:$0x2] =	stream.indirect_vreg.gather [hbm4b:s2+s4], $0x80, v4, vm0, $0xb8;
	[tilespmem:$0x12100] =	vst v63  }
0x4f5: {  	_ = 	snop  }
0x4f6: {  	[tilespmem:s15], [sflag:$0x2] =	stream.indirect_vreg.gather [hbm4b:s23+s4], $0x80, v4, vm1, $0xb8;
	[tilespmem:$0x12100] =	vst v63  }
0x4f7: {  	_ = 	snop  }
0x4f8: {  	[tilespmem:s16], [sflag:$0x2] =	stream.indirect_vreg.gather [hbm4b:s2+s4], $0x80, v3, vm0, $0xb8;
	[tilespmem:$0x12100] =	vst v63  }
0x4f9: {  	_ = 	snop  }
0x4fa: {  	[tilespmem:s17], [sflag:$0x2] =	stream.indirect_vreg.gather [hbm4b:s23+s4], $0x80, v3, vm1, $0xb8;
	[tilespmem:$0x12100] =	vst v63  }
0x4fb: {  	v3 =	vld [tilespmem:$0x90];
	_ =	sdelay $0x4  }
0x4fc: {  	v51 =	vshrl.u32 v3, $0x3  }
0x4fd: {  	v4 =	vmul.u32 $0x18, v51  }
0x4fe: {  	v3 =	vand.u32 $0x7, v3  }
0x4ff: {  	v3 =	vor.u32 v3, v4  }
0x500: {  	v4 =	vperm.xlane v3, v0;
	_ =	sdelay $0x1  }
0x501: {  	v4 =	vadd.s32 v1, v4;
	_ =	sdelay $0x1  }
0x502: {  	v3 =	vperm.xlane v3, v2;
	_ =	sdelay $0x1  }
0x503: {  	v3 =	vadd.s32 v1, v3  }
0x504: {  	[tilespmem:s18], [sflag:$0x2] =	stream.indirect_vreg.gather [hbm4b:s2+s4], $0x80, v4, vm0, $0xb8;
	[tilespmem:$0x12100] =	vst v63  }
0x505: {  	_ = 	snop  }
0x506: {  	[tilespmem:s19], [sflag:$0x2] =	stream.indirect_vreg.gather [hbm4b:s23+s4], $0x80, v4, vm1, $0xb8;
	[tilespmem:$0x12100] =	vst v63  }
0x507: {  	_ = 	snop  }
0x508: {  	[tilespmem:s20], [sflag:$0x2] =	stream.indirect_vreg.gather [hbm4b:s2+s4], $0x80, v3, vm0, $0xb8;
	[tilespmem:$0x12100] =	vst v63  }
0x509: {  	_ = 	snop  }
0x50a: {  	[tilespmem:s21], [sflag:$0x2] =	stream.indirect_vreg.gather [hbm4b:s23+s4], $0x80, v3, vm1, $0xb8;
	[tilespmem:$0x12100] =	vst v63  }
0x50b: {  	_ =	swait.ge [sflag:s30], $0x3000  }
0x50c: {  	[sflag:s30] =	ssyncset.done $0x0  }
0x50d: {  	s29 =	rddreg [dreg:$0x1e];
	[sflag:s30] =	ssyncadd.s32 $0xFFFFD000  }
0x50e: {  	[hbm4b:s29+s4] =	stream.linear.scatter [tilespmem:s3], [sflag:$0x3], $0x3000, $0x38;
	[tilespmem:$0x12100] =	vst v63  }
0x50f: {  	_ =	swait.ge [sflag:s25], $0x3000  }
0x510: {  	s0 =	sld [smem:$0x7F7]  }
0x511: {  	[sflag:s25] =	ssyncset.done $0x0  }
0x512: {  	[sflag:s25] =	ssyncadd.s32 $0xFFFFD000  }
0x513: {  	[tilespmem:s4], [sflag:$0x3] =	stream.linear.gather [hbm4b:s0+s4], $0x20, $0x38;
	[tilespmem:$0x12100] =	vst v63  }
0x514: {  	_ =	swait.ge [sflag:s25], $0x20  }
0x515: {  	[sflag:s25] =	ssyncset.done $0x0  }
0x516: {  	[sflag:s25] =	ssyncadd.s32 $0xFFFFFFE0  }
0x517: {  	v3 =	vld [tilespmem:$0x0];
	_ =	sdelay $0x4  }
0x518: {  	v52 =	vshrl.u32 v3, $0x3  }
0x519: {  	v4 =	vmul.u32 $0x18, v52  }
0x51a: {  	v3 =	vand.u32 $0x7, v3  }
0x51b: {  	v3 =	vor.u32 v3, v4  }
0x51c: {  	v4 =	vperm.xlane v3, v0;
	_ =	sdelay $0x1  }
0x51d: {  	v4 =	vadd.s32 v1, v4;
	_ =	sdelay $0x1  }
0x51e: {  	v3 =	vperm.xlane v3, v2;
	_ =	sdelay $0x1  }
0x51f: {  	v3 =	vadd.s32 v1, v3  }
0x520: {  	[tilespmem:s3], [sflag:$0x1] =	stream.indirect_vreg.gather [hbm4b:s2+s4], $0x80, v4, vm0, $0xb8;
	[tilespmem:$0x12100] =	vst v63  }
0x521: {  	_ = 	snop  }
0x522: {  	[tilespmem:s5], [sflag:$0x1] =	stream.indirect_vreg.gather [hbm4b:s23+s4], $0x80, v4, vm1, $0xb8;
	[tilespmem:$0x12100] =	vst v63  }
0x523: {  	_ = 	snop  }
0x524: {  	[tilespmem:s8], [sflag:$0x1] =	stream.indirect_vreg.gather [hbm4b:s2+s4], $0x80, v3, vm0, $0xb8;
	[tilespmem:$0x12100] =	vst v63  }
0x525: {  	_ = 	snop  }
0x526: {  	[tilespmem:s9], [sflag:$0x1] =	stream.indirect_vreg.gather [hbm4b:s23+s4], $0x80, v3, vm1, $0xb8;
	[tilespmem:$0x12100] =	vst v63  }
0x527: {  	v3 =	vld [tilespmem:$0x10];
	_ =	sdelay $0x4  }
0x528: {  	v53 =	vshrl.u32 v3, $0x3  }
0x529: {  	v4 =	vmul.u32 $0x18, v53  }
0x52a: {  	v3 =	vand.u32 $0x7, v3  }
0x52b: {  	v3 =	vor.u32 v3, v4  }
0x52c: {  	v4 =	vperm.xlane v3, v0;
	_ =	sdelay $0x1  }
0x52d: {  	v4 =	vadd.s32 v1, v4;
	_ =	sdelay $0x1  }
0x52e: {  	v3 =	vperm.xlane v3, v2;
	_ =	sdelay $0x1  }
0x52f: {  	v3 =	vadd.s32 v1, v3  }
0x530: {  	[tilespmem:s10], [sflag:$0x1] =	stream.indirect_vreg.gather [hbm4b:s2+s4], $0x80, v4, vm0, $0xb8;
	[tilespmem:$0x12100] =	vst v63  }
0x531: {  	_ = 	snop  }
0x532: {  	[tilespmem:s11], [sflag:$0x1] =	stream.indirect_vreg.gather [hbm4b:s23+s4], $0x80, v4, vm1, $0xb8;
	[tilespmem:$0x12100] =	vst v63  }
0x533: {  	_ = 	snop  }
0x534: {  	[tilespmem:s12], [sflag:$0x1] =	stream.indirect_vreg.gather [hbm4b:s2+s4], $0x80, v3, vm0, $0xb8;
	[tilespmem:$0x12100] =	vst v63  }
0x535: {  	_ = 	snop  }
0x536: {  	[tilespmem:s13], [sflag:$0x1] =	stream.indirect_vreg.gather [hbm4b:s23+s4], $0x80, v3, vm1, $0xb8;
	[tilespmem:$0x12100] =	vst v63  }
0x537: {  	_ =	swait.ge [sflag:s31], $0x3000  }
0x538: {  	[sflag:s31] =	ssyncset.done $0x0  }
0x539: {  	s26 =	rddreg [dreg:$0x1f];
	[sflag:s31] =	ssyncadd.s32 $0xFFFFD000  }
0x53a: {  	[hbm4b:s26+s4] =	stream.linear.scatter [tilespmem:s14], [sflag:$0x3], $0x3000, $0x38;
	[tilespmem:$0x12100] =	vst v63  }
0x53b: {  	_ =	swait.ge [sflag:s25], $0x3000  }
0x53c: {  	s28 =	sld [smem:$0x7F8]  }
0x53d: {  	[sflag:s25] =	ssyncset.done $0x0  }
0x53e: {  	[sflag:s25] =	ssyncadd.s32 $0xFFFFD000  }
0x53f: {  	[tilespmem:s24], [sflag:$0x3] =	stream.linear.gather [hbm4b:s28+s4], $0x20, $0x38;
	[tilespmem:$0x12100] =	vst v63  }
0x540: {  	_ =	swait.ge [sflag:s25], $0x20  }
0x541: {  	[sflag:s25] =	ssyncset.done $0x0  }
0x542: {  	[sflag:s25] =	ssyncadd.s32 $0xFFFFFFE0  }
0x543: {  	v3 =	vld [tilespmem:$0x80];
	_ =	sdelay $0x4  }
0x544: {  	v54 =	vshrl.u32 v3, $0x3  }
0x545: {  	v4 =	vmul.u32 $0x18, v54  }
0x546: {  	v3 =	vand.u32 $0x7, v3  }
0x547: {  	v3 =	vor.u32 v3, v4  }
0x548: {  	v4 =	vperm.xlane v3, v0;
	_ =	sdelay $0x1  }
0x549: {  	v4 =	vadd.s32 v1, v4;
	_ =	sdelay $0x1  }
0x54a: {  	v3 =	vperm.xlane v3, v2;
	_ =	sdelay $0x1  }
0x54b: {  	v3 =	vadd.s32 v1, v3  }
0x54c: {  	[tilespmem:s14], [sflag:$0x2] =	stream.indirect_vreg.gather [hbm4b:s2+s4], $0x80, v4, vm0, $0xb8;
	[tilespmem:$0x12100] =	vst v63  }
0x54d: {  	_ = 	snop  }
0x54e: {  	[tilespmem:s15], [sflag:$0x2] =	stream.indirect_vreg.gather [hbm4b:s23+s4], $0x80, v4, vm1, $0xb8;
	[tilespmem:$0x12100] =	vst v63  }
0x54f: {  	_ = 	snop  }
0x550: {  	[tilespmem:s16], [sflag:$0x2] =	stream.indirect_vreg.gather [hbm4b:s2+s4], $0x80, v3, vm0, $0xb8;
	[tilespmem:$0x12100] =	vst v63  }
0x551: {  	_ = 	snop  }
0x552: {  	[tilespmem:s17], [sflag:$0x2] =	stream.indirect_vreg.gather [hbm4b:s23+s4], $0x80, v3, vm1, $0xb8;
	[tilespmem:$0x12100] =	vst v63  }
0x553: {  	v3 =	vld [tilespmem:$0x90];
	_ =	sdelay $0x4  }
0x554: {  	v55 =	vshrl.u32 v3, $0x3  }
0x555: {  	v4 =	vmul.u32 $0x18, v55  }
0x556: {  	v3 =	vand.u32 $0x7, v3  }
0x557: {  	v3 =	vor.u32 v3, v4  }
0x558: {  	v4 =	vperm.xlane v3, v0;
	_ =	sdelay $0x1  }
0x559: {  	v4 =	vadd.s32 v1, v4;
	_ =	sdelay $0x1  }
0x55a: {  	v3 =	vperm.xlane v3, v2;
	_ =	sdelay $0x1  }
0x55b: {  	v3 =	vadd.s32 v1, v3  }
0x55c: {  	[tilespmem:s18], [sflag:$0x2] =	stream.indirect_vreg.gather [hbm4b:s2+s4], $0x80, v4, vm0, $0xb8;
	[tilespmem:$0x12100] =	vst v63  }
0x55d: {  	_ = 	snop  }
0x55e: {  	[tilespmem:s19], [sflag:$0x2] =	stream.indirect_vreg.gather [hbm4b:s23+s4], $0x80, v4, vm1, $0xb8;
	[tilespmem:$0x12100] =	vst v63  }
0x55f: {  	_ = 	snop  }
0x560: {  	[tilespmem:s20], [sflag:$0x2] =	stream.indirect_vreg.gather [hbm4b:s2+s4], $0x80, v3, vm0, $0xb8;
	[tilespmem:$0x12100] =	vst v63  }
0x561: {  	_ = 	snop  }
0x562: {  	[tilespmem:s21], [sflag:$0x2] =	stream.indirect_vreg.gather [hbm4b:s23+s4], $0x80, v3, vm1, $0xb8;
	[tilespmem:$0x12100] =	vst v63  }
0x563: {  	_ =	swait.ge [sflag:s30], $0x3000  }
0x564: {  	s29 =	sld [smem:$0x7E8]  }
0x565: {  	[sflag:s30] =	ssyncset.done $0x0  }
0x566: {  	[sflag:s30] =	ssyncadd.s32 $0xFFFFD000  }
0x567: {  	[hbm4b:s29+s4] =	stream.linear.scatter [tilespmem:s3], [sflag:$0x3], $0x3000, $0x38;
	[tilespmem:$0x12100] =	vst v63  }
0x568: {  	_ =	swait.ge [sflag:s25], $0x3000  }
0x569: {  	s0 =	sld [smem:$0x7F9]  }
0x56a: {  	[sflag:s25] =	ssyncset.done $0x0  }
0x56b: {  	[sflag:s25] =	ssyncadd.s32 $0xFFFFD000  }
0x56c: {  	[tilespmem:s4], [sflag:$0x3] =	stream.linear.gather [hbm4b:s0+s4], $0x20, $0x38;
	[tilespmem:$0x12100] =	vst v63  }
0x56d: {  	_ =	swait.ge [sflag:s25], $0x20  }
0x56e: {  	[sflag:s25] =	ssyncset.done $0x0  }
0x56f: {  	[sflag:s25] =	ssyncadd.s32 $0xFFFFFFE0  }
0x570: {  	v3 =	vld [tilespmem:$0x0];
	_ =	sdelay $0x4  }
0x571: {  	v56 =	vshrl.u32 v3, $0x3  }
0x572: {  	v4 =	vmul.u32 $0x18, v56  }
0x573: {  	v3 =	vand.u32 $0x7, v3  }
0x574: {  	v3 =	vor.u32 v3, v4  }
0x575: {  	v4 =	vperm.xlane v3, v0;
	_ =	sdelay $0x1  }
0x576: {  	v4 =	vadd.s32 v1, v4;
	_ =	sdelay $0x1  }
0x577: {  	v3 =	vperm.xlane v3, v2;
	_ =	sdelay $0x1  }
0x578: {  	v3 =	vadd.s32 v1, v3  }
0x579: {  	[tilespmem:s3], [sflag:$0x1] =	stream.indirect_vreg.gather [hbm4b:s2+s4], $0x80, v4, vm0, $0xb8;
	[tilespmem:$0x12100] =	vst v63  }
0x57a: {  	_ = 	snop  }
0x57b: {  	[tilespmem:s5], [sflag:$0x1] =	stream.indirect_vreg.gather [hbm4b:s23+s4], $0x80, v4, vm1, $0xb8;
	[tilespmem:$0x12100] =	vst v63  }
0x57c: {  	_ = 	snop  }
0x57d: {  	[tilespmem:s8], [sflag:$0x1] =	stream.indirect_vreg.gather [hbm4b:s2+s4], $0x80, v3, vm0, $0xb8;
	[tilespmem:$0x12100] =	vst v63  }
0x57e: {  	_ = 	snop  }
0x57f: {  	[tilespmem:s9], [sflag:$0x1] =	stream.indirect_vreg.gather [hbm4b:s23+s4], $0x80, v3, vm1, $0xb8;
	[tilespmem:$0x12100] =	vst v63  }
0x580: {  	v3 =	vld [tilespmem:$0x10];
	_ =	sdelay $0x4  }
0x581: {  	v57 =	vshrl.u32 v3, $0x3  }
0x582: {  	v4 =	vmul.u32 $0x18, v57  }
0x583: {  	v3 =	vand.u32 $0x7, v3  }
0x584: {  	v3 =	vor.u32 v3, v4  }
0x585: {  	v4 =	vperm.xlane v3, v0;
	_ =	sdelay $0x1  }
0x586: {  	v4 =	vadd.s32 v1, v4;
	_ =	sdelay $0x1  }
0x587: {  	v3 =	vperm.xlane v3, v2;
	_ =	sdelay $0x1  }
0x588: {  	v3 =	vadd.s32 v1, v3  }
0x589: {  	[tilespmem:s10], [sflag:$0x1] =	stream.indirect_vreg.gather [hbm4b:s2+s4], $0x80, v4, vm0, $0xb8;
	[tilespmem:$0x12100] =	vst v63  }
0x58a: {  	_ = 	snop  }
0x58b: {  	[tilespmem:s11], [sflag:$0x1] =	stream.indirect_vreg.gather [hbm4b:s23+s4], $0x80, v4, vm1, $0xb8;
	[tilespmem:$0x12100] =	vst v63  }
0x58c: {  	_ = 	snop  }
0x58d: {  	[tilespmem:s12], [sflag:$0x1] =	stream.indirect_vreg.gather [hbm4b:s2+s4], $0x80, v3, vm0, $0xb8;
	[tilespmem:$0x12100] =	vst v63  }
0x58e: {  	_ = 	snop  }
0x58f: {  	[tilespmem:s13], [sflag:$0x1] =	stream.indirect_vreg.gather [hbm4b:s23+s4], $0x80, v3, vm1, $0xb8;
	[tilespmem:$0x12100] =	vst v63  }
0x590: {  	_ =	swait.ge [sflag:s31], $0x3000  }
0x591: {  	s26 =	sld [smem:$0x7E9]  }
0x592: {  	[sflag:s31] =	ssyncset.done $0x0  }
0x593: {  	[sflag:s31] =	ssyncadd.s32 $0xFFFFD000  }
0x594: {  	[hbm4b:s26+s4] =	stream.linear.scatter [tilespmem:s14], [sflag:$0x3], $0x3000, $0x38;
	[tilespmem:$0x12100] =	vst v63  }
0x595: {  	_ =	swait.ge [sflag:s25], $0x3000  }
0x596: {  	s28 =	sld [smem:$0x7FA]  }
0x597: {  	[sflag:s25] =	ssyncset.done $0x0  }
0x598: {  	[sflag:s25] =	ssyncadd.s32 $0xFFFFD000  }
0x599: {  	[tilespmem:s24], [sflag:$0x3] =	stream.linear.gather [hbm4b:s28+s4], $0x20, $0x38;
	[tilespmem:$0x12100] =	vst v63  }
0x59a: {  	_ =	swait.ge [sflag:s25], $0x20  }
0x59b: {  	[sflag:s25] =	ssyncset.done $0x0  }
0x59c: {  	[sflag:s25] =	ssyncadd.s32 $0xFFFFFFE0  }
0x59d: {  	v3 =	vld [tilespmem:$0x80];
	_ =	sdelay $0x4  }
0x59e: {  	v58 =	vshrl.u32 v3, $0x3  }
0x59f: {  	v4 =	vmul.u32 $0x18, v58  }
0x5a0: {  	v3 =	vand.u32 $0x7, v3  }
0x5a1: {  	v3 =	vor.u32 v3, v4  }
0x5a2: {  	v4 =	vperm.xlane v3, v0;
	_ =	sdelay $0x1  }
0x5a3: {  	v4 =	vadd.s32 v1, v4;
	_ =	sdelay $0x1  }
0x5a4: {  	v3 =	vperm.xlane v3, v2;
	_ =	sdelay $0x1  }
0x5a5: {  	v3 =	vadd.s32 v1, v3  }
0x5a6: {  	[tilespmem:s14], [sflag:$0x2] =	stream.indirect_vreg.gather [hbm4b:s2+s4], $0x80, v4, vm0, $0xb8;
	[tilespmem:$0x12100] =	vst v63  }
0x5a7: {  	_ = 	snop  }
0x5a8: {  	[tilespmem:s15], [sflag:$0x2] =	stream.indirect_vreg.gather [hbm4b:s23+s4], $0x80, v4, vm1, $0xb8;
	[tilespmem:$0x12100] =	vst v63  }
0x5a9: {  	_ = 	snop  }
0x5aa: {  	[tilespmem:s16], [sflag:$0x2] =	stream.indirect_vreg.gather [hbm4b:s2+s4], $0x80, v3, vm0, $0xb8;
	[tilespmem:$0x12100] =	vst v63  }
0x5ab: {  	_ = 	snop  }
0x5ac: {  	[tilespmem:s17], [sflag:$0x2] =	stream.indirect_vreg.gather [hbm4b:s23+s4], $0x80, v3, vm1, $0xb8;
	[tilespmem:$0x12100] =	vst v63  }
0x5ad: {  	v3 =	vld [tilespmem:$0x90];
	_ =	sdelay $0x4  }
0x5ae: {  	v59 =	vshrl.u32 v3, $0x3  }
0x5af: {  	v4 =	vmul.u32 $0x18, v59  }
0x5b0: {  	v3 =	vand.u32 $0x7, v3  }
0x5b1: {  	v3 =	vor.u32 v3, v4  }
0x5b2: {  	v4 =	vperm.xlane v3, v0;
	_ =	sdelay $0x1  }
0x5b3: {  	v4 =	vadd.s32 v1, v4;
	_ =	sdelay $0x1  }
0x5b4: {  	v3 =	vperm.xlane v3, v2;
	_ =	sdelay $0x1  }
0x5b5: {  	v3 =	vadd.s32 v1, v3  }
0x5b6: {  	[tilespmem:s18], [sflag:$0x2] =	stream.indirect_vreg.gather [hbm4b:s2+s4], $0x80, v4, vm0, $0xb8;
	[tilespmem:$0x12100] =	vst v63  }
0x5b7: {  	_ = 	snop  }
0x5b8: {  	[tilespmem:s19], [sflag:$0x2] =	stream.indirect_vreg.gather [hbm4b:s23+s4], $0x80, v4, vm1, $0xb8;
	[tilespmem:$0x12100] =	vst v63  }
0x5b9: {  	_ = 	snop  }
0x5ba: {  	[tilespmem:s20], [sflag:$0x2] =	stream.indirect_vreg.gather [hbm4b:s2+s4], $0x80, v3, vm0, $0xb8;
	[tilespmem:$0x12100] =	vst v63  }
0x5bb: {  	_ = 	snop  }
0x5bc: {  	[tilespmem:s21], [sflag:$0x2] =	stream.indirect_vreg.gather [hbm4b:s23+s4], $0x80, v3, vm1, $0xb8;
	[tilespmem:$0x12100] =	vst v63  }
0x5bd: {  	_ =	swait.ge [sflag:s30], $0x3000  }
0x5be: {  	s29 =	sld [smem:$0x7EA]  }
0x5bf: {  	[sflag:s30] =	ssyncset.done $0x0  }
0x5c0: {  	[sflag:s30] =	ssyncadd.s32 $0xFFFFD000  }
0x5c1: {  	[hbm4b:s29+s4] =	stream.linear.scatter [tilespmem:s3], [sflag:$0x3], $0x3000, $0x38;
	[tilespmem:$0x12100] =	vst v63  }
0x5c2: {  	_ =	swait.ge [sflag:s25], $0x3000  }
0x5c3: {  	s0 =	sld [smem:$0x7FB]  }
0x5c4: {  	[sflag:s25] =	ssyncset.done $0x0  }
0x5c5: {  	[sflag:s25] =	ssyncadd.s32 $0xFFFFD000  }
0x5c6: {  	[tilespmem:s4], [sflag:$0x3] =	stream.linear.gather [hbm4b:s0+s4], $0x20, $0x38;
	[tilespmem:$0x12100] =	vst v63  }
0x5c7: {  	_ =	swait.ge [sflag:s25], $0x20  }
0x5c8: {  	[sflag:s25] =	ssyncset.done $0x0  }
0x5c9: {  	[sflag:s25] =	ssyncadd.s32 $0xFFFFFFE0  }
0x5ca: {  	v3 =	vld [tilespmem:$0x0];
	_ =	sdelay $0x4  }
0x5cb: {  	v60 =	vshrl.u32 v3, $0x3  }
0x5cc: {  	v4 =	vmul.u32 $0x18, v60  }
0x5cd: {  	v3 =	vand.u32 $0x7, v3  }
0x5ce: {  	v3 =	vor.u32 v3, v4  }
0x5cf: {  	v4 =	vperm.xlane v3, v0;
	_ =	sdelay $0x1  }
0x5d0: {  	v4 =	vadd.s32 v1, v4;
	_ =	sdelay $0x1  }
0x5d1: {  	v3 =	vperm.xlane v3, v2;
	_ =	sdelay $0x1  }
0x5d2: {  	v3 =	vadd.s32 v1, v3  }
0x5d3: {  	[tilespmem:s3], [sflag:$0x1] =	stream.indirect_vreg.gather [hbm4b:s2+s4], $0x80, v4, vm0, $0xb8;
	[tilespmem:$0x12100] =	vst v63  }
0x5d4: {  	_ = 	snop  }
0x5d5: {  	[tilespmem:s5], [sflag:$0x1] =	stream.indirect_vreg.gather [hbm4b:s23+s4], $0x80, v4, vm1, $0xb8;
	[tilespmem:$0x12100] =	vst v63  }
0x5d6: {  	_ = 	snop  }
0x5d7: {  	[tilespmem:s8], [sflag:$0x1] =	stream.indirect_vreg.gather [hbm4b:s2+s4], $0x80, v3, vm0, $0xb8;
	[tilespmem:$0x12100] =	vst v63  }
0x5d8: {  	_ = 	snop  }
0x5d9: {  	[tilespmem:s9], [sflag:$0x1] =	stream.indirect_vreg.gather [hbm4b:s23+s4], $0x80, v3, vm1, $0xb8;
	[tilespmem:$0x12100] =	vst v63  }
0x5da: {  	v3 =	vld [tilespmem:$0x10];
	_ =	sdelay $0x4  }
0x5db: {  	v61 =	vshrl.u32 v3, $0x3  }
0x5dc: {  	v4 =	vmul.u32 $0x18, v61  }
0x5dd: {  	v3 =	vand.u32 $0x7, v3  }
0x5de: {  	v3 =	vor.u32 v3, v4  }
0x5df: {  	v4 =	vperm.xlane v3, v0;
	_ =	sdelay $0x1  }
0x5e0: {  	v4 =	vadd.s32 v1, v4;
	_ =	sdelay $0x1  }
0x5e1: {  	v3 =	vperm.xlane v3, v2;
	_ =	sdelay $0x1  }
0x5e2: {  	v3 =	vadd.s32 v1, v3  }
0x5e3: {  	[tilespmem:s10], [sflag:$0x1] =	stream.indirect_vreg.gather [hbm4b:s2+s4], $0x80, v4, vm0, $0xb8;
	[tilespmem:$0x12100] =	vst v63  }
0x5e4: {  	_ = 	snop  }
0x5e5: {  	[tilespmem:s11], [sflag:$0x1] =	stream.indirect_vreg.gather [hbm4b:s23+s4], $0x80, v4, vm1, $0xb8;
	[tilespmem:$0x12100] =	vst v63  }
0x5e6: {  	_ = 	snop  }
0x5e7: {  	[tilespmem:s12], [sflag:$0x1] =	stream.indirect_vreg.gather [hbm4b:s2+s4], $0x80, v3, vm0, $0xb8;
	[tilespmem:$0x12100] =	vst v63  }
0x5e8: {  	_ = 	snop  }
0x5e9: {  	[tilespmem:s13], [sflag:$0x1] =	stream.indirect_vreg.gather [hbm4b:s23+s4], $0x80, v3, vm1, $0xb8;
	[tilespmem:$0x12100] =	vst v63  }
0x5ea: {  	_ =	swait.ge [sflag:s31], $0x3000  }
0x5eb: {  	s13 =	sld [smem:$0x7EB]  }
0x5ec: {  	[sflag:s31] =	ssyncset.done $0x0  }
0x5ed: {  	[sflag:s31] =	ssyncadd.s32 $0xFFFFD000  }
0x5ee: {  	[hbm4b:s13+s4] =	stream.linear.scatter [tilespmem:s14], [sflag:$0x3], $0x3000, $0x38;
	[tilespmem:$0x12100] =	vst v63  }
0x5ef: {  	_ =	swait.ge [sflag:s25], $0x3000  }
0x5f0: {  	s22 =	sld [smem:$0x7FC]  }
0x5f1: {  	[sflag:s25] =	ssyncset.done $0x0  }
0x5f2: {  	[sflag:s25] =	ssyncadd.s32 $0xFFFFD000  }
0x5f3: {  	[tilespmem:s24], [sflag:$0x3] =	stream.linear.gather [hbm4b:s22+s4], $0x20, $0x38;
	[tilespmem:$0x12100] =	vst v63  }
0x5f4: {  	s24 =	sld [smem:$0x7E7];
	_ =	swait.ge [sflag:s25], $0x20  }
0x5f5: {  	[sflag:s25] =	ssyncset.done $0x0  }
0x5f6: {  	[sflag:s25] =	ssyncadd.s32 $0xFFFFFFE0  }
0x5f7: {  	v3 =	vld [tilespmem:$0x80];
	_ =	sdelay $0x4  }
0x5f8: {  	v62 =	vshrl.u32 v3, $0x3  }
0x5f9: {  	v4 =	vmul.u32 $0x18, v62  }
0x5fa: {  	v3 =	vand.u32 $0x7, v3  }
0x5fb: {  	v3 =	vor.u32 v3, v4  }
0x5fc: {  	v4 =	vperm.xlane v3, v0;
	_ =	sdelay $0x1  }
0x5fd: {  	v4 =	vadd.s32 v1, v4;
	_ =	sdelay $0x1  }
0x5fe: {  	v3 =	vperm.xlane v3, v2;
	_ =	sdelay $0x1  }
0x5ff: {  	v3 =	vadd.s32 v1, v3  }
0x600: {  	[tilespmem:s14], [sflag:$0x2] =	stream.indirect_vreg.gather [hbm4b:s2+s4], $0x80, v4, vm0, $0xb8;
	[tilespmem:$0x12100] =	vst v63  }
0x601: {  	_ = 	snop  }
0x602: {  	[tilespmem:s15], [sflag:$0x2] =	stream.indirect_vreg.gather [hbm4b:s23+s4], $0x80, v4, vm1, $0xb8;
	[tilespmem:$0x12100] =	vst v63  }
0x603: {  	_ = 	snop  }
0x604: {  	[tilespmem:s16], [sflag:$0x2] =	stream.indirect_vreg.gather [hbm4b:s2+s4], $0x80, v3, vm0, $0xb8;
	[tilespmem:$0x12100] =	vst v63  }
0x605: {  	_ = 	snop  }
0x606: {  	[tilespmem:s17], [sflag:$0x2] =	stream.indirect_vreg.gather [hbm4b:s23+s4], $0x80, v3, vm1, $0xb8;
	[tilespmem:$0x12100] =	vst v63  }
0x607: {  	v3 =	vld [tilespmem:$0x90];
	_ =	sdelay $0x4  }
0x608: {  	v63 =	vshrl.u32 v3, $0x3  }
0x609: {  	v4 =	vmul.u32 $0x18, v63  }
0x60a: {  	v3 =	vand.u32 $0x7, v3  }
0x60b: {  	v3 =	vor.u32 v3, v4  }
0x60c: {  	v4 =	vperm.xlane v3, v0;
	_ =	sdelay $0x1  }
0x60d: {  	v4 =	vadd.s32 v1, v4;
	_ =	sdelay $0x1  }
0x60e: {  	v3 =	vperm.xlane v3, v2;
	_ =	sdelay $0x1  }
0x60f: {  	v3 =	vadd.s32 v1, v3  }
0x610: {  	[tilespmem:s18], [sflag:$0x2] =	stream.indirect_vreg.gather [hbm4b:s2+s4], $0x80, v4, vm0, $0xb8;
	[tilespmem:$0x12100] =	vst v63  }
0x611: {  	_ = 	snop  }
0x612: {  	[tilespmem:s19], [sflag:$0x2] =	stream.indirect_vreg.gather [hbm4b:s23+s4], $0x80, v4, vm1, $0xb8;
	[tilespmem:$0x12100] =	vst v63  }
0x613: {  	_ = 	snop  }
0x614: {  	[tilespmem:s20], [sflag:$0x2] =	stream.indirect_vreg.gather [hbm4b:s2+s4], $0x80, v3, vm0, $0xb8;
	[tilespmem:$0x12100] =	vst v63  }
0x615: {  	_ = 	snop  }
0x616: {  	[tilespmem:s21], [sflag:$0x2] =	stream.indirect_vreg.gather [hbm4b:s23+s4], $0x80, v3, vm1, $0xb8;
	[tilespmem:$0x12100] =	vst v63  }
0x617: {  	_ =	swait.ge [sflag:s30], $0x3000  }
0x618: {  	s26 =	sld [smem:$0x7ED]  }
0x619: {  	[sflag:s30] =	ssyncset.done $0x0  }
0x61a: {  	[sflag:s30] =	ssyncadd.s32 $0xFFFFD000  }
0x61b: {  	[hbm4b:s26+s4] =	stream.linear.scatter [tilespmem:s3], [sflag:$0x3], $0x3000, $0x38;
	[tilespmem:$0x12100] =	vst v63  }
0x61c: {  	_ =	swait.ge [sflag:s25], $0x3000  }
0x61d: {  	[sflag:s25] =	ssyncset.done $0x0  }
0x61e: {  	[sflag:s25] =	ssyncadd.s32 $0xFFFFD000  }
0x61f: {  	_ =	swait.ge [sflag:s31], $0x3000  }
0x620: {  	s29 =	sld [smem:$0x7FD]  }
0x621: {  	p0 =	sne.s32 s24, $0x1;
	[sflag:s31] =	ssyncset.done $0x0  }
.Ltmp0:
0x622: {  	[sflag:s31] =	ssyncadd.s32 $0xFFFFD000;
	(pc) =	sbr.rel @p0 .LBB2_1-.Ltmp0, $4  }
0x623: {  	[hbm4b:s29+s4] =	stream.linear.scatter [tilespmem:s14], [sflag:$0x3], $0x3000, $0x38;
	[tilespmem:$0x12100] =	vst v63  }
0x624: {  	_ =	swait.ge [sflag:s25], $0x3000  }
0x625: {  	[sflag:s25] =	ssyncset.done $0x0  }
0x626: {  	s0 =	sadd.s32 $0xFFFFFFFF, s24;
	[sflag:s25] =	ssyncadd.s32 $0xFFFFD000  }
0x627: {  	_ =	sfence.sel $0x180000  }
0x628: {  	[bflag:$0x0] =	sbarrier.arrive $0xFFFF  }
0x629: {  	_ =	strace $0x90000047  }
0x62a: {  	s0 =	stileid.u32;
	[bflag:$0x2] =	sbarrier.arrive $0xFFFF  }
0x62b: {  	p0 =	sne.s32 s0, $0x0;
	s0 =	rddreg [dreg:$0x5]  }
0x62c: {  	s0 =	sadd.s32 @!p0 $0x100000, s0  }
0x62d: {  	[sflag:s0] =	ssyncadd.tile.s32 @!p0 $0x1;
	_ =	shalt  }
.Lfunc_end2:
_tile_overlayer_lowered:
.L_overlay_start_2:
0x62e: {  	(tag) =	ssettag $0x2  }
0x62f: {  	s0 =	rddreg [dreg:$0x0];
	s2 =	stileid.u32  }
0x630: {  	s1 =	rddreg [dreg:$0x1];
	p0 =	sne.s32 s2, $0x0  }
0x631: {  	s3 =	rddreg [dreg:$0x2];
	[bflag:$0x3] =	sbarrier.arrive $0xFFFF;
	s2 =	simm.s32 @!p0 $0x1C03  }
0x632: {  	[timem:s3], [sflag:s2] =	dma.local @!p0 [hbm:s0], s1  }
0x633: {  	s0 =	simm.s32 @!p0 $0x3  }
0x634: {  	_ =	swait.ge @!p0 [sflag:s0], s1  }
0x635: {  	s1 =	ssub.s32 @!p0 $0x0, s1;
	[sflag:s0] =	ssyncset.done @!p0 $0x0  }
0x636: {  	[sflag:s0] =	ssyncadd.s32 @!p0 s1  }
0x637: {  	[bflag:$0x3] =	sbarrier.arrive $0xFFFF  }
0x638: {  	_ =	shalt  }

</sc_bundles>
